<compile_context>
chip_gen: v7x
topology: tpu7x:2x2x1
jax: 0.10.2.dev20260603
libtpu: 0.0.44.dev20260713+nightly
codegen_flags: <defaults>
</compile_context>

<pallas_src>
import functools
import jax
import jax.numpy as jnp
from jax import lax
from jax.experimental import pallas as pl
from jax.experimental.pallas import tpu as pltpu
from jax.experimental.pallas import tpu_sc as plsc

N = 10000
E = 320000
D = 128

NC = 2
NS = 16
NW = NC * NS

E_PER_TILE = E // NW
SCAT_CH = 80
SCAT_ITERS = E_PER_TILE // SCAT_CH
GATH_CH = 128
GATH_CHUNKS = E // GATH_CH
HIGH = jax.lax.Precision.HIGHEST
N_PAD = 10240
N_PER_TILE = N_PAD // NS



def _nf2_body(nf_ref, w_ref, b_ref, o_ref):
    x = jnp.dot(nf_ref[...], w_ref[...], preferred_element_type=jnp.float32,
                precision=HIGH)
    o_ref[...] = jnp.maximum(x + b_ref[...][None, :], 0.0)


def _nf2(nf, W_node, bias_n):
    blk = 2048
    return pl.pallas_call(
        _nf2_body,
        grid=(N_PAD // blk,),
        in_specs=[
            pl.BlockSpec((blk, D), lambda i: (i, 0)),
            pl.BlockSpec((D, D), lambda i: (0, 0)),
            pl.BlockSpec((D,), lambda i: (0,)),
        ],
        out_specs=pl.BlockSpec((blk, D), lambda i: (i, 0)),
        out_shape=jax.ShapeDtypeStruct((N_PAD, D), jnp.float32),
    )(nf, W_node, bias_n)


def _m_body(ef_ref, we_ref, wd_ref, bv_ref, o_ref):
    wc = jnp.dot(we_ref[...], wd_ref[...][:, :D].T,
                 preferred_element_type=jnp.float32, precision=HIGH)
    x = jnp.dot(ef_ref[...], wc, preferred_element_type=jnp.float32)
    o_ref[...] = x + bv_ref[...][None, :]


def _m_edges(ef, W_edge, W_dense, bvec):
    blk = 16000
    return pl.pallas_call(
        _m_body,
        grid=(E // blk,),
        in_specs=[
            pl.BlockSpec((blk, D), lambda i: (i, 0)),
            pl.BlockSpec((D, D), lambda i: (0, 0)),
            pl.BlockSpec((D, 2 * D), lambda i: (0, 0)),
            pl.BlockSpec((D,), lambda i: (0,)),
        ],
        out_specs=pl.BlockSpec((blk, D), lambda i: (i, 0)),
        out_shape=jax.ShapeDtypeStruct((E, D), jnp.float32),
    )(ef, W_edge, W_dense, bvec)


def _tables_body(sp_ref, dp_ref, nf2_ref, we_ref, wd_ref, ab_ref, bh_ref):
    i = pl.program_id(0)
    blk = ab_ref.shape[0]
    S = sp_ref[0] + sp_ref[1]
    deg = dp_ref[0, pl.ds(i * blk, blk)] + dp_ref[1, pl.ds(i * blk, blk)]
    nb = jnp.dot(S, we_ref[...], preferred_element_type=jnp.float32,
                 precision=HIGH)
    nb = nb / jnp.maximum(deg, 1.0)[:, None]
    bh = 0.5 * jnp.dot(nf2_ref[...], wd_ref[...][:, D:].T,
                       preferred_element_type=jnp.float32, precision=HIGH)
    ab = jnp.dot(nb, wd_ref[...][:, :D].T,
                 preferred_element_type=jnp.float32, precision=HIGH) + bh
    ab_ref[...] = ab
    bh_ref[...] = bh


def _tables(S_part, deg_part, nf2, W_edge, W_dense):
    blk = 2048
    return pl.pallas_call(
        _tables_body,
        grid=(N_PAD // blk,),
        in_specs=[
            pl.BlockSpec((NC, blk, D), lambda i: (0, i, 0)),
            pl.BlockSpec((NC, N_PAD), lambda i: (0, 0)),
            pl.BlockSpec((blk, D), lambda i: (i, 0)),
            pl.BlockSpec((D, D), lambda i: (0, 0)),
            pl.BlockSpec((D, 2 * D), lambda i: (0, 0)),
        ],
        out_specs=[
            pl.BlockSpec((blk, D), lambda i: (i, 0)),
            pl.BlockSpec((blk, D), lambda i: (i, 0)),
        ],
        out_shape=[
            jax.ShapeDtypeStruct((N_PAD, D), jnp.float32),
            jax.ShapeDtypeStruct((N_PAD, D), jnp.float32),
        ],
    )(S_part, deg_part, nf2, W_edge, W_dense)



def _scatter_tec(ef_hbm, dst_hbm, zS_hbm, zdeg_hbm, S_out, deg_out,
                 S_acc, deg_acc, ef_buf, idx_buf, ones_buf,
                 sem_li, sem_le, sem_se, sem_sd):
    c = lax.axis_index("c")
    s = lax.axis_index("s")

    pltpu.sync_copy(zS_hbm.at[pl.ds(s * N_PER_TILE, N_PER_TILE)],
                    S_acc.at[pl.ds(s * N_PER_TILE, N_PER_TILE)])

    @pl.when(s == 0)
    def _():
        pltpu.sync_copy(zdeg_hbm, deg_acc)

    for j in range(SCAT_CH // 16):
        ones_buf[pl.ds(j * 16, 16)] = jnp.ones((16,), jnp.float32)

    plsc.subcore_barrier()

    base = (c * NS + s) * E_PER_TILE

    def issue_load(i, slot):
        off = base + i * SCAT_CH
        pltpu.async_copy(dst_hbm.at[pl.ds(off, SCAT_CH)], idx_buf.at[slot],
                         sem_li.at[slot])
        pltpu.async_copy(ef_hbm.at[pl.ds(off, SCAT_CH)], ef_buf.at[slot],
                         sem_le.at[slot])

    issue_load(0, 0)

    def substep(i, sp, sq):
        off = base + i * SCAT_CH

        @pl.when(i >= 1)
        def _():
            pltpu.make_async_copy(ef_buf.at[sq], S_acc.at[idx_buf.at[sq]],
                                  sem_se.at[sq]).wait()
            pltpu.make_async_copy(ones_buf, deg_acc.at[idx_buf.at[sq]],
                                  sem_sd.at[sq]).wait()

        @pl.when(i + 1 < SCAT_ITERS)
        def _():
            issue_load(i + 1, sq)

        @pl.when(i < SCAT_ITERS)
        def _():
            pltpu.make_async_copy(dst_hbm.at[pl.ds(off, SCAT_CH)],
                                  idx_buf.at[sp], sem_li.at[sp]).wait()
            pltpu.make_async_copy(ef_hbm.at[pl.ds(off, SCAT_CH)],
                                  ef_buf.at[sp], sem_le.at[sp]).wait()
            pltpu.async_copy(ef_buf.at[sp], S_acc.at[idx_buf.at[sp]],
                             sem_se.at[sp], add=True)
            pltpu.async_copy(ones_buf, deg_acc.at[idx_buf.at[sp]],
                             sem_sd.at[sp], add=True)

    def step(g, carry):
        substep(2 * g, 0, 1)
        substep(2 * g + 1, 1, 0)
        return carry

    lax.fori_loop(0, (SCAT_ITERS + 1) // 2, step, 0)

    plsc.subcore_barrier()

    pltpu.sync_copy(S_acc.at[pl.ds(s * N_PER_TILE, N_PER_TILE)],
                    S_out.at[c].at[pl.ds(s * N_PER_TILE, N_PER_TILE)])

    @pl.when(s == 0)
    def _():
        pltpu.sync_copy(deg_acc, deg_out.at[c])


def _scatter(ef, dst, zS, zdeg):
    mesh = plsc.VectorSubcoreMesh(core_axis_name="c", subcore_axis_name="s")
    return pl.kernel(
        _scatter_tec,
        out_type=[
            jax.ShapeDtypeStruct((NC, N_PAD, D), jnp.float32),
            jax.ShapeDtypeStruct((NC, N_PAD), jnp.float32),
        ],
        mesh=mesh,
        scratch_types=[
            pltpu.VMEM_SHARED((N_PAD, D), jnp.float32),
            pltpu.VMEM_SHARED((N_PAD,), jnp.float32),
            pltpu.VMEM((2, SCAT_CH, D), jnp.float32),
            pltpu.VMEM((2, SCAT_CH), jnp.int32),
            pltpu.VMEM((SCAT_CH,), jnp.float32),
            pltpu.SemaphoreType.DMA((2,)),
            pltpu.SemaphoreType.DMA((2,)),
            pltpu.SemaphoreType.DMA((2,)),
            pltpu.SemaphoreType.DMA((2,)),
        ],
    )(ef, dst, zS, zdeg)


def _final_tec(m_hbm, ab_hbm, bh_hbm, idx_hbm, out_hbm,
               buf_m, buf_a, buf_b, ibuf,
               sem_i, sem_a, sem_b, sem_m, sem_o):
    c = lax.axis_index("c")
    s = lax.axis_index("s")
    wid = c * NS + s
    niter = jnp.where(wid < GATH_CHUNKS - (GATH_CHUNKS // NW) * NW,
                      GATH_CHUNKS // NW + 1, GATH_CHUNKS // NW)

    def issue_idx(i, slot):
        pltpu.async_copy(idx_hbm.at[wid + i * NW], ibuf.at[slot],
                         sem_i.at[slot])

    issue_idx(0, 0)

    def substep(i, sp, sq):
        off = (wid + i * NW) * GATH_CH
        offq = (wid + (i - 1) * NW) * GATH_CH

        @pl.when(i < niter)
        def _():
            pltpu.make_async_copy(idx_hbm.at[wid + i * NW], ibuf.at[sp],
                                  sem_i.at[sp]).wait()

        @pl.when(jnp.logical_and(i >= 1, i <= niter))
        def _():
            pltpu.make_async_copy(ab_hbm.at[ibuf.at[sq].at[0]], buf_a.at[sq],
                                  sem_a.at[sq]).wait()
            pltpu.make_async_copy(bh_hbm.at[ibuf.at[sq].at[1]], buf_b.at[sq],
                                  sem_b.at[sq]).wait()
            pltpu.make_async_copy(m_hbm.at[pl.ds(offq, GATH_CH)],
                                  buf_m.at[sq], sem_m.at[sq]).wait()

        @pl.when(i + 1 < niter)
        def _():
            issue_idx(i + 1, sq)

        @pl.when(jnp.logical_and(i >= 2, i <= niter))
        def _():
            offp = (wid + (i - 2) * NW) * GATH_CH
            pltpu.make_async_copy(buf_m.at[sp],
                                  out_hbm.at[pl.ds(offp, GATH_CH)],
                                  sem_o.at[sp]).wait()

        @pl.when(i < niter)
        def _():
            pltpu.async_copy(ab_hbm.at[ibuf.at[sp].at[0]], buf_a.at[sp],
                             sem_a.at[sp])
            pltpu.async_copy(bh_hbm.at[ibuf.at[sp].at[1]], buf_b.at[sp],
                             sem_b.at[sp])
            pltpu.async_copy(m_hbm.at[pl.ds(off, GATH_CH)], buf_m.at[sp],
                             sem_m.at[sp])

        @pl.when(jnp.logical_and(i >= 1, i <= niter))
        def _():
            def row(r, rc):
                for j in range(D // 16):
                    sl = pl.ds(j * 16, 16)
                    x = buf_m[sq, r, sl] + buf_a[sq, r, sl] + buf_b[sq, r, sl]
                    buf_m[sq, r, sl] = jnp.maximum(x, 0.0)
                return rc

            lax.fori_loop(0, GATH_CH, row, 0)
            pltpu.async_copy(buf_m.at[sq], out_hbm.at[pl.ds(offq, GATH_CH)],
                             sem_o.at[sq])

    def step(g, carry):
        substep(2 * g, 0, 1)
        substep(2 * g + 1, 1, 0)
        return carry

    lax.fori_loop(0, (GATH_CHUNKS // NW + 2) // 2, step, 0)

    last = niter - 1
    lastslot = lax.rem(last, 2)
    pltpu.make_async_copy(buf_m.at[lastslot],
                          out_hbm.at[pl.ds((wid + last * NW) * GATH_CH,
                                           GATH_CH)],
                          sem_o.at[lastslot]).wait()


def _final(M, AB, Bh, idx_packed):
    mesh = plsc.VectorSubcoreMesh(core_axis_name="c", subcore_axis_name="s")
    return pl.kernel(
        _final_tec,
        out_type=jax.ShapeDtypeStruct((E, D), jnp.float32),
        mesh=mesh,
        scratch_types=[
            pltpu.VMEM((2, GATH_CH, D), jnp.float32),
            pltpu.VMEM((2, GATH_CH, D), jnp.float32),
            pltpu.VMEM((2, GATH_CH, D), jnp.float32),
            pltpu.VMEM((2, 2, GATH_CH), jnp.int32),
            pltpu.SemaphoreType.DMA((2,)),
            pltpu.SemaphoreType.DMA((2,)),
            pltpu.SemaphoreType.DMA((2,)),
            pltpu.SemaphoreType.DMA((2,)),
            pltpu.SemaphoreType.DMA((2,)),
        ],
    )(M, AB, Bh, idx_packed)



@jax.jit
def kernel(nf, ef, edge_index, W_node, W_edge, bias_n, bias_e, W_dense, b_dense):
    src = edge_index[0]
    dst = edge_index[1]
    zS = jnp.zeros((N_PAD, D), jnp.float32)
    zdeg = jnp.zeros((N_PAD,), jnp.float32)
    nf_pad = jnp.concatenate([nf, jnp.zeros((N_PAD - N, D), jnp.float32)], axis=0)

    idx_packed = jnp.stack([dst.reshape(GATH_CHUNKS, GATH_CH),
                            src.reshape(GATH_CHUNKS, GATH_CH)], axis=1)

    nf2p = _nf2(nf_pad, W_node, bias_n)
    S_part, deg_part = _scatter(ef, dst, zS, zdeg)
    M = _m_edges(ef, W_edge, W_dense, b_dense + bias_e)
    AB, Bh = _tables(S_part, deg_part, nf2p, W_edge, W_dense)
    ef2 = _final(M, AB, Bh, idx_packed)
    return (nf2p[:N], ef2)

# --- scband reference (transcript-rebuilt; emitter-appended) ---
"""Pipeline reference for scband-wtagnnlayer-81716047774294 (READ-ONLY COPY).

The authoritative reference and input builder live on the scoring server;
editing this copy changes nothing except your own understanding.
"""

import jax, jax.numpy as jnp
import numpy as np
import math

N = 10000
E = 320000
D = 128

def setup_inputs(seed: int = 0) -> dict:
    key = jax.random.key(seed)
    ks = jax.random.split(key, 10)
    nf = jax.random.normal(ks[0], (N, D), dtype=jnp.float32)
    ef = jax.random.normal(ks[1], (E, D), dtype=jnp.float32)
    edge_index = jax.random.randint(ks[2], (2, E), 0, N, dtype=jnp.int32)
    stdv = 1.0 / math.sqrt(D)
    W_node = jax.random.uniform(ks[3], (D, D), dtype=jnp.float32, minval=-stdv, maxval=stdv)
    W_edge = jax.random.uniform(ks[4], (D, D), dtype=jnp.float32, minval=-stdv, maxval=stdv)
    bias_n = jax.random.uniform(ks[5], (D,), dtype=jnp.float32, minval=-stdv, maxval=stdv)
    bias_e = jax.random.uniform(ks[6], (D,), dtype=jnp.float32, minval=-stdv, maxval=stdv)
    stdv_d = 1.0 / math.sqrt(2 * D)
    W_dense = jax.random.uniform(ks[7], (D, 2 * D), dtype=jnp.float32, minval=-stdv_d, maxval=stdv_d)
    b_dense = jax.random.uniform(ks[8], (D,), dtype=jnp.float32, minval=-stdv_d, maxval=stdv_d)
    return {"nf": nf, "ef": ef, "edge_index": edge_index, "W_node": W_node, "W_edge": W_edge,
            "bias_n": bias_n, "bias_e": bias_e, "W_dense": W_dense, "b_dense": b_dense}

def reference(nf, ef, edge_index, W_node, W_edge, bias_n, bias_e, W_dense, b_dense):
    src = edge_index[0]
    dst = edge_index[1]
    n_nodes = nf.shape[0]
    # linear projections (dropout p=0.0 -> identity)
    nf1 = nf @ W_node                      # [N, D]
    ef1 = ef @ W_edge                      # [E, D]
    # update_all: message = edge ef; reduce = mean over incoming edges per dst node
    deg = jax.ops.segment_sum(jnp.ones((ef1.shape[0],), dtype=nf1.dtype), dst, num_segments=n_nodes)
    sum_ef = jax.ops.segment_sum(ef1, dst, num_segments=n_nodes)
    nb_ef = sum_ef / jnp.maximum(deg, 1.0)[:, None]   # zero-in-degree nodes get zeros (DGL default)
    # apply_nodes: nf = relu(nf1 + bias_n); nb_ef unchanged
    nf2 = jax.nn.relu(nf1 + bias_n)
    # apply_edges: uses updated node features
    tmp_ef = ef1 + nb_ef[dst]
    srcdst_nf = (nf2[src] + nf2[dst]) / 2.0
    ef2 = jnp.concatenate([tmp_ef, srcdst_nf], axis=1) @ W_dense.T + b_dense
    ef2 = ef2 + bias_e
    ef2 = jax.nn.relu(ef2)
    return (nf2, ef2)

if __name__ == "__main__":
    import jax
    _d = setup_inputs()
    print(jax.jit(kernel)(*tuple(_d.values())))

</pallas_src>

<mosaic_0001>
#map = affine_map<(d0, d1) -> (0, 0)>
#map1 = affine_map<(d0, d1) -> (0)>
#map2 = affine_map<(d0, d1) -> (0, 0, 0)>
module attributes {stable_mosaic.version = 14 : i64} {
  func.func @_scatter_tec(%arg0: i32, %arg1: i32, %arg2: memref<320000x128xf32, #tpu.memory_space<hbm>>, %arg3: memref<320000xi32, #tpu.memory_space<hbm>>, %arg4: memref<10240x128xf32, #tpu.memory_space<hbm>>, %arg5: memref<10240xf32, #tpu.memory_space<hbm>>, %arg6: memref<2x10240x128xf32, #tpu.memory_space<hbm>>, %arg7: memref<2x10240xf32, #tpu.memory_space<hbm>>, %arg8: memref<10240x128xf32, #tpu.memory_space<vmem_shared>>, %arg9: memref<10240xf32, #tpu.memory_space<vmem_shared>>, %arg10: memref<2x80x128xf32, #tpu.memory_space<vmem>>, %arg11: memref<2x80xi32, #tpu.memory_space<vmem>>, %arg12: memref<80xf32, #tpu.memory_space<vmem>>, %arg13: memref<2x!tpu.dma_semaphore, #tpu.memory_space<semaphore_mem>>, %arg14: memref<2x!tpu.dma_semaphore, #tpu.memory_space<semaphore_mem>>, %arg15: memref<2x!tpu.dma_semaphore, #tpu.memory_space<semaphore_mem>>, %arg16: memref<2x!tpu.dma_semaphore, #tpu.memory_space<semaphore_mem>>) attributes {dimension_semantics = [#tpu.dimension_semantics<core_parallel>, #tpu.dimension_semantics<subcore_parallel>], iteration_bounds = array<i64: 2, 16>, scalar_prefetch = 0 : i64, scratch_operands = 9 : i64, tpu.core_type = #tpu.core_type<sc_vector_subcore>, window_params = [{transform_indices = #map}, {transform_indices = #map1}, {transform_indices = #map}, {transform_indices = #map1}, {transform_indices = #map2}, {transform_indices = #map}]} {
    %mul3A = arith.constant 640 : i32
    %mul3A_0 = arith.muli %arg1, %mul3A : i32
    %mul3A_1 = arith.constant 640 : i32
    %mul3A_2 = arith.muli %arg1, %mul3A_1 : i32
    "tpu.region"() ({
      %run_scoped3A = tpu.sem_alloc : memref<!tpu.dma_semaphore, #tpu.memory_space<semaphore_mem>>
      %dma_start3A_81 = arith.constant 0 : i32
      %dma_start3A_82 = tpu.memref_slice %arg8[%mul3A_2, %dma_start3A_81] : memref<10240x128xf32, #tpu.memory_space<vmem_shared>> -> memref<640x128xf32, #tpu.memory_space<vmem_shared>>
      %dma_start3A_83 = arith.constant 0 : i32
      %dma_start3A_84 = tpu.memref_slice %arg4[%mul3A_0, %dma_start3A_83] : memref<10240x128xf32, #tpu.memory_space<hbm>> -> memref<640x128xf32, #tpu.memory_space<hbm>>
      tpu.enqueue_dma source(%dma_start3A_84 : memref<640x128xf32, #tpu.memory_space<hbm>>) target(%dma_start3A_82 : memref<640x128xf32, #tpu.memory_space<vmem_shared>>) target_semaphore(%run_scoped3A : memref<!tpu.dma_semaphore, #tpu.memory_space<semaphore_mem>>)
      %dma_wait3A = arith.constant 0 : i32
      %dma_wait3A_85 = tpu.memref_slice %arg8[%mul3A_2, %dma_wait3A] : memref<10240x128xf32, #tpu.memory_space<vmem_shared>> -> memref<640x128xf32, #tpu.memory_space<vmem_shared>>
      %dma_wait3A_86 = arith.constant 0 : i32
      %dma_wait3A_87 = tpu.memref_slice %arg4[%mul3A_0, %dma_wait3A_86] : memref<10240x128xf32, #tpu.memory_space<hbm>> -> memref<640x128xf32, #tpu.memory_space<hbm>>
      tpu.wait_dma2 semaphore(%run_scoped3A : memref<!tpu.dma_semaphore, #tpu.memory_space<semaphore_mem>>) src(%dma_wait3A_87 : memref<640x128xf32, #tpu.memory_space<hbm>>) dst(%dma_wait3A_85 : memref<640x128xf32, #tpu.memory_space<vmem_shared>>)
      tpu.yield
    }) : () -> ()
    %eq3A = arith.constant 0 : i32
    %eq3A_3 = arith.cmpi eq, %arg1, %eq3A : i32
    %convert_element_type3A = arith.extui %eq3A_3 : i1 to i32
    %cond3A = arith.constant 0 : i32
    %cond3A_4 = arith.cmpi ne, %convert_element_type3A, %cond3A : i32
    scf.if %cond3A_4 {
      "tpu.region"() ({
        %run_scoped3A = tpu.sem_alloc : memref<!tpu.dma_semaphore, #tpu.memory_space<semaphore_mem>>
        tpu.enqueue_dma source(%arg5 : memref<10240xf32, #tpu.memory_space<hbm>>) target(%arg9 : memref<10240xf32, #tpu.memory_space<vmem_shared>>) target_semaphore(%run_scoped3A : memref<!tpu.dma_semaphore, #tpu.memory_space<semaphore_mem>>)
        tpu.wait_dma2 semaphore(%run_scoped3A : memref<!tpu.dma_semaphore, #tpu.memory_space<semaphore_mem>>) src(%arg5 : memref<10240xf32, #tpu.memory_space<hbm>>) dst(%arg9 : memref<10240xf32, #tpu.memory_space<vmem_shared>>)
        tpu.yield
      }) : () -> ()
    } else {
    }
    %broadcast_in_dim3A = arith.constant 1.000000e+00 : f32
    %broadcast_in_dim3A_5 = vector.broadcast %broadcast_in_dim3A : f32 to vector<16xf32>
    %swap3A = arith.constant 0 : index
    %swap3A_6 = tpu.vector_load %arg12[%swap3A] {strides = array<i32>} : memref<80xf32, #tpu.memory_space<vmem>>, vector<16xf32>,
    %swap3A_7 = vector.shape_cast %swap3A_6 : vector<16xf32> to vector<16xf32>
    %swap3A_8 = vector.shape_cast %broadcast_in_dim3A_5 : vector<16xf32> to vector<16xf32>
    tpu.vector_store %arg12[%swap3A], %swap3A_8 {strides = array<i32>} : memref<80xf32, #tpu.memory_space<vmem>>, vector<16xf32>,
    %broadcast_in_dim3A_9 = arith.constant 1.000000e+00 : f32
    %broadcast_in_dim3A_10 = vector.broadcast %broadcast_in_dim3A_9 : f32 to vector<16xf32>
    %swap3A_11 = arith.constant 16 : index
    %swap3A_12 = tpu.vector_load %arg12[%swap3A_11] {strides = array<i32>} : memref<80xf32, #tpu.memory_space<vmem>>, vector<16xf32>,
    %swap3A_13 = vector.shape_cast %swap3A_12 : vector<16xf32> to vector<16xf32>
    %swap3A_14 = vector.shape_cast %broadcast_in_dim3A_10 : vector<16xf32> to vector<16xf32>
    tpu.vector_store %arg12[%swap3A_11], %swap3A_14 {strides = array<i32>} : memref<80xf32, #tpu.memory_space<vmem>>, vector<16xf32>,
    %broadcast_in_dim3A_15 = arith.constant 1.000000e+00 : f32
    %broadcast_in_dim3A_16 = vector.broadcast %broadcast_in_dim3A_15 : f32 to vector<16xf32>
    %swap3A_17 = arith.constant 32 : index
    %swap3A_18 = tpu.vector_load %arg12[%swap3A_17] {strides = array<i32>} : memref<80xf32, #tpu.memory_space<vmem>>, vector<16xf32>,
    %swap3A_19 = vector.shape_cast %swap3A_18 : vector<16xf32> to vector<16xf32>
    %swap3A_20 = vector.shape_cast %broadcast_in_dim3A_16 : vector<16xf32> to vector<16xf32>
    tpu.vector_store %arg12[%swap3A_17], %swap3A_20 {strides = array<i32>} : memref<80xf32, #tpu.memory_space<vmem>>, vector<16xf32>,
    %broadcast_in_dim3A_21 = arith.constant 1.000000e+00 : f32
    %broadcast_in_dim3A_22 = vector.broadcast %broadcast_in_dim3A_21 : f32 to vector<16xf32>
    %swap3A_23 = arith.constant 48 : index
    %swap3A_24 = tpu.vector_load %arg12[%swap3A_23] {strides = array<i32>} : memref<80xf32, #tpu.memory_space<vmem>>, vector<16xf32>,
    %swap3A_25 = vector.shape_cast %swap3A_24 : vector<16xf32> to vector<16xf32>
    %swap3A_26 = vector.shape_cast %broadcast_in_dim3A_22 : vector<16xf32> to vector<16xf32>
    tpu.vector_store %arg12[%swap3A_23], %swap3A_26 {strides = array<i32>} : memref<80xf32, #tpu.memory_space<vmem>>, vector<16xf32>,
    %broadcast_in_dim3A_27 = arith.constant 1.000000e+00 : f32
    %broadcast_in_dim3A_28 = vector.broadcast %broadcast_in_dim3A_27 : f32 to vector<16xf32>
    %swap3A_29 = arith.constant 64 : index
    %swap3A_30 = tpu.vector_load %arg12[%swap3A_29] {strides = array<i32>} : memref<80xf32, #tpu.memory_space<vmem>>, vector<16xf32>,
    %swap3A_31 = vector.shape_cast %swap3A_30 : vector<16xf32> to vector<16xf32>
    %swap3A_32 = vector.shape_cast %broadcast_in_dim3A_28 : vector<16xf32> to vector<16xf32>
    tpu.vector_store %arg12[%swap3A_29], %swap3A_32 {strides = array<i32>} : memref<80xf32, #tpu.memory_space<vmem>>, vector<16xf32>,
    %barrier3A = arith.constant 0 : index
    tpu.barrier barrier_id(%barrier3A)
    %mul3A_33 = arith.constant 16 : i32
    %mul3A_34 = arith.muli %arg0, %mul3A_33 : i32
    %add3A = arith.addi %mul3A_34, %arg1 : i32
    %mul3A_35 = arith.constant 10000 : i32
    %mul3A_36 = arith.muli %add3A, %mul3A_35 : i32
    %add3A_37 = arith.constant 0 : i32
    %add3A_38 = arith.addi %mul3A_36, %add3A_37 : i32
    %dma_start3A = arith.constant 0 : i32
    %dma_start3A_39 = arith.constant 0 : i32
    %dma_start3A_40 = arith.constant 0 : i32
    %dma_start3A_41 = tpu.memref_slice %arg11[%dma_start3A, %dma_start3A_40] : memref<2x80xi32, #tpu.memory_space<vmem>> -> memref<1x80xi32, #tpu.memory_space<vmem>>
    %dma_start3A_42 = tpu.memref_squeeze %dma_start3A_41 : memref<1x80xi32, #tpu.memory_space<vmem>> -> memref<80xi32, #tpu.memory_space<vmem>>
    %dma_start3A_43 = tpu.memref_slice %arg3[%add3A_38] : memref<320000xi32, #tpu.memory_space<hbm>> -> memref<80xi32, #tpu.memory_space<hbm>>
    %dma_start3A_44 = tpu.memref_slice %arg13[%dma_start3A_39] : memref<2x!tpu.dma_semaphore, #tpu.memory_space<semaphore_mem>> -> memref<1x!tpu.dma_semaphore, #tpu.memory_space<semaphore_mem>>
    %dma_start3A_45 = tpu.memref_squeeze %dma_start3A_44 : memref<1x!tpu.dma_semaphore, #tpu.memory_space<semaphore_mem>> -> memref<!tpu.dma_semaphore, #tpu.memory_space<semaphore_mem>>
    %dma_start3A_46 = arith.constant 0 : i32
    %dma_start3A_47 = tpu.memref_slice %arg11[%dma_start3A, %dma_start3A_46] : memref<2x80xi32, #tpu.memory_space<vmem>> -> memref<1x80xi32, #tpu.memory_space<vmem>>
    %dma_start3A_48 = tpu.memref_squeeze %dma_start3A_47 : memref<1x80xi32, #tpu.memory_space<vmem>> -> memref<80xi32, #tpu.memory_space<vmem>>
    %dma_start3A_49 = tpu.memref_slice %arg3[%add3A_38] : memref<320000xi32, #tpu.memory_space<hbm>> -> memref<80xi32, #tpu.memory_space<hbm>>
    tpu.enqueue_dma source(%dma_start3A_49 : memref<80xi32, #tpu.memory_space<hbm>>) target(%dma_start3A_48 : memref<80xi32, #tpu.memory_space<vmem>>) target_semaphore(%dma_start3A_45 : memref<!tpu.dma_semaphore, #tpu.memory_space<semaphore_mem>>)
    %dma_start3A_50 = arith.constant 0 : i32
    %dma_start3A_51 = arith.constant 0 : i32
    %dma_start3A_52 = arith.constant 0 : i32
    %dma_start3A_53 = arith.constant 0 : i32
    %dma_start3A_54 = tpu.memref_slice %arg10[%dma_start3A_50, %dma_start3A_52, %dma_start3A_53] : memref<2x80x128xf32, #tpu.memory_space<vmem>> -> memref<1x80x128xf32, #tpu.memory_space<vmem>>
    %dma_start3A_55 = tpu.memref_squeeze %dma_start3A_54 : memref<1x80x128xf32, #tpu.memory_space<vmem>> -> memref<80x128xf32, #tpu.memory_space<vmem>>
    %dma_start3A_56 = arith.constant 0 : i32
    %dma_start3A_57 = tpu.memref_slice %arg2[%add3A_38, %dma_start3A_56] : memref<320000x128xf32, #tpu.memory_space<hbm>> -> memref<80x128xf32, #tpu.memory_space<hbm>>
    %dma_start3A_58 = tpu.memref_slice %arg14[%dma_start3A_51] : memref<2x!tpu.dma_semaphore, #tpu.memory_space<semaphore_mem>> -> memref<1x!tpu.dma_semaphore, #tpu.memory_space<semaphore_mem>>
    %dma_start3A_59 = tpu.memref_squeeze %dma_start3A_58 : memref<1x!tpu.dma_semaphore, #tpu.memory_space<semaphore_mem>> -> memref<!tpu.dma_semaphore, #tpu.memory_space<semaphore_mem>>
    %dma_start3A_60 = arith.constant 0 : i32
    %dma_start3A_61 = arith.constant 0 : i32
    %dma_start3A_62 = tpu.memref_slice %arg10[%dma_start3A_50, %dma_start3A_60, %dma_start3A_61] : memref<2x80x128xf32, #tpu.memory_space<vmem>> -> memref<1x80x128xf32, #tpu.memory_space<vmem>>
    %dma_start3A_63 = tpu.memref_squeeze %dma_start3A_62 : memref<1x80x128xf32, #tpu.memory_space<vmem>> -> memref<80x128xf32, #tpu.memory_space<vmem>>
    %dma_start3A_64 = arith.constant 0 : i32
    %dma_start3A_65 = tpu.memref_slice %arg2[%add3A_38, %dma_start3A_64] : memref<320000x128xf32, #tpu.memory_space<hbm>> -> memref<80x128xf32, #tpu.memory_space<hbm>>
    tpu.enqueue_dma source(%dma_start3A_65 : memref<80x128xf32, #tpu.memory_space<hbm>>) target(%dma_start3A_63 : memref<80x128xf32, #tpu.memory_space<vmem>>) target_semaphore(%dma_start3A_59 : memref<!tpu.dma_semaphore, #tpu.memory_space<semaphore_mem>>)
    %scan3A = arith.constant 0 : i32
    %scan3A_66 = arith.constant 0 : i32
    %scan3A_67 = arith.constant 63 : i32
    %scan3A_68 = arith.addi %scan3A_66, %scan3A_67 : i32
    %scan3A_69 = arith.constant 1 : i32
    scf.for %scan3A_81 = %scan3A_66 to %scan3A_68 step %scan3A_69  : i32 {
      %mul3A_82 = arith.constant 2 : i32
      %mul3A_83 = arith.muli %mul3A_82, %scan3A_81 : i32
      %mul3A_84 = arith.constant 80 : i32
      %mul3A_85 = arith.muli %mul3A_83, %mul3A_84 : i32
      %add3A_86 = arith.addi %mul3A_36, %mul3A_85 : i32
      %ge3A = arith.constant 1 : i32
      %ge3A_87 = arith.cmpi sge, %mul3A_83, %ge3A : i32
      %convert_element_type3A_88 = arith.extui %ge3A_87 : i1 to i32
      %cond3A_89 = arith.constant 0 : i32
      %cond3A_90 = arith.cmpi ne, %convert_element_type3A_88, %cond3A_89 : i32
      scf.if %cond3A_90 {
        %dma_wait3A = arith.constant 1 : i32
        %dma_wait3A_126 = arith.constant 1 : i32
        %dma_wait3A_127 = arith.constant 1 : i32
        %dma_wait3A_128 = arith.constant 0 : i32
        %dma_wait3A_129 = arith.constant 0 : i32
        %dma_wait3A_130 = tpu.memref_slice %arg10[%dma_wait3A, %dma_wait3A_128, %dma_wait3A_129] : memref<2x80x128xf32, #tpu.memory_space<vmem>> -> memref<1x80x128xf32, #tpu.memory_space<vmem>>
        %dma_wait3A_131 = tpu.memref_squeeze %dma_wait3A_130 : memref<1x80x128xf32, #tpu.memory_space<vmem>> -> memref<80x128xf32, #tpu.memory_space<vmem>>
        %dma_wait3A_132 = arith.constant 0 : i32
        %dma_wait3A_133 = tpu.memref_slice %arg11[%dma_wait3A_126, %dma_wait3A_132] : memref<2x80xi32, #tpu.memory_space<vmem>> -> memref<1x80xi32, #tpu.memory_space<vmem>>
        %dma_wait3A_134 = tpu.memref_squeeze %dma_wait3A_133 : memref<1x80xi32, #tpu.memory_space<vmem>> -> memref<80xi32, #tpu.memory_space<vmem>>
        %dma_wait3A_135 = arith.constant 0 : i32
        %dma_wait3A_136 = arith.constant 0 : i32
        %dma_wait3A_137 = tpu.memref_slice %arg8[%dma_wait3A_135, %dma_wait3A_136] : memref<10240x128xf32, #tpu.memory_space<vmem_shared>> -> memref<10240x128xf32, #tpu.memory_space<vmem_shared>>
        %dma_wait3A_138 = tpu.memref_slice %arg15[%dma_wait3A_127] : memref<2x!tpu.dma_semaphore, #tpu.memory_space<semaphore_mem>> -> memref<1x!tpu.dma_semaphore, #tpu.memory_space<semaphore_mem>>
        %dma_wait3A_139 = tpu.memref_squeeze %dma_wait3A_138 : memref<1x!tpu.dma_semaphore, #tpu.memory_space<semaphore_mem>> -> memref<!tpu.dma_semaphore, #tpu.memory_space<semaphore_mem>>
        tpu.wait_indirect_dma semaphore(%dma_wait3A_139 : memref<!tpu.dma_semaphore, #tpu.memory_space<semaphore_mem>>) src(%dma_wait3A_131 : memref<80x128xf32, #tpu.memory_space<vmem>>) dst(%dma_wait3A_137 : memref<10240x128xf32, #tpu.memory_space<vmem_shared>>)
        %dma_wait3A_140 = arith.constant 1 : i32
        %dma_wait3A_141 = arith.constant 1 : i32
        %dma_wait3A_142 = arith.constant 0 : i32
        %dma_wait3A_143 = tpu.memref_slice %arg11[%dma_wait3A_140, %dma_wait3A_142] : memref<2x80xi32, #tpu.memory_space<vmem>> -> memref<1x80xi32, #tpu.memory_space<vmem>>
        %dma_wait3A_144 = tpu.memref_squeeze %dma_wait3A_143 : memref<1x80xi32, #tpu.memory_space<vmem>> -> memref<80xi32, #tpu.memory_space<vmem>>
        %dma_wait3A_145 = arith.constant 0 : i32
        %dma_wait3A_146 = tpu.memref_slice %arg9[%dma_wait3A_145] : memref<10240xf32, #tpu.memory_space<vmem_shared>> -> memref<10240xf32, #tpu.memory_space<vmem_shared>>
        %dma_wait3A_147 = tpu.memref_slice %arg16[%dma_wait3A_141] : memref<2x!tpu.dma_semaphore, #tpu.memory_space<semaphore_mem>> -> memref<1x!tpu.dma_semaphore, #tpu.memory_space<semaphore_mem>>
        %dma_wait3A_148 = tpu.memref_squeeze %dma_wait3A_147 : memref<1x!tpu.dma_semaphore, #tpu.memory_space<semaphore_mem>> -> memref<!tpu.dma_semaphore, #tpu.memory_space<semaphore_mem>>
        tpu.wait_indirect_dma semaphore(%dma_wait3A_148 : memref<!tpu.dma_semaphore, #tpu.memory_space<semaphore_mem>>) src(%arg12 : memref<80xf32, #tpu.memory_space<vmem>>) dst(%dma_wait3A_146 : memref<10240xf32, #tpu.memory_space<vmem_shared>>)
      } else {
      }
      %add3A_91 = arith.constant 1 : i32
      %add3A_92 = arith.addi %mul3A_83, %add3A_91 : i32
      %lt3A = arith.constant 125 : i32
      %lt3A_93 = arith.cmpi slt, %add3A_92, %lt3A : i32
      %convert_element_type3A_94 = arith.extui %lt3A_93 : i1 to i32
      %cond3A_95 = arith.constant 0 : i32
      %cond3A_96 = arith.cmpi ne, %convert_element_type3A_94, %cond3A_95 : i32
      scf.if %cond3A_96 {
        %add3A_126 = arith.constant 1 : i32
        %add3A_127 = arith.addi %mul3A_83, %add3A_126 : i32
        %mul3A_128 = arith.constant 80 : i32
        %mul3A_129 = arith.muli %add3A_127, %mul3A_128 : i32
        %add3A_130 = arith.addi %mul3A_36, %mul3A_129 : i32
        %dma_start3A_131 = arith.constant 1 : i32
        %dma_start3A_132 = arith.constant 1 : i32
        %dma_start3A_133 = arith.constant 0 : i32
        %dma_start3A_134 = tpu.memref_slice %arg11[%dma_start3A_131, %dma_start3A_133] : memref<2x80xi32, #tpu.memory_space<vmem>> -> memref<1x80xi32, #tpu.memory_space<vmem>>
        %dma_start3A_135 = tpu.memref_squeeze %dma_start3A_134 : memref<1x80xi32, #tpu.memory_space<vmem>> -> memref<80xi32, #tpu.memory_space<vmem>>
        %dma_start3A_136 = tpu.memref_slice %arg3[%add3A_130] : memref<320000xi32, #tpu.memory_space<hbm>> -> memref<80xi32, #tpu.memory_space<hbm>>
        %dma_start3A_137 = tpu.memref_slice %arg13[%dma_start3A_132] : memref<2x!tpu.dma_semaphore, #tpu.memory_space<semaphore_mem>> -> memref<1x!tpu.dma_semaphore, #tpu.memory_space<semaphore_mem>>
        %dma_start3A_138 = tpu.memref_squeeze %dma_start3A_137 : memref<1x!tpu.dma_semaphore, #tpu.memory_space<semaphore_mem>> -> memref<!tpu.dma_semaphore, #tpu.memory_space<semaphore_mem>>
        %dma_start3A_139 = arith.constant 0 : i32
        %dma_start3A_140 = tpu.memref_slice %arg11[%dma_start3A_131, %dma_start3A_139] : memref<2x80xi32, #tpu.memory_space<vmem>> -> memref<1x80xi32, #tpu.memory_space<vmem>>
        %dma_start3A_141 = tpu.memref_squeeze %dma_start3A_140 : memref<1x80xi32, #tpu.memory_space<vmem>> -> memref<80xi32, #tpu.memory_space<vmem>>
        %dma_start3A_142 = tpu.memref_slice %arg3[%add3A_130] : memref<320000xi32, #tpu.memory_space<hbm>> -> memref<80xi32, #tpu.memory_space<hbm>>
        tpu.enqueue_dma source(%dma_start3A_142 : memref<80xi32, #tpu.memory_space<hbm>>) target(%dma_start3A_141 : memref<80xi32, #tpu.memory_space<vmem>>) target_semaphore(%dma_start3A_138 : memref<!tpu.dma_semaphore, #tpu.memory_space<semaphore_mem>>)
        %dma_start3A_143 = arith.constant 1 : i32
        %dma_start3A_144 = arith.constant 1 : i32
        %dma_start3A_145 = arith.constant 0 : i32
        %dma_start3A_146 = arith.constant 0 : i32
        %dma_start3A_147 = tpu.memref_slice %arg10[%dma_start3A_143, %dma_start3A_145, %dma_start3A_146] : memref<2x80x128xf32, #tpu.memory_space<vmem>> -> memref<1x80x128xf32, #tpu.memory_space<vmem>>
        %dma_start3A_148 = tpu.memref_squeeze %dma_start3A_147 : memref<1x80x128xf32, #tpu.memory_space<vmem>> -> memref<80x128xf32, #tpu.memory_space<vmem>>
        %dma_start3A_149 = arith.constant 0 : i32
        %dma_start3A_150 = tpu.memref_slice %arg2[%add3A_130, %dma_start3A_149] : memref<320000x128xf32, #tpu.memory_space<hbm>> -> memref<80x128xf32, #tpu.memory_space<hbm>>
        %dma_start3A_151 = tpu.memref_slice %arg14[%dma_start3A_144] : memref<2x!tpu.dma_semaphore, #tpu.memory_space<semaphore_mem>> -> memref<1x!tpu.dma_semaphore, #tpu.memory_space<semaphore_mem>>
        %dma_start3A_152 = tpu.memref_squeeze %dma_start3A_151 : memref<1x!tpu.dma_semaphore, #tpu.memory_space<semaphore_mem>> -> memref<!tpu.dma_semaphore, #tpu.memory_space<semaphore_mem>>
        %dma_start3A_153 = arith.constant 0 : i32
        %dma_start3A_154 = arith.constant 0 : i32
        %dma_start3A_155 = tpu.memref_slice %arg10[%dma_start3A_143, %dma_start3A_153, %dma_start3A_154] : memref<2x80x128xf32, #tpu.memory_space<vmem>> -> memref<1x80x128xf32, #tpu.memory_space<vmem>>
        %dma_start3A_156 = tpu.memref_squeeze %dma_start3A_155 : memref<1x80x128xf32, #tpu.memory_space<vmem>> -> memref<80x128xf32, #tpu.memory_space<vmem>>
        %dma_start3A_157 = arith.constant 0 : i32
        %dma_start3A_158 = tpu.memref_slice %arg2[%add3A_130, %dma_start3A_157] : memref<320000x128xf32, #tpu.memory_space<hbm>> -> memref<80x128xf32, #tpu.memory_space<hbm>>
        tpu.enqueue_dma source(%dma_start3A_158 : memref<80x128xf32, #tpu.memory_space<hbm>>) target(%dma_start3A_156 : memref<80x128xf32, #tpu.memory_space<vmem>>) target_semaphore(%dma_start3A_152 : memref<!tpu.dma_semaphore, #tpu.memory_space<semaphore_mem>>)
      } else {
      }
      %lt3A_97 = arith.constant 125 : i32
      %lt3A_98 = arith.cmpi slt, %mul3A_83, %lt3A_97 : i32
      %convert_element_type3A_99 = arith.extui %lt3A_98 : i1 to i32
      %cond3A_100 = arith.constant 0 : i32
      %cond3A_101 = arith.cmpi ne, %convert_element_type3A_99, %cond3A_100 : i32
      scf.if %cond3A_101 {
        %dma_wait3A = arith.constant 0 : i32
        %dma_wait3A_126 = arith.constant 0 : i32
        %dma_wait3A_127 = arith.constant 0 : i32
        %dma_wait3A_128 = tpu.memref_slice %arg11[%dma_wait3A, %dma_wait3A_127] : memref<2x80xi32, #tpu.memory_space<vmem>> -> memref<1x80xi32, #tpu.memory_space<vmem>>
        %dma_wait3A_129 = tpu.memref_squeeze %dma_wait3A_128 : memref<1x80xi32, #tpu.memory_space<vmem>> -> memref<80xi32, #tpu.memory_space<vmem>>
        %dma_wait3A_130 = tpu.memref_slice %arg3[%add3A_86] : memref<320000xi32, #tpu.memory_space<hbm>> -> memref<80xi32, #tpu.memory_space<hbm>>
        %dma_wait3A_131 = tpu.memref_slice %arg13[%dma_wait3A_126] : memref<2x!tpu.dma_semaphore, #tpu.memory_space<semaphore_mem>> -> memref<1x!tpu.dma_semaphore, #tpu.memory_space<semaphore_mem>>
        %dma_wait3A_132 = tpu.memref_squeeze %dma_wait3A_131 : memref<1x!tpu.dma_semaphore, #tpu.memory_space<semaphore_mem>> -> memref<!tpu.dma_semaphore, #tpu.memory_space<semaphore_mem>>
        %dma_wait3A_133 = arith.constant 0 : i32
        %dma_wait3A_134 = tpu.memref_slice %arg11[%dma_wait3A, %dma_wait3A_133] : memref<2x80xi32, #tpu.memory_space<vmem>> -> memref<1x80xi32, #tpu.memory_space<vmem>>
        %dma_wait3A_135 = tpu.memref_squeeze %dma_wait3A_134 : memref<1x80xi32, #tpu.memory_space<vmem>> -> memref<80xi32, #tpu.memory_space<vmem>>
        %dma_wait3A_136 = tpu.memref_slice %arg3[%add3A_86] : memref<320000xi32, #tpu.memory_space<hbm>> -> memref<80xi32, #tpu.memory_space<hbm>>
        tpu.wait_dma2 semaphore(%dma_wait3A_132 : memref<!tpu.dma_semaphore, #tpu.memory_space<semaphore_mem>>) src(%dma_wait3A_136 : memref<80xi32, #tpu.memory_space<hbm>>) dst(%dma_wait3A_135 : memref<80xi32, #tpu.memory_space<vmem>>)
        %dma_wait3A_137 = arith.constant 0 : i32
        %dma_wait3A_138 = arith.constant 0 : i32
        %dma_wait3A_139 = arith.constant 0 : i32
        %dma_wait3A_140 = arith.constant 0 : i32
        %dma_wait3A_141 = tpu.memref_slice %arg10[%dma_wait3A_137, %dma_wait3A_139, %dma_wait3A_140] : memref<2x80x128xf32, #tpu.memory_space<vmem>> -> memref<1x80x128xf32, #tpu.memory_space<vmem>>
        %dma_wait3A_142 = tpu.memref_squeeze %dma_wait3A_141 : memref<1x80x128xf32, #tpu.memory_space<vmem>> -> memref<80x128xf32, #tpu.memory_space<vmem>>
        %dma_wait3A_143 = arith.constant 0 : i32
        %dma_wait3A_144 = tpu.memref_slice %arg2[%add3A_86, %dma_wait3A_143] : memref<320000x128xf32, #tpu.memory_space<hbm>> -> memref<80x128xf32, #tpu.memory_space<hbm>>
        %dma_wait3A_145 = tpu.memref_slice %arg14[%dma_wait3A_138] : memref<2x!tpu.dma_semaphore, #tpu.memory_space<semaphore_mem>> -> memref<1x!tpu.dma_semaphore, #tpu.memory_space<semaphore_mem>>
        %dma_wait3A_146 = tpu.memref_squeeze %dma_wait3A_145 : memref<1x!tpu.dma_semaphore, #tpu.memory_space<semaphore_mem>> -> memref<!tpu.dma_semaphore, #tpu.memory_space<semaphore_mem>>
        %dma_wait3A_147 = arith.constant 0 : i32
        %dma_wait3A_148 = arith.constant 0 : i32
        %dma_wait3A_149 = tpu.memref_slice %arg10[%dma_wait3A_137, %dma_wait3A_147, %dma_wait3A_148] : memref<2x80x128xf32, #tpu.memory_space<vmem>> -> memref<1x80x128xf32, #tpu.memory_space<vmem>>
        %dma_wait3A_150 = tpu.memref_squeeze %dma_wait3A_149 : memref<1x80x128xf32, #tpu.memory_space<vmem>> -> memref<80x128xf32, #tpu.memory_space<vmem>>
        %dma_wait3A_151 = arith.constant 0 : i32
        %dma_wait3A_152 = tpu.memref_slice %arg2[%add3A_86, %dma_wait3A_151] : memref<320000x128xf32, #tpu.memory_space<hbm>> -> memref<80x128xf32, #tpu.memory_space<hbm>>
        tpu.wait_dma2 semaphore(%dma_wait3A_146 : memref<!tpu.dma_semaphore, #tpu.memory_space<semaphore_mem>>) src(%dma_wait3A_152 : memref<80x128xf32, #tpu.memory_space<hbm>>) dst(%dma_wait3A_150 : memref<80x128xf32, #tpu.memory_space<vmem>>)
        %dma_start3A_153 = arith.constant 0 : i32
        %dma_start3A_154 = arith.constant 0 : i32
        %dma_start3A_155 = arith.constant 0 : i32
        %dma_start3A_156 = arith.constant 0 : i32
        %dma_start3A_157 = arith.constant 0 : i32
        %dma_start3A_158 = tpu.memref_slice %arg10[%dma_start3A_153, %dma_start3A_156, %dma_start3A_157] : memref<2x80x128xf32, #tpu.memory_space<vmem>> -> memref<1x80x128xf32, #tpu.memory_space<vmem>>
        %dma_start3A_159 = tpu.memref_squeeze %dma_start3A_158 : memref<1x80x128xf32, #tpu.memory_space<vmem>> -> memref<80x128xf32, #tpu.memory_space<vmem>>
        %dma_start3A_160 = arith.constant 0 : i32
        %dma_start3A_161 = tpu.memref_slice %arg11[%dma_start3A_154, %dma_start3A_160] : memref<2x80xi32, #tpu.memory_space<vmem>> -> memref<1x80xi32, #tpu.memory_space<vmem>>
        %dma_start3A_162 = tpu.memref_squeeze %dma_start3A_161 : memref<1x80xi32, #tpu.memory_space<vmem>> -> memref<80xi32, #tpu.memory_space<vmem>>
        %dma_start3A_163 = arith.constant 0 : i32
        %dma_start3A_164 = arith.constant 0 : i32
        %dma_start3A_165 = tpu.memref_slice %arg8[%dma_start3A_163, %dma_start3A_164] : memref<10240x128xf32, #tpu.memory_space<vmem_shared>> -> memref<10240x128xf32, #tpu.memory_space<vmem_shared>>
        %dma_start3A_166 = tpu.memref_slice %arg15[%dma_start3A_155] : memref<2x!tpu.dma_semaphore, #tpu.memory_space<semaphore_mem>> -> memref<1x!tpu.dma_semaphore, #tpu.memory_space<semaphore_mem>>
        %dma_start3A_167 = tpu.memref_squeeze %dma_start3A_166 : memref<1x!tpu.dma_semaphore, #tpu.memory_space<semaphore_mem>> -> memref<!tpu.dma_semaphore, #tpu.memory_space<semaphore_mem>>
        tpu.enqueue_indirect_dma source(%dma_start3A_159 : memref<80x128xf32, #tpu.memory_space<vmem>>) target(%dma_start3A_165 : memref<10240x128xf32, #tpu.memory_space<vmem_shared>>) offsets(%dma_start3A_162 : memref<80xi32, #tpu.memory_space<vmem>>) semaphore(%dma_start3A_167 : memref<!tpu.dma_semaphore, #tpu.memory_space<semaphore_mem>>) {add = true}
        %dma_start3A_168 = arith.constant 0 : i32
        %dma_start3A_169 = arith.constant 0 : i32
        %dma_start3A_170 = arith.constant 0 : i32
        %dma_start3A_171 = tpu.memref_slice %arg11[%dma_start3A_168, %dma_start3A_170] : memref<2x80xi32, #tpu.memory_space<vmem>> -> memref<1x80xi32, #tpu.memory_space<vmem>>
        %dma_start3A_172 = tpu.memref_squeeze %dma_start3A_171 : memref<1x80xi32, #tpu.memory_space<vmem>> -> memref<80xi32, #tpu.memory_space<vmem>>
        %dma_start3A_173 = arith.constant 0 : i32
        %dma_start3A_174 = tpu.memref_slice %arg9[%dma_start3A_173] : memref<10240xf32, #tpu.memory_space<vmem_shared>> -> memref<10240xf32, #tpu.memory_space<vmem_shared>>
        %dma_start3A_175 = tpu.memref_slice %arg16[%dma_start3A_169] : memref<2x!tpu.dma_semaphore, #tpu.memory_space<semaphore_mem>> -> memref<1x!tpu.dma_semaphore, #tpu.memory_space<semaphore_mem>>
        %dma_start3A_176 = tpu.memref_squeeze %dma_start3A_175 : memref<1x!tpu.dma_semaphore, #tpu.memory_space<semaphore_mem>> -> memref<!tpu.dma_semaphore, #tpu.memory_space<semaphore_mem>>
        tpu.enqueue_indirect_dma source(%arg12 : memref<80xf32, #tpu.memory_space<vmem>>) target(%dma_start3A_174 : memref<10240xf32, #tpu.memory_space<vmem_shared>>) offsets(%dma_start3A_172 : memref<80xi32, #tpu.memory_space<vmem>>) semaphore(%dma_start3A_176 : memref<!tpu.dma_semaphore, #tpu.memory_space<semaphore_mem>>) {add = true}
      } else {
      }
      %mul3A_102 = arith.constant 2 : i32
      %mul3A_103 = arith.muli %mul3A_102, %scan3A_81 : i32
      %add3A_104 = arith.constant 1 : i32
      %add3A_105 = arith.addi %mul3A_103, %add3A_104 : i32
      %mul3A_106 = arith.constant 80 : i32
      %mul3A_107 = arith.muli %add3A_105, %mul3A_106 : i32
      %add3A_108 = arith.addi %mul3A_36, %mul3A_107 : i32
      %ge3A_109 = arith.constant 1 : i32
      %ge3A_110 = arith.cmpi sge, %add3A_105, %ge3A_109 : i32
      %convert_element_type3A_111 = arith.extui %ge3A_110 : i1 to i32
      %cond3A_112 = arith.constant 0 : i32
      %cond3A_113 = arith.cmpi ne, %convert_element_type3A_111, %cond3A_112 : i32
      scf.if %cond3A_113 {
        %dma_wait3A = arith.constant 0 : i32
        %dma_wait3A_126 = arith.constant 0 : i32
        %dma_wait3A_127 = arith.constant 0 : i32
        %dma_wait3A_128 = arith.constant 0 : i32
        %dma_wait3A_129 = arith.constant 0 : i32
        %dma_wait3A_130 = tpu.memref_slice %arg10[%dma_wait3A, %dma_wait3A_128, %dma_wait3A_129] : memref<2x80x128xf32, #tpu.memory_space<vmem>> -> memref<1x80x128xf32, #tpu.memory_space<vmem>>
        %dma_wait3A_131 = tpu.memref_squeeze %dma_wait3A_130 : memref<1x80x128xf32, #tpu.memory_space<vmem>> -> memref<80x128xf32, #tpu.memory_space<vmem>>
        %dma_wait3A_132 = arith.constant 0 : i32
        %dma_wait3A_133 = tpu.memref_slice %arg11[%dma_wait3A_126, %dma_wait3A_132] : memref<2x80xi32, #tpu.memory_space<vmem>> -> memref<1x80xi32, #tpu.memory_space<vmem>>
        %dma_wait3A_134 = tpu.memref_squeeze %dma_wait3A_133 : memref<1x80xi32, #tpu.memory_space<vmem>> -> memref<80xi32, #tpu.memory_space<vmem>>
        %dma_wait3A_135 = arith.constant 0 : i32
        %dma_wait3A_136 = arith.constant 0 : i32
        %dma_wait3A_137 = tpu.memref_slice %arg8[%dma_wait3A_135, %dma_wait3A_136] : memref<10240x128xf32, #tpu.memory_space<vmem_shared>> -> memref<10240x128xf32, #tpu.memory_space<vmem_shared>>
        %dma_wait3A_138 = tpu.memref_slice %arg15[%dma_wait3A_127] : memref<2x!tpu.dma_semaphore, #tpu.memory_space<semaphore_mem>> -> memref<1x!tpu.dma_semaphore, #tpu.memory_space<semaphore_mem>>
        %dma_wait3A_139 = tpu.memref_squeeze %dma_wait3A_138 : memref<1x!tpu.dma_semaphore, #tpu.memory_space<semaphore_mem>> -> memref<!tpu.dma_semaphore, #tpu.memory_space<semaphore_mem>>
        tpu.wait_indirect_dma semaphore(%dma_wait3A_139 : memref<!tpu.dma_semaphore, #tpu.memory_space<semaphore_mem>>) src(%dma_wait3A_131 : memref<80x128xf32, #tpu.memory_space<vmem>>) dst(%dma_wait3A_137 : memref<10240x128xf32, #tpu.memory_space<vmem_shared>>)
        %dma_wait3A_140 = arith.constant 0 : i32
        %dma_wait3A_141 = arith.constant 0 : i32
        %dma_wait3A_142 = arith.constant 0 : i32
        %dma_wait3A_143 = tpu.memref_slice %arg11[%dma_wait3A_140, %dma_wait3A_142] : memref<2x80xi32, #tpu.memory_space<vmem>> -> memref<1x80xi32, #tpu.memory_space<vmem>>
        %dma_wait3A_144 = tpu.memref_squeeze %dma_wait3A_143 : memref<1x80xi32, #tpu.memory_space<vmem>> -> memref<80xi32, #tpu.memory_space<vmem>>
        %dma_wait3A_145 = arith.constant 0 : i32
        %dma_wait3A_146 = tpu.memref_slice %arg9[%dma_wait3A_145] : memref<10240xf32, #tpu.memory_space<vmem_shared>> -> memref<10240xf32, #tpu.memory_space<vmem_shared>>
        %dma_wait3A_147 = tpu.memref_slice %arg16[%dma_wait3A_141] : memref<2x!tpu.dma_semaphore, #tpu.memory_space<semaphore_mem>> -> memref<1x!tpu.dma_semaphore, #tpu.memory_space<semaphore_mem>>
        %dma_wait3A_148 = tpu.memref_squeeze %dma_wait3A_147 : memref<1x!tpu.dma_semaphore, #tpu.memory_space<semaphore_mem>> -> memref<!tpu.dma_semaphore, #tpu.memory_space<semaphore_mem>>
        tpu.wait_indirect_dma semaphore(%dma_wait3A_148 : memref<!tpu.dma_semaphore, #tpu.memory_space<semaphore_mem>>) src(%arg12 : memref<80xf32, #tpu.memory_space<vmem>>) dst(%dma_wait3A_146 : memref<10240xf32, #tpu.memory_space<vmem_shared>>)
      } else {
      }
      %add3A_114 = arith.constant 1 : i32
      %add3A_115 = arith.addi %add3A_105, %add3A_114 : i32
      %lt3A_116 = arith.constant 125 : i32
      %lt3A_117 = arith.cmpi slt, %add3A_115, %lt3A_116 : i32
      %convert_element_type3A_118 = arith.extui %lt3A_117 : i1 to i32
      %cond3A_119 = arith.constant 0 : i32
      %cond3A_120 = arith.cmpi ne, %convert_element_type3A_118, %cond3A_119 : i32
      scf.if %cond3A_120 {
        %add3A_126 = arith.constant 1 : i32
        %add3A_127 = arith.addi %add3A_105, %add3A_126 : i32
        %mul3A_128 = arith.constant 80 : i32
        %mul3A_129 = arith.muli %add3A_127, %mul3A_128 : i32
        %add3A_130 = arith.addi %mul3A_36, %mul3A_129 : i32
        %dma_start3A_131 = arith.constant 0 : i32
        %dma_start3A_132 = arith.constant 0 : i32
        %dma_start3A_133 = arith.constant 0 : i32
        %dma_start3A_134 = tpu.memref_slice %arg11[%dma_start3A_131, %dma_start3A_133] : memref<2x80xi32, #tpu.memory_space<vmem>> -> memref<1x80xi32, #tpu.memory_space<vmem>>
        %dma_start3A_135 = tpu.memref_squeeze %dma_start3A_134 : memref<1x80xi32, #tpu.memory_space<vmem>> -> memref<80xi32, #tpu.memory_space<vmem>>
        %dma_start3A_136 = tpu.memref_slice %arg3[%add3A_130] : memref<320000xi32, #tpu.memory_space<hbm>> -> memref<80xi32, #tpu.memory_space<hbm>>
        %dma_start3A_137 = tpu.memref_slice %arg13[%dma_start3A_132] : memref<2x!tpu.dma_semaphore, #tpu.memory_space<semaphore_mem>> -> memref<1x!tpu.dma_semaphore, #tpu.memory_space<semaphore_mem>>
        %dma_start3A_138 = tpu.memref_squeeze %dma_start3A_137 : memref<1x!tpu.dma_semaphore, #tpu.memory_space<semaphore_mem>> -> memref<!tpu.dma_semaphore, #tpu.memory_space<semaphore_mem>>
        %dma_start3A_139 = arith.constant 0 : i32
        %dma_start3A_140 = tpu.memref_slice %arg11[%dma_start3A_131, %dma_start3A_139] : memref<2x80xi32, #tpu.memory_space<vmem>> -> memref<1x80xi32, #tpu.memory_space<vmem>>
        %dma_start3A_141 = tpu.memref_squeeze %dma_start3A_140 : memref<1x80xi32, #tpu.memory_space<vmem>> -> memref<80xi32, #tpu.memory_space<vmem>>
        %dma_start3A_142 = tpu.memref_slice %arg3[%add3A_130] : memref<320000xi32, #tpu.memory_space<hbm>> -> memref<80xi32, #tpu.memory_space<hbm>>
        tpu.enqueue_dma source(%dma_start3A_142 : memref<80xi32, #tpu.memory_space<hbm>>) target(%dma_start3A_141 : memref<80xi32, #tpu.memory_space<vmem>>) target_semaphore(%dma_start3A_138 : memref<!tpu.dma_semaphore, #tpu.memory_space<semaphore_mem>>)
        %dma_start3A_143 = arith.constant 0 : i32
        %dma_start3A_144 = arith.constant 0 : i32
        %dma_start3A_145 = arith.constant 0 : i32
        %dma_start3A_146 = arith.constant 0 : i32
        %dma_start3A_147 = tpu.memref_slice %arg10[%dma_start3A_143, %dma_start3A_145, %dma_start3A_146] : memref<2x80x128xf32, #tpu.memory_space<vmem>> -> memref<1x80x128xf32, #tpu.memory_space<vmem>>
        %dma_start3A_148 = tpu.memref_squeeze %dma_start3A_147 : memref<1x80x128xf32, #tpu.memory_space<vmem>> -> memref<80x128xf32, #tpu.memory_space<vmem>>
        %dma_start3A_149 = arith.constant 0 : i32
        %dma_start3A_150 = tpu.memref_slice %arg2[%add3A_130, %dma_start3A_149] : memref<320000x128xf32, #tpu.memory_space<hbm>> -> memref<80x128xf32, #tpu.memory_space<hbm>>
        %dma_start3A_151 = tpu.memref_slice %arg14[%dma_start3A_144] : memref<2x!tpu.dma_semaphore, #tpu.memory_space<semaphore_mem>> -> memref<1x!tpu.dma_semaphore, #tpu.memory_space<semaphore_mem>>
        %dma_start3A_152 = tpu.memref_squeeze %dma_start3A_151 : memref<1x!tpu.dma_semaphore, #tpu.memory_space<semaphore_mem>> -> memref<!tpu.dma_semaphore, #tpu.memory_space<semaphore_mem>>
        %dma_start3A_153 = arith.constant 0 : i32
        %dma_start3A_154 = arith.constant 0 : i32
        %dma_start3A_155 = tpu.memref_slice %arg10[%dma_start3A_143, %dma_start3A_153, %dma_start3A_154] : memref<2x80x128xf32, #tpu.memory_space<vmem>> -> memref<1x80x128xf32, #tpu.memory_space<vmem>>
        %dma_start3A_156 = tpu.memref_squeeze %dma_start3A_155 : memref<1x80x128xf32, #tpu.memory_space<vmem>> -> memref<80x128xf32, #tpu.memory_space<vmem>>
        %dma_start3A_157 = arith.constant 0 : i32
        %dma_start3A_158 = tpu.memref_slice %arg2[%add3A_130, %dma_start3A_157] : memref<320000x128xf32, #tpu.memory_space<hbm>> -> memref<80x128xf32, #tpu.memory_space<hbm>>
        tpu.enqueue_dma source(%dma_start3A_158 : memref<80x128xf32, #tpu.memory_space<hbm>>) target(%dma_start3A_156 : memref<80x128xf32, #tpu.memory_space<vmem>>) target_semaphore(%dma_start3A_152 : memref<!tpu.dma_semaphore, #tpu.memory_space<semaphore_mem>>)
      } else {
      }
      %lt3A_121 = arith.constant 125 : i32
      %lt3A_122 = arith.cmpi slt, %add3A_105, %lt3A_121 : i32
      %convert_element_type3A_123 = arith.extui %lt3A_122 : i1 to i32
      %cond3A_124 = arith.constant 0 : i32
      %cond3A_125 = arith.cmpi ne, %convert_element_type3A_123, %cond3A_124 : i32
      scf.if %cond3A_125 {
        %dma_wait3A = arith.constant 1 : i32
        %dma_wait3A_126 = arith.constant 1 : i32
        %dma_wait3A_127 = arith.constant 0 : i32
        %dma_wait3A_128 = tpu.memref_slice %arg11[%dma_wait3A, %dma_wait3A_127] : memref<2x80xi32, #tpu.memory_space<vmem>> -> memref<1x80xi32, #tpu.memory_space<vmem>>
        %dma_wait3A_129 = tpu.memref_squeeze %dma_wait3A_128 : memref<1x80xi32, #tpu.memory_space<vmem>> -> memref<80xi32, #tpu.memory_space<vmem>>
        %dma_wait3A_130 = tpu.memref_slice %arg3[%add3A_108] : memref<320000xi32, #tpu.memory_space<hbm>> -> memref<80xi32, #tpu.memory_space<hbm>>
        %dma_wait3A_131 = tpu.memref_slice %arg13[%dma_wait3A_126] : memref<2x!tpu.dma_semaphore, #tpu.memory_space<semaphore_mem>> -> memref<1x!tpu.dma_semaphore, #tpu.memory_space<semaphore_mem>>
        %dma_wait3A_132 = tpu.memref_squeeze %dma_wait3A_131 : memref<1x!tpu.dma_semaphore, #tpu.memory_space<semaphore_mem>> -> memref<!tpu.dma_semaphore, #tpu.memory_space<semaphore_mem>>
        %dma_wait3A_133 = arith.constant 0 : i32
        %dma_wait3A_134 = tpu.memref_slice %arg11[%dma_wait3A, %dma_wait3A_133] : memref<2x80xi32, #tpu.memory_space<vmem>> -> memref<1x80xi32, #tpu.memory_space<vmem>>
        %dma_wait3A_135 = tpu.memref_squeeze %dma_wait3A_134 : memref<1x80xi32, #tpu.memory_space<vmem>> -> memref<80xi32, #tpu.memory_space<vmem>>
        %dma_wait3A_136 = tpu.memref_slice %arg3[%add3A_108] : memref<320000xi32, #tpu.memory_space<hbm>> -> memref<80xi32, #tpu.memory_space<hbm>>
        tpu.wait_dma2 semaphore(%dma_wait3A_132 : memref<!tpu.dma_semaphore, #tpu.memory_space<semaphore_mem>>) src(%dma_wait3A_136 : memref<80xi32, #tpu.memory_space<hbm>>) dst(%dma_wait3A_135 : memref<80xi32, #tpu.memory_space<vmem>>)
        %dma_wait3A_137 = arith.constant 1 : i32
        %dma_wait3A_138 = arith.constant 1 : i32
        %dma_wait3A_139 = arith.constant 0 : i32
        %dma_wait3A_140 = arith.constant 0 : i32
        %dma_wait3A_141 = tpu.memref_slice %arg10[%dma_wait3A_137, %dma_wait3A_139, %dma_wait3A_140] : memref<2x80x128xf32, #tpu.memory_space<vmem>> -> memref<1x80x128xf32, #tpu.memory_space<vmem>>
        %dma_wait3A_142 = tpu.memref_squeeze %dma_wait3A_141 : memref<1x80x128xf32, #tpu.memory_space<vmem>> -> memref<80x128xf32, #tpu.memory_space<vmem>>
        %dma_wait3A_143 = arith.constant 0 : i32
        %dma_wait3A_144 = tpu.memref_slice %arg2[%add3A_108, %dma_wait3A_143] : memref<320000x128xf32, #tpu.memory_space<hbm>> -> memref<80x128xf32, #tpu.memory_space<hbm>>
        %dma_wait3A_145 = tpu.memref_slice %arg14[%dma_wait3A_138] : memref<2x!tpu.dma_semaphore, #tpu.memory_space<semaphore_mem>> -> memref<1x!tpu.dma_semaphore, #tpu.memory_space<semaphore_mem>>
        %dma_wait3A_146 = tpu.memref_squeeze %dma_wait3A_145 : memref<1x!tpu.dma_semaphore, #tpu.memory_space<semaphore_mem>> -> memref<!tpu.dma_semaphore, #tpu.memory_space<semaphore_mem>>
        %dma_wait3A_147 = arith.constant 0 : i32
        %dma_wait3A_148 = arith.constant 0 : i32
        %dma_wait3A_149 = tpu.memref_slice %arg10[%dma_wait3A_137, %dma_wait3A_147, %dma_wait3A_148] : memref<2x80x128xf32, #tpu.memory_space<vmem>> -> memref<1x80x128xf32, #tpu.memory_space<vmem>>
        %dma_wait3A_150 = tpu.memref_squeeze %dma_wait3A_149 : memref<1x80x128xf32, #tpu.memory_space<vmem>> -> memref<80x128xf32, #tpu.memory_space<vmem>>
        %dma_wait3A_151 = arith.constant 0 : i32
        %dma_wait3A_152 = tpu.memref_slice %arg2[%add3A_108, %dma_wait3A_151] : memref<320000x128xf32, #tpu.memory_space<hbm>> -> memref<80x128xf32, #tpu.memory_space<hbm>>
        tpu.wait_dma2 semaphore(%dma_wait3A_146 : memref<!tpu.dma_semaphore, #tpu.memory_space<semaphore_mem>>) src(%dma_wait3A_152 : memref<80x128xf32, #tpu.memory_space<hbm>>) dst(%dma_wait3A_150 : memref<80x128xf32, #tpu.memory_space<vmem>>)
        %dma_start3A_153 = arith.constant 1 : i32
        %dma_start3A_154 = arith.constant 1 : i32
        %dma_start3A_155 = arith.constant 1 : i32
        %dma_start3A_156 = arith.constant 0 : i32
        %dma_start3A_157 = arith.constant 0 : i32
        %dma_start3A_158 = tpu.memref_slice %arg10[%dma_start3A_153, %dma_start3A_156, %dma_start3A_157] : memref<2x80x128xf32, #tpu.memory_space<vmem>> -> memref<1x80x128xf32, #tpu.memory_space<vmem>>
        %dma_start3A_159 = tpu.memref_squeeze %dma_start3A_158 : memref<1x80x128xf32, #tpu.memory_space<vmem>> -> memref<80x128xf32, #tpu.memory_space<vmem>>
        %dma_start3A_160 = arith.constant 0 : i32
        %dma_start3A_161 = tpu.memref_slice %arg11[%dma_start3A_154, %dma_start3A_160] : memref<2x80xi32, #tpu.memory_space<vmem>> -> memref<1x80xi32, #tpu.memory_space<vmem>>
        %dma_start3A_162 = tpu.memref_squeeze %dma_start3A_161 : memref<1x80xi32, #tpu.memory_space<vmem>> -> memref<80xi32, #tpu.memory_space<vmem>>
        %dma_start3A_163 = arith.constant 0 : i32
        %dma_start3A_164 = arith.constant 0 : i32
        %dma_start3A_165 = tpu.memref_slice %arg8[%dma_start3A_163, %dma_start3A_164] : memref<10240x128xf32, #tpu.memory_space<vmem_shared>> -> memref<10240x128xf32, #tpu.memory_space<vmem_shared>>
        %dma_start3A_166 = tpu.memref_slice %arg15[%dma_start3A_155] : memref<2x!tpu.dma_semaphore, #tpu.memory_space<semaphore_mem>> -> memref<1x!tpu.dma_semaphore, #tpu.memory_space<semaphore_mem>>
        %dma_start3A_167 = tpu.memref_squeeze %dma_start3A_166 : memref<1x!tpu.dma_semaphore, #tpu.memory_space<semaphore_mem>> -> memref<!tpu.dma_semaphore, #tpu.memory_space<semaphore_mem>>
        tpu.enqueue_indirect_dma source(%dma_start3A_159 : memref<80x128xf32, #tpu.memory_space<vmem>>) target(%dma_start3A_165 : memref<10240x128xf32, #tpu.memory_space<vmem_shared>>) offsets(%dma_start3A_162 : memref<80xi32, #tpu.memory_space<vmem>>) semaphore(%dma_start3A_167 : memref<!tpu.dma_semaphore, #tpu.memory_space<semaphore_mem>>) {add = true}
        %dma_start3A_168 = arith.constant 1 : i32
        %dma_start3A_169 = arith.constant 1 : i32
        %dma_start3A_170 = arith.constant 0 : i32
        %dma_start3A_171 = tpu.memref_slice %arg11[%dma_start3A_168, %dma_start3A_170] : memref<2x80xi32, #tpu.memory_space<vmem>> -> memref<1x80xi32, #tpu.memory_space<vmem>>
        %dma_start3A_172 = tpu.memref_squeeze %dma_start3A_171 : memref<1x80xi32, #tpu.memory_space<vmem>> -> memref<80xi32, #tpu.memory_space<vmem>>
        %dma_start3A_173 = arith.constant 0 : i32
        %dma_start3A_174 = tpu.memref_slice %arg9[%dma_start3A_173] : memref<10240xf32, #tpu.memory_space<vmem_shared>> -> memref<10240xf32, #tpu.memory_space<vmem_shared>>
        %dma_start3A_175 = tpu.memref_slice %arg16[%dma_start3A_169] : memref<2x!tpu.dma_semaphore, #tpu.memory_space<semaphore_mem>> -> memref<1x!tpu.dma_semaphore, #tpu.memory_space<semaphore_mem>>
        %dma_start3A_176 = tpu.memref_squeeze %dma_start3A_175 : memref<1x!tpu.dma_semaphore, #tpu.memory_space<semaphore_mem>> -> memref<!tpu.dma_semaphore, #tpu.memory_space<semaphore_mem>>
        tpu.enqueue_indirect_dma source(%arg12 : memref<80xf32, #tpu.memory_space<vmem>>) target(%dma_start3A_174 : memref<10240xf32, #tpu.memory_space<vmem_shared>>) offsets(%dma_start3A_172 : memref<80xi32, #tpu.memory_space<vmem>>) semaphore(%dma_start3A_176 : memref<!tpu.dma_semaphore, #tpu.memory_space<semaphore_mem>>) {add = true}
      } else {
      }
    }
    %scan3A_70 = arith.constant 63 : i32
    %barrier3A_71 = arith.constant 0 : index
    tpu.barrier barrier_id(%barrier3A_71)
    %mul3A_72 = arith.constant 640 : i32
    %mul3A_73 = arith.muli %arg1, %mul3A_72 : i32
    %mul3A_74 = arith.constant 640 : i32
    %mul3A_75 = arith.muli %arg1, %mul3A_74 : i32
    "tpu.region"() ({
      %run_scoped3A = tpu.sem_alloc : memref<!tpu.dma_semaphore, #tpu.memory_space<semaphore_mem>>
      %dma_start3A_81 = arith.constant 0 : i32
      %dma_start3A_82 = arith.constant 0 : i32
      %dma_start3A_83 = tpu.memref_slice %arg6[%arg0, %dma_start3A_81, %dma_start3A_82] : memref<2x10240x128xf32, #tpu.memory_space<hbm>> -> memref<1x10240x128xf32, #tpu.memory_space<hbm>>
      %dma_start3A_84 = tpu.memref_squeeze %dma_start3A_83 : memref<1x10240x128xf32, #tpu.memory_space<hbm>> -> memref<10240x128xf32, #tpu.memory_space<hbm>>
      %dma_start3A_85 = arith.constant 0 : i32
      %dma_start3A_86 = tpu.memref_slice %dma_start3A_84[%mul3A_75, %dma_start3A_85] : memref<10240x128xf32, #tpu.memory_space<hbm>> -> memref<640x128xf32, #tpu.memory_space<hbm>>
      %dma_start3A_87 = arith.constant 0 : i32
      %dma_start3A_88 = tpu.memref_slice %arg8[%mul3A_73, %dma_start3A_87] : memref<10240x128xf32, #tpu.memory_space<vmem_shared>> -> memref<640x128xf32, #tpu.memory_space<vmem_shared>>
      tpu.enqueue_dma source(%dma_start3A_88 : memref<640x128xf32, #tpu.memory_space<vmem_shared>>) target(%dma_start3A_86 : memref<640x128xf32, #tpu.memory_space<hbm>>) target_semaphore(%run_scoped3A : memref<!tpu.dma_semaphore, #tpu.memory_space<semaphore_mem>>)
      %dma_wait3A = arith.constant 0 : i32
      %dma_wait3A_89 = arith.constant 0 : i32
      %dma_wait3A_90 = tpu.memref_slice %arg6[%arg0, %dma_wait3A, %dma_wait3A_89] : memref<2x10240x128xf32, #tpu.memory_space<hbm>> -> memref<1x10240x128xf32, #tpu.memory_space<hbm>>
      %dma_wait3A_91 = tpu.memref_squeeze %dma_wait3A_90 : memref<1x10240x128xf32, #tpu.memory_space<hbm>> -> memref<10240x128xf32, #tpu.memory_space<hbm>>
      %dma_wait3A_92 = arith.constant 0 : i32
      %dma_wait3A_93 = tpu.memref_slice %dma_wait3A_91[%mul3A_75, %dma_wait3A_92] : memref<10240x128xf32, #tpu.memory_space<hbm>> -> memref<640x128xf32, #tpu.memory_space<hbm>>
      %dma_wait3A_94 = arith.constant 0 : i32
      %dma_wait3A_95 = tpu.memref_slice %arg8[%mul3A_73, %dma_wait3A_94] : memref<10240x128xf32, #tpu.memory_space<vmem_shared>> -> memref<640x128xf32, #tpu.memory_space<vmem_shared>>
      tpu.wait_dma2 semaphore(%run_scoped3A : memref<!tpu.dma_semaphore, #tpu.memory_space<semaphore_mem>>) src(%dma_wait3A_95 : memref<640x128xf32, #tpu.memory_space<vmem_shared>>) dst(%dma_wait3A_93 : memref<640x128xf32, #tpu.memory_space<hbm>>)
      tpu.yield
    }) : () -> ()
    %eq3A_76 = arith.constant 0 : i32
    %eq3A_77 = arith.cmpi eq, %arg1, %eq3A_76 : i32
    %convert_element_type3A_78 = arith.extui %eq3A_77 : i1 to i32
    %cond3A_79 = arith.constant 0 : i32
    %cond3A_80 = arith.cmpi ne, %convert_element_type3A_78, %cond3A_79 : i32
    scf.if %cond3A_80 {
      "tpu.region"() ({
        %run_scoped3A = tpu.sem_alloc : memref<!tpu.dma_semaphore, #tpu.memory_space<semaphore_mem>>
        %dma_start3A_81 = arith.constant 0 : i32
        %dma_start3A_82 = tpu.memref_slice %arg7[%arg0, %dma_start3A_81] : memref<2x10240xf32, #tpu.memory_space<hbm>> -> memref<1x10240xf32, #tpu.memory_space<hbm>>
        %dma_start3A_83 = tpu.memref_squeeze %dma_start3A_82 : memref<1x10240xf32, #tpu.memory_space<hbm>> -> memref<10240xf32, #tpu.memory_space<hbm>>
        tpu.enqueue_dma source(%arg9 : memref<10240xf32, #tpu.memory_space<vmem_shared>>) target(%dma_start3A_83 : memref<10240xf32, #tpu.memory_space<hbm>>) target_semaphore(%run_scoped3A : memref<!tpu.dma_semaphore, #tpu.memory_space<semaphore_mem>>)
        %dma_wait3A = arith.constant 0 : i32
        %dma_wait3A_84 = tpu.memref_slice %arg7[%arg0, %dma_wait3A] : memref<2x10240xf32, #tpu.memory_space<hbm>> -> memref<1x10240xf32, #tpu.memory_space<hbm>>
        %dma_wait3A_85 = tpu.memref_squeeze %dma_wait3A_84 : memref<1x10240xf32, #tpu.memory_space<hbm>> -> memref<10240xf32, #tpu.memory_space<hbm>>
        tpu.wait_dma2 semaphore(%run_scoped3A : memref<!tpu.dma_semaphore, #tpu.memory_space<semaphore_mem>>) src(%arg9 : memref<10240xf32, #tpu.memory_space<vmem_shared>>) dst(%dma_wait3A_85 : memref<10240xf32, #tpu.memory_space<hbm>>)
        tpu.yield
      }) : () -> ()
    } else {
    }
    return
  }
}

#map = affine_map<(d0, d1) -> (0, 0)>
#map1 = affine_map<(d0, d1) -> (0, 0, 0)>
module attributes {stable_mosaic.version = 14 : i64} {
  func.func @_final_tec(%arg0: i32, %arg1: i32, %arg2: memref<320000x128xf32, #tpu.memory_space<hbm>>, %arg3: memref<10240x128xf32, #tpu.memory_space<hbm>>, %arg4: memref<10240x128xf32, #tpu.memory_space<hbm>>, %arg5: memref<2500x2x128xi32, #tpu.memory_space<hbm>>, %arg6: memref<320000x128xf32, #tpu.memory_space<hbm>>, %arg7: memref<2x128x128xf32, #tpu.memory_space<vmem>>, %arg8: memref<2x128x128xf32, #tpu.memory_space<vmem>>, %arg9: memref<2x128x128xf32, #tpu.memory_space<vmem>>, %arg10: memref<2x2x128xi32, #tpu.memory_space<vmem>>, %arg11: memref<2x!tpu.dma_semaphore, #tpu.memory_space<semaphore_mem>>, %arg12: memref<2x!tpu.dma_semaphore, #tpu.memory_space<semaphore_mem>>, %arg13: memref<2x!tpu.dma_semaphore, #tpu.memory_space<semaphore_mem>>, %arg14: memref<2x!tpu.dma_semaphore, #tpu.memory_space<semaphore_mem>>, %arg15: memref<2x!tpu.dma_semaphore, #tpu.memory_space<semaphore_mem>>) attributes {dimension_semantics = [#tpu.dimension_semantics<core_parallel>, #tpu.dimension_semantics<subcore_parallel>], iteration_bounds = array<i64: 2, 16>, scalar_prefetch = 0 : i64, scratch_operands = 9 : i64, tpu.core_type = #tpu.core_type<sc_vector_subcore>, window_params = [{transform_indices = #map}, {transform_indices = #map}, {transform_indices = #map}, {transform_indices = #map1}, {transform_indices = #map}]} {
    %mul3A = arith.constant 16 : i32
    %mul3A_0 = arith.muli %arg0, %mul3A : i32
    %add3A = arith.addi %mul3A_0, %arg1 : i32
    %lt3A = arith.constant 4 : i32
    %lt3A_1 = arith.cmpi slt, %add3A, %lt3A : i32
    %jit3A = arith.constant 79 : i32
    %jit3A_2 = arith.constant 78 : i32
    %select_n3A = arith.select %lt3A_1, %jit3A, %jit3A_2 : i32
    %add3A_3 = arith.constant 0 : i32
    %add3A_4 = arith.addi %add3A, %add3A_3 : i32
    %dma_start3A = arith.constant 0 : i32
    %dma_start3A_5 = arith.constant 0 : i32
    %dma_start3A_6 = arith.constant 0 : i32
    %dma_start3A_7 = arith.constant 0 : i32
    %dma_start3A_8 = tpu.memref_slice %arg10[%dma_start3A, %dma_start3A_6, %dma_start3A_7] : memref<2x2x128xi32, #tpu.memory_space<vmem>> -> memref<1x2x128xi32, #tpu.memory_space<vmem>>
    %dma_start3A_9 = tpu.memref_squeeze %dma_start3A_8 : memref<1x2x128xi32, #tpu.memory_space<vmem>> -> memref<2x128xi32, #tpu.memory_space<vmem>>
    %dma_start3A_10 = arith.constant 0 : i32
    %dma_start3A_11 = arith.constant 0 : i32
    %dma_start3A_12 = tpu.memref_slice %arg5[%add3A_4, %dma_start3A_10, %dma_start3A_11] : memref<2500x2x128xi32, #tpu.memory_space<hbm>> -> memref<1x2x128xi32, #tpu.memory_space<hbm>>
    %dma_start3A_13 = tpu.memref_squeeze %dma_start3A_12 : memref<1x2x128xi32, #tpu.memory_space<hbm>> -> memref<2x128xi32, #tpu.memory_space<hbm>>
    %dma_start3A_14 = tpu.memref_slice %arg11[%dma_start3A_5] : memref<2x!tpu.dma_semaphore, #tpu.memory_space<semaphore_mem>> -> memref<1x!tpu.dma_semaphore, #tpu.memory_space<semaphore_mem>>
    %dma_start3A_15 = tpu.memref_squeeze %dma_start3A_14 : memref<1x!tpu.dma_semaphore, #tpu.memory_space<semaphore_mem>> -> memref<!tpu.dma_semaphore, #tpu.memory_space<semaphore_mem>>
    %dma_start3A_16 = arith.constant 0 : i32
    %dma_start3A_17 = arith.constant 0 : i32
    %dma_start3A_18 = tpu.memref_slice %arg10[%dma_start3A, %dma_start3A_16, %dma_start3A_17] : memref<2x2x128xi32, #tpu.memory_space<vmem>> -> memref<1x2x128xi32, #tpu.memory_space<vmem>>
    %dma_start3A_19 = tpu.memref_squeeze %dma_start3A_18 : memref<1x2x128xi32, #tpu.memory_space<vmem>> -> memref<2x128xi32, #tpu.memory_space<vmem>>
    %dma_start3A_20 = arith.constant 0 : i32
    %dma_start3A_21 = arith.constant 0 : i32
    %dma_start3A_22 = tpu.memref_slice %arg5[%add3A_4, %dma_start3A_20, %dma_start3A_21] : memref<2500x2x128xi32, #tpu.memory_space<hbm>> -> memref<1x2x128xi32, #tpu.memory_space<hbm>>
    %dma_start3A_23 = tpu.memref_squeeze %dma_start3A_22 : memref<1x2x128xi32, #tpu.memory_space<hbm>> -> memref<2x128xi32, #tpu.memory_space<hbm>>
    tpu.enqueue_dma source(%dma_start3A_23 : memref<2x128xi32, #tpu.memory_space<hbm>>) target(%dma_start3A_19 : memref<2x128xi32, #tpu.memory_space<vmem>>) target_semaphore(%dma_start3A_15 : memref<!tpu.dma_semaphore, #tpu.memory_space<semaphore_mem>>)
    %scan3A = arith.constant 0 : i32
    %scan3A_24 = arith.constant 0 : i32
    %scan3A_25 = arith.constant 40 : i32
    %scan3A_26 = arith.addi %scan3A_24, %scan3A_25 : i32
    %scan3A_27 = arith.constant 1 : i32
    scf.for %scan3A_49 = %scan3A_24 to %scan3A_26 step %scan3A_27  : i32 {
      %mul3A_50 = arith.constant 2 : i32
      %mul3A_51 = arith.muli %mul3A_50, %scan3A_49 : i32
      %mul3A_52 = arith.constant 32 : i32
      %mul3A_53 = arith.muli %mul3A_51, %mul3A_52 : i32
      %add3A_54 = arith.addi %add3A, %mul3A_53 : i32
      %mul3A_55 = arith.constant 128 : i32
      %mul3A_56 = arith.muli %add3A_54, %mul3A_55 : i32
      %sub3A_57 = arith.constant 1 : i32
      %sub3A_58 = arith.subi %mul3A_51, %sub3A_57 : i32
      %mul3A_59 = arith.constant 32 : i32
      %mul3A_60 = arith.muli %sub3A_58, %mul3A_59 : i32
      %add3A_61 = arith.addi %add3A, %mul3A_60 : i32
      %mul3A_62 = arith.constant 128 : i32
      %mul3A_63 = arith.muli %add3A_61, %mul3A_62 : i32
      %lt3A_64 = arith.cmpi slt, %mul3A_51, %select_n3A : i32
      %convert_element_type3A = arith.extui %lt3A_64 : i1 to i32
      %cond3A = arith.constant 0 : i32
      %cond3A_65 = arith.cmpi ne, %convert_element_type3A, %cond3A : i32
      scf.if %cond3A_65 {
        %mul3A_145 = arith.constant 32 : i32
        %mul3A_146 = arith.muli %mul3A_51, %mul3A_145 : i32
        %add3A_147 = arith.addi %add3A, %mul3A_146 : i32
        %dma_wait3A_148 = arith.constant 0 : i32
        %dma_wait3A_149 = arith.constant 0 : i32
        %dma_wait3A_150 = arith.constant 0 : i32
        %dma_wait3A_151 = arith.constant 0 : i32
        %dma_wait3A_152 = tpu.memref_slice %arg10[%dma_wait3A_148, %dma_wait3A_150, %dma_wait3A_151] : memref<2x2x128xi32, #tpu.memory_space<vmem>> -> memref<1x2x128xi32, #tpu.memory_space<vmem>>
        %dma_wait3A_153 = tpu.memref_squeeze %dma_wait3A_152 : memref<1x2x128xi32, #tpu.memory_space<vmem>> -> memref<2x128xi32, #tpu.memory_space<vmem>>
        %dma_wait3A_154 = arith.constant 0 : i32
        %dma_wait3A_155 = arith.constant 0 : i32
        %dma_wait3A_156 = tpu.memref_slice %arg5[%add3A_147, %dma_wait3A_154, %dma_wait3A_155] : memref<2500x2x128xi32, #tpu.memory_space<hbm>> -> memref<1x2x128xi32, #tpu.memory_space<hbm>>
        %dma_wait3A_157 = tpu.memref_squeeze %dma_wait3A_156 : memref<1x2x128xi32, #tpu.memory_space<hbm>> -> memref<2x128xi32, #tpu.memory_space<hbm>>
        %dma_wait3A_158 = tpu.memref_slice %arg11[%dma_wait3A_149] : memref<2x!tpu.dma_semaphore, #tpu.memory_space<semaphore_mem>> -> memref<1x!tpu.dma_semaphore, #tpu.memory_space<semaphore_mem>>
        %dma_wait3A_159 = tpu.memref_squeeze %dma_wait3A_158 : memref<1x!tpu.dma_semaphore, #tpu.memory_space<semaphore_mem>> -> memref<!tpu.dma_semaphore, #tpu.memory_space<semaphore_mem>>
        %dma_wait3A_160 = arith.constant 0 : i32
        %dma_wait3A_161 = arith.constant 0 : i32
        %dma_wait3A_162 = tpu.memref_slice %arg10[%dma_wait3A_148, %dma_wait3A_160, %dma_wait3A_161] : memref<2x2x128xi32, #tpu.memory_space<vmem>> -> memref<1x2x128xi32, #tpu.memory_space<vmem>>
        %dma_wait3A_163 = tpu.memref_squeeze %dma_wait3A_162 : memref<1x2x128xi32, #tpu.memory_space<vmem>> -> memref<2x128xi32, #tpu.memory_space<vmem>>
        %dma_wait3A_164 = arith.constant 0 : i32
        %dma_wait3A_165 = arith.constant 0 : i32
        %dma_wait3A_166 = tpu.memref_slice %arg5[%add3A_147, %dma_wait3A_164, %dma_wait3A_165] : memref<2500x2x128xi32, #tpu.memory_space<hbm>> -> memref<1x2x128xi32, #tpu.memory_space<hbm>>
        %dma_wait3A_167 = tpu.memref_squeeze %dma_wait3A_166 : memref<1x2x128xi32, #tpu.memory_space<hbm>> -> memref<2x128xi32, #tpu.memory_space<hbm>>
        tpu.wait_dma2 semaphore(%dma_wait3A_159 : memref<!tpu.dma_semaphore, #tpu.memory_space<semaphore_mem>>) src(%dma_wait3A_167 : memref<2x128xi32, #tpu.memory_space<hbm>>) dst(%dma_wait3A_163 : memref<2x128xi32, #tpu.memory_space<vmem>>)
      } else {
      }
      %ge3A = arith.constant 1 : i32
      %ge3A_66 = arith.cmpi sge, %mul3A_51, %ge3A : i32
      %le3A = arith.cmpi sle, %mul3A_51, %select_n3A : i32
      %and3A = arith.andi %ge3A_66, %le3A : i1
      %convert_element_type3A_67 = arith.extui %and3A : i1 to i32
      %cond3A_68 = arith.constant 0 : i32
      %cond3A_69 = arith.cmpi ne, %convert_element_type3A_67, %cond3A_68 : i32
      scf.if %cond3A_69 {
        %dma_wait3A_145 = arith.constant 1 : i32
        %dma_wait3A_146 = arith.constant 0 : i32
        %dma_wait3A_147 = arith.constant 1 : i32
        %dma_wait3A_148 = arith.constant 1 : i32
        %dma_wait3A_149 = arith.constant 0 : i32
        %dma_wait3A_150 = arith.constant 0 : i32
        %dma_wait3A_151 = tpu.memref_slice %arg8[%dma_wait3A_147, %dma_wait3A_149, %dma_wait3A_150] : memref<2x128x128xf32, #tpu.memory_space<vmem>> -> memref<1x128x128xf32, #tpu.memory_space<vmem>>
        %dma_wait3A_152 = tpu.memref_squeeze %dma_wait3A_151 : memref<1x128x128xf32, #tpu.memory_space<vmem>> -> memref<128x128xf32, #tpu.memory_space<vmem>>
        %dma_wait3A_153 = arith.constant 0 : i32
        %dma_wait3A_154 = arith.constant 0 : i32
        %dma_wait3A_155 = tpu.memref_slice %arg10[%dma_wait3A_145, %dma_wait3A_153, %dma_wait3A_154] : memref<2x2x128xi32, #tpu.memory_space<vmem>> -> memref<1x2x128xi32, #tpu.memory_space<vmem>>
        %dma_wait3A_156 = tpu.memref_squeeze %dma_wait3A_155 : memref<1x2x128xi32, #tpu.memory_space<vmem>> -> memref<2x128xi32, #tpu.memory_space<vmem>>
        %dma_wait3A_157 = arith.constant 0 : i32
        %dma_wait3A_158 = tpu.memref_slice %dma_wait3A_156[%dma_wait3A_146, %dma_wait3A_157] : memref<2x128xi32, #tpu.memory_space<vmem>> -> memref<1x128xi32, #tpu.memory_space<vmem>>
        %dma_wait3A_159 = tpu.memref_squeeze %dma_wait3A_158 : memref<1x128xi32, #tpu.memory_space<vmem>> -> memref<128xi32, #tpu.memory_space<vmem>>
        %dma_wait3A_160 = arith.constant 0 : i32
        %dma_wait3A_161 = arith.constant 0 : i32
        %dma_wait3A_162 = tpu.memref_slice %arg3[%dma_wait3A_160, %dma_wait3A_161] : memref<10240x128xf32, #tpu.memory_space<hbm>> -> memref<10240x128xf32, #tpu.memory_space<hbm>>
        %dma_wait3A_163 = tpu.memref_slice %arg12[%dma_wait3A_148] : memref<2x!tpu.dma_semaphore, #tpu.memory_space<semaphore_mem>> -> memref<1x!tpu.dma_semaphore, #tpu.memory_space<semaphore_mem>>
        %dma_wait3A_164 = tpu.memref_squeeze %dma_wait3A_163 : memref<1x!tpu.dma_semaphore, #tpu.memory_space<semaphore_mem>> -> memref<!tpu.dma_semaphore, #tpu.memory_space<semaphore_mem>>
        tpu.wait_indirect_dma semaphore(%dma_wait3A_164 : memref<!tpu.dma_semaphore, #tpu.memory_space<semaphore_mem>>) src(%dma_wait3A_162 : memref<10240x128xf32, #tpu.memory_space<hbm>>) dst(%dma_wait3A_152 : memref<128x128xf32, #tpu.memory_space<vmem>>)
        %dma_wait3A_165 = arith.constant 1 : i32
        %dma_wait3A_166 = arith.constant 1 : i32
        %dma_wait3A_167 = arith.constant 1 : i32
        %dma_wait3A_168 = arith.constant 1 : i32
        %dma_wait3A_169 = arith.constant 0 : i32
        %dma_wait3A_170 = arith.constant 0 : i32
        %dma_wait3A_171 = tpu.memref_slice %arg9[%dma_wait3A_167, %dma_wait3A_169, %dma_wait3A_170] : memref<2x128x128xf32, #tpu.memory_space<vmem>> -> memref<1x128x128xf32, #tpu.memory_space<vmem>>
        %dma_wait3A_172 = tpu.memref_squeeze %dma_wait3A_171 : memref<1x128x128xf32, #tpu.memory_space<vmem>> -> memref<128x128xf32, #tpu.memory_space<vmem>>
        %dma_wait3A_173 = arith.constant 0 : i32
        %dma_wait3A_174 = arith.constant 0 : i32
        %dma_wait3A_175 = tpu.memref_slice %arg10[%dma_wait3A_165, %dma_wait3A_173, %dma_wait3A_174] : memref<2x2x128xi32, #tpu.memory_space<vmem>> -> memref<1x2x128xi32, #tpu.memory_space<vmem>>
        %dma_wait3A_176 = tpu.memref_squeeze %dma_wait3A_175 : memref<1x2x128xi32, #tpu.memory_space<vmem>> -> memref<2x128xi32, #tpu.memory_space<vmem>>
        %dma_wait3A_177 = arith.constant 0 : i32
        %dma_wait3A_178 = tpu.memref_slice %dma_wait3A_176[%dma_wait3A_166, %dma_wait3A_177] : memref<2x128xi32, #tpu.memory_space<vmem>> -> memref<1x128xi32, #tpu.memory_space<vmem>>
        %dma_wait3A_179 = tpu.memref_squeeze %dma_wait3A_178 : memref<1x128xi32, #tpu.memory_space<vmem>> -> memref<128xi32, #tpu.memory_space<vmem>>
        %dma_wait3A_180 = arith.constant 0 : i32
        %dma_wait3A_181 = arith.constant 0 : i32
        %dma_wait3A_182 = tpu.memref_slice %arg4[%dma_wait3A_180, %dma_wait3A_181] : memref<10240x128xf32, #tpu.memory_space<hbm>> -> memref<10240x128xf32, #tpu.memory_space<hbm>>
        %dma_wait3A_183 = tpu.memref_slice %arg13[%dma_wait3A_168] : memref<2x!tpu.dma_semaphore, #tpu.memory_space<semaphore_mem>> -> memref<1x!tpu.dma_semaphore, #tpu.memory_space<semaphore_mem>>
        %dma_wait3A_184 = tpu.memref_squeeze %dma_wait3A_183 : memref<1x!tpu.dma_semaphore, #tpu.memory_space<semaphore_mem>> -> memref<!tpu.dma_semaphore, #tpu.memory_space<semaphore_mem>>
        tpu.wait_indirect_dma semaphore(%dma_wait3A_184 : memref<!tpu.dma_semaphore, #tpu.memory_space<semaphore_mem>>) src(%dma_wait3A_182 : memref<10240x128xf32, #tpu.memory_space<hbm>>) dst(%dma_wait3A_172 : memref<128x128xf32, #tpu.memory_space<vmem>>)
        %dma_wait3A_185 = arith.constant 1 : i32
        %dma_wait3A_186 = arith.constant 1 : i32
        %dma_wait3A_187 = arith.constant 0 : i32
        %dma_wait3A_188 = arith.constant 0 : i32
        %dma_wait3A_189 = tpu.memref_slice %arg7[%dma_wait3A_185, %dma_wait3A_187, %dma_wait3A_188] : memref<2x128x128xf32, #tpu.memory_space<vmem>> -> memref<1x128x128xf32, #tpu.memory_space<vmem>>
        %dma_wait3A_190 = tpu.memref_squeeze %dma_wait3A_189 : memref<1x128x128xf32, #tpu.memory_space<vmem>> -> memref<128x128xf32, #tpu.memory_space<vmem>>
        %dma_wait3A_191 = arith.constant 0 : i32
        %dma_wait3A_192 = tpu.memref_slice %arg2[%mul3A_63, %dma_wait3A_191] : memref<320000x128xf32, #tpu.memory_space<hbm>> -> memref<128x128xf32, #tpu.memory_space<hbm>>
        %dma_wait3A_193 = tpu.memref_slice %arg14[%dma_wait3A_186] : memref<2x!tpu.dma_semaphore, #tpu.memory_space<semaphore_mem>> -> memref<1x!tpu.dma_semaphore, #tpu.memory_space<semaphore_mem>>
        %dma_wait3A_194 = tpu.memref_squeeze %dma_wait3A_193 : memref<1x!tpu.dma_semaphore, #tpu.memory_space<semaphore_mem>> -> memref<!tpu.dma_semaphore, #tpu.memory_space<semaphore_mem>>
        %dma_wait3A_195 = arith.constant 0 : i32
        %dma_wait3A_196 = arith.constant 0 : i32
        %dma_wait3A_197 = tpu.memref_slice %arg7[%dma_wait3A_185, %dma_wait3A_195, %dma_wait3A_196] : memref<2x128x128xf32, #tpu.memory_space<vmem>> -> memref<1x128x128xf32, #tpu.memory_space<vmem>>
        %dma_wait3A_198 = tpu.memref_squeeze %dma_wait3A_197 : memref<1x128x128xf32, #tpu.memory_space<vmem>> -> memref<128x128xf32, #tpu.memory_space<vmem>>
        %dma_wait3A_199 = arith.constant 0 : i32
        %dma_wait3A_200 = tpu.memref_slice %arg2[%mul3A_63, %dma_wait3A_199] : memref<320000x128xf32, #tpu.memory_space<hbm>> -> memref<128x128xf32, #tpu.memory_space<hbm>>
        tpu.wait_dma2 semaphore(%dma_wait3A_194 : memref<!tpu.dma_semaphore, #tpu.memory_space<semaphore_mem>>) src(%dma_wait3A_200 : memref<128x128xf32, #tpu.memory_space<hbm>>) dst(%dma_wait3A_198 : memref<128x128xf32, #tpu.memory_space<vmem>>)
      } else {
      }
      %add3A_70 = arith.constant 1 : i32
      %add3A_71 = arith.addi %mul3A_51, %add3A_70 : i32
      %lt3A_72 = arith.cmpi slt, %add3A_71, %select_n3A : i32
      %convert_element_type3A_73 = arith.extui %lt3A_72 : i1 to i32
      %cond3A_74 = arith.constant 0 : i32
      %cond3A_75 = arith.cmpi ne, %convert_element_type3A_73, %cond3A_74 : i32
      scf.if %cond3A_75 {
        %add3A_145 = arith.constant 1 : i32
        %add3A_146 = arith.addi %mul3A_51, %add3A_145 : i32
        %mul3A_147 = arith.constant 32 : i32
        %mul3A_148 = arith.muli %add3A_146, %mul3A_147 : i32
        %add3A_149 = arith.addi %add3A, %mul3A_148 : i32
        %dma_start3A_150 = arith.constant 1 : i32
        %dma_start3A_151 = arith.constant 1 : i32
        %dma_start3A_152 = arith.constant 0 : i32
        %dma_start3A_153 = arith.constant 0 : i32
        %dma_start3A_154 = tpu.memref_slice %arg10[%dma_start3A_150, %dma_start3A_152, %dma_start3A_153] : memref<2x2x128xi32, #tpu.memory_space<vmem>> -> memref<1x2x128xi32, #tpu.memory_space<vmem>>
        %dma_start3A_155 = tpu.memref_squeeze %dma_start3A_154 : memref<1x2x128xi32, #tpu.memory_space<vmem>> -> memref<2x128xi32, #tpu.memory_space<vmem>>
        %dma_start3A_156 = arith.constant 0 : i32
        %dma_start3A_157 = arith.constant 0 : i32
        %dma_start3A_158 = tpu.memref_slice %arg5[%add3A_149, %dma_start3A_156, %dma_start3A_157] : memref<2500x2x128xi32, #tpu.memory_space<hbm>> -> memref<1x2x128xi32, #tpu.memory_space<hbm>>
        %dma_start3A_159 = tpu.memref_squeeze %dma_start3A_158 : memref<1x2x128xi32, #tpu.memory_space<hbm>> -> memref<2x128xi32, #tpu.memory_space<hbm>>
        %dma_start3A_160 = tpu.memref_slice %arg11[%dma_start3A_151] : memref<2x!tpu.dma_semaphore, #tpu.memory_space<semaphore_mem>> -> memref<1x!tpu.dma_semaphore, #tpu.memory_space<semaphore_mem>>
        %dma_start3A_161 = tpu.memref_squeeze %dma_start3A_160 : memref<1x!tpu.dma_semaphore, #tpu.memory_space<semaphore_mem>> -> memref<!tpu.dma_semaphore, #tpu.memory_space<semaphore_mem>>
        %dma_start3A_162 = arith.constant 0 : i32
        %dma_start3A_163 = arith.constant 0 : i32
        %dma_start3A_164 = tpu.memref_slice %arg10[%dma_start3A_150, %dma_start3A_162, %dma_start3A_163] : memref<2x2x128xi32, #tpu.memory_space<vmem>> -> memref<1x2x128xi32, #tpu.memory_space<vmem>>
        %dma_start3A_165 = tpu.memref_squeeze %dma_start3A_164 : memref<1x2x128xi32, #tpu.memory_space<vmem>> -> memref<2x128xi32, #tpu.memory_space<vmem>>
        %dma_start3A_166 = arith.constant 0 : i32
        %dma_start3A_167 = arith.constant 0 : i32
        %dma_start3A_168 = tpu.memref_slice %arg5[%add3A_149, %dma_start3A_166, %dma_start3A_167] : memref<2500x2x128xi32, #tpu.memory_space<hbm>> -> memref<1x2x128xi32, #tpu.memory_space<hbm>>
        %dma_start3A_169 = tpu.memref_squeeze %dma_start3A_168 : memref<1x2x128xi32, #tpu.memory_space<hbm>> -> memref<2x128xi32, #tpu.memory_space<hbm>>
        tpu.enqueue_dma source(%dma_start3A_169 : memref<2x128xi32, #tpu.memory_space<hbm>>) target(%dma_start3A_165 : memref<2x128xi32, #tpu.memory_space<vmem>>) target_semaphore(%dma_start3A_161 : memref<!tpu.dma_semaphore, #tpu.memory_space<semaphore_mem>>)
      } else {
      }
      %ge3A_76 = arith.constant 2 : i32
      %ge3A_77 = arith.cmpi sge, %mul3A_51, %ge3A_76 : i32
      %le3A_78 = arith.cmpi sle, %mul3A_51, %select_n3A : i32
      %and3A_79 = arith.andi %ge3A_77, %le3A_78 : i1
      %convert_element_type3A_80 = arith.extui %and3A_79 : i1 to i32
      %cond3A_81 = arith.constant 0 : i32
      %cond3A_82 = arith.cmpi ne, %convert_element_type3A_80, %cond3A_81 : i32
      scf.if %cond3A_82 {
        %sub3A_145 = arith.constant 2 : i32
        %sub3A_146 = arith.subi %mul3A_51, %sub3A_145 : i32
        %mul3A_147 = arith.constant 32 : i32
        %mul3A_148 = arith.muli %sub3A_146, %mul3A_147 : i32
        %add3A_149 = arith.addi %add3A, %mul3A_148 : i32
        %mul3A_150 = arith.constant 128 : i32
        %mul3A_151 = arith.muli %add3A_149, %mul3A_150 : i32
        %dma_wait3A_152 = arith.constant 0 : i32
        %dma_wait3A_153 = arith.constant 0 : i32
        %dma_wait3A_154 = arith.constant 0 : i32
        %dma_wait3A_155 = arith.constant 0 : i32
        %dma_wait3A_156 = tpu.memref_slice %arg7[%dma_wait3A_152, %dma_wait3A_154, %dma_wait3A_155] : memref<2x128x128xf32, #tpu.memory_space<vmem>> -> memref<1x128x128xf32, #tpu.memory_space<vmem>>
        %dma_wait3A_157 = tpu.memref_squeeze %dma_wait3A_156 : memref<1x128x128xf32, #tpu.memory_space<vmem>> -> memref<128x128xf32, #tpu.memory_space<vmem>>
        %dma_wait3A_158 = arith.constant 0 : i32
        %dma_wait3A_159 = tpu.memref_slice %arg6[%mul3A_151, %dma_wait3A_158] : memref<320000x128xf32, #tpu.memory_space<hbm>> -> memref<128x128xf32, #tpu.memory_space<hbm>>
        %dma_wait3A_160 = tpu.memref_slice %arg15[%dma_wait3A_153] : memref<2x!tpu.dma_semaphore, #tpu.memory_space<semaphore_mem>> -> memref<1x!tpu.dma_semaphore, #tpu.memory_space<semaphore_mem>>
        %dma_wait3A_161 = tpu.memref_squeeze %dma_wait3A_160 : memref<1x!tpu.dma_semaphore, #tpu.memory_space<semaphore_mem>> -> memref<!tpu.dma_semaphore, #tpu.memory_space<semaphore_mem>>
        %dma_wait3A_162 = arith.constant 0 : i32
        %dma_wait3A_163 = tpu.memref_slice %arg6[%mul3A_151, %dma_wait3A_162] : memref<320000x128xf32, #tpu.memory_space<hbm>> -> memref<128x128xf32, #tpu.memory_space<hbm>>
        %dma_wait3A_164 = arith.constant 0 : i32
        %dma_wait3A_165 = arith.constant 0 : i32
        %dma_wait3A_166 = tpu.memref_slice %arg7[%dma_wait3A_152, %dma_wait3A_164, %dma_wait3A_165] : memref<2x128x128xf32, #tpu.memory_space<vmem>> -> memref<1x128x128xf32, #tpu.memory_space<vmem>>
        %dma_wait3A_167 = tpu.memref_squeeze %dma_wait3A_166 : memref<1x128x128xf32, #tpu.memory_space<vmem>> -> memref<128x128xf32, #tpu.memory_space<vmem>>
        tpu.wait_dma2 semaphore(%dma_wait3A_161 : memref<!tpu.dma_semaphore, #tpu.memory_space<semaphore_mem>>) src(%dma_wait3A_167 : memref<128x128xf32, #tpu.memory_space<vmem>>) dst(%dma_wait3A_163 : memref<128x128xf32, #tpu.memory_space<hbm>>)
      } else {
      }
      %lt3A_83 = arith.cmpi slt, %mul3A_51, %select_n3A : i32
      %convert_element_type3A_84 = arith.extui %lt3A_83 : i1 to i32
      %cond3A_85 = arith.constant 0 : i32
      %cond3A_86 = arith.cmpi ne, %convert_element_type3A_84, %cond3A_85 : i32
      scf.if %cond3A_86 {
        %dma_start3A_145 = arith.constant 0 : i32
        %dma_start3A_146 = arith.constant 0 : i32
        %dma_start3A_147 = arith.constant 0 : i32
        %dma_start3A_148 = arith.constant 0 : i32
        %dma_start3A_149 = arith.constant 0 : i32
        %dma_start3A_150 = arith.constant 0 : i32
        %dma_start3A_151 = tpu.memref_slice %arg8[%dma_start3A_147, %dma_start3A_149, %dma_start3A_150] : memref<2x128x128xf32, #tpu.memory_space<vmem>> -> memref<1x128x128xf32, #tpu.memory_space<vmem>>
        %dma_start3A_152 = tpu.memref_squeeze %dma_start3A_151 : memref<1x128x128xf32, #tpu.memory_space<vmem>> -> memref<128x128xf32, #tpu.memory_space<vmem>>
        %dma_start3A_153 = arith.constant 0 : i32
        %dma_start3A_154 = arith.constant 0 : i32
        %dma_start3A_155 = tpu.memref_slice %arg10[%dma_start3A_145, %dma_start3A_153, %dma_start3A_154] : memref<2x2x128xi32, #tpu.memory_space<vmem>> -> memref<1x2x128xi32, #tpu.memory_space<vmem>>
        %dma_start3A_156 = tpu.memref_squeeze %dma_start3A_155 : memref<1x2x128xi32, #tpu.memory_space<vmem>> -> memref<2x128xi32, #tpu.memory_space<vmem>>
        %dma_start3A_157 = arith.constant 0 : i32
        %dma_start3A_158 = tpu.memref_slice %dma_start3A_156[%dma_start3A_146, %dma_start3A_157] : memref<2x128xi32, #tpu.memory_space<vmem>> -> memref<1x128xi32, #tpu.memory_space<vmem>>
        %dma_start3A_159 = tpu.memref_squeeze %dma_start3A_158 : memref<1x128xi32, #tpu.memory_space<vmem>> -> memref<128xi32, #tpu.memory_space<vmem>>
        %dma_start3A_160 = arith.constant 0 : i32
        %dma_start3A_161 = arith.constant 0 : i32
        %dma_start3A_162 = tpu.memref_slice %arg3[%dma_start3A_160, %dma_start3A_161] : memref<10240x128xf32, #tpu.memory_space<hbm>> -> memref<10240x128xf32, #tpu.memory_space<hbm>>
        %dma_start3A_163 = tpu.memref_slice %arg12[%dma_start3A_148] : memref<2x!tpu.dma_semaphore, #tpu.memory_space<semaphore_mem>> -> memref<1x!tpu.dma_semaphore, #tpu.memory_space<semaphore_mem>>
        %dma_start3A_164 = tpu.memref_squeeze %dma_start3A_163 : memref<1x!tpu.dma_semaphore, #tpu.memory_space<semaphore_mem>> -> memref<!tpu.dma_semaphore, #tpu.memory_space<semaphore_mem>>
        tpu.enqueue_indirect_dma source(%dma_start3A_162 : memref<10240x128xf32, #tpu.memory_space<hbm>>) target(%dma_start3A_152 : memref<128x128xf32, #tpu.memory_space<vmem>>) offsets(%dma_start3A_159 : memref<128xi32, #tpu.memory_space<vmem>>) semaphore(%dma_start3A_164 : memref<!tpu.dma_semaphore, #tpu.memory_space<semaphore_mem>>)
        %dma_start3A_165 = arith.constant 0 : i32
        %dma_start3A_166 = arith.constant 1 : i32
        %dma_start3A_167 = arith.constant 0 : i32
        %dma_start3A_168 = arith.constant 0 : i32
        %dma_start3A_169 = arith.constant 0 : i32
        %dma_start3A_170 = arith.constant 0 : i32
        %dma_start3A_171 = tpu.memref_slice %arg9[%dma_start3A_167, %dma_start3A_169, %dma_start3A_170] : memref<2x128x128xf32, #tpu.memory_space<vmem>> -> memref<1x128x128xf32, #tpu.memory_space<vmem>>
        %dma_start3A_172 = tpu.memref_squeeze %dma_start3A_171 : memref<1x128x128xf32, #tpu.memory_space<vmem>> -> memref<128x128xf32, #tpu.memory_space<vmem>>
        %dma_start3A_173 = arith.constant 0 : i32
        %dma_start3A_174 = arith.constant 0 : i32
        %dma_start3A_175 = tpu.memref_slice %arg10[%dma_start3A_165, %dma_start3A_173, %dma_start3A_174] : memref<2x2x128xi32, #tpu.memory_space<vmem>> -> memref<1x2x128xi32, #tpu.memory_space<vmem>>
        %dma_start3A_176 = tpu.memref_squeeze %dma_start3A_175 : memref<1x2x128xi32, #tpu.memory_space<vmem>> -> memref<2x128xi32, #tpu.memory_space<vmem>>
        %dma_start3A_177 = arith.constant 0 : i32
        %dma_start3A_178 = tpu.memref_slice %dma_start3A_176[%dma_start3A_166, %dma_start3A_177] : memref<2x128xi32, #tpu.memory_space<vmem>> -> memref<1x128xi32, #tpu.memory_space<vmem>>
        %dma_start3A_179 = tpu.memref_squeeze %dma_start3A_178 : memref<1x128xi32, #tpu.memory_space<vmem>> -> memref<128xi32, #tpu.memory_space<vmem>>
        %dma_start3A_180 = arith.constant 0 : i32
        %dma_start3A_181 = arith.constant 0 : i32
        %dma_start3A_182 = tpu.memref_slice %arg4[%dma_start3A_180, %dma_start3A_181] : memref<10240x128xf32, #tpu.memory_space<hbm>> -> memref<10240x128xf32, #tpu.memory_space<hbm>>
        %dma_start3A_183 = tpu.memref_slice %arg13[%dma_start3A_168] : memref<2x!tpu.dma_semaphore, #tpu.memory_space<semaphore_mem>> -> memref<1x!tpu.dma_semaphore, #tpu.memory_space<semaphore_mem>>
        %dma_start3A_184 = tpu.memref_squeeze %dma_start3A_183 : memref<1x!tpu.dma_semaphore, #tpu.memory_space<semaphore_mem>> -> memref<!tpu.dma_semaphore, #tpu.memory_space<semaphore_mem>>
        tpu.enqueue_indirect_dma source(%dma_start3A_182 : memref<10240x128xf32, #tpu.memory_space<hbm>>) target(%dma_start3A_172 : memref<128x128xf32, #tpu.memory_space<vmem>>) offsets(%dma_start3A_179 : memref<128xi32, #tpu.memory_space<vmem>>) semaphore(%dma_start3A_184 : memref<!tpu.dma_semaphore, #tpu.memory_space<semaphore_mem>>)
        %dma_start3A_185 = arith.constant 0 : i32
        %dma_start3A_186 = arith.constant 0 : i32
        %dma_start3A_187 = arith.constant 0 : i32
        %dma_start3A_188 = arith.constant 0 : i32
        %dma_start3A_189 = tpu.memref_slice %arg7[%dma_start3A_185, %dma_start3A_187, %dma_start3A_188] : memref<2x128x128xf32, #tpu.memory_space<vmem>> -> memref<1x128x128xf32, #tpu.memory_space<vmem>>
        %dma_start3A_190 = tpu.memref_squeeze %dma_start3A_189 : memref<1x128x128xf32, #tpu.memory_space<vmem>> -> memref<128x128xf32, #tpu.memory_space<vmem>>
        %dma_start3A_191 = arith.constant 0 : i32
        %dma_start3A_192 = tpu.memref_slice %arg2[%mul3A_56, %dma_start3A_191] : memref<320000x128xf32, #tpu.memory_space<hbm>> -> memref<128x128xf32, #tpu.memory_space<hbm>>
        %dma_start3A_193 = tpu.memref_slice %arg14[%dma_start3A_186] : memref<2x!tpu.dma_semaphore, #tpu.memory_space<semaphore_mem>> -> memref<1x!tpu.dma_semaphore, #tpu.memory_space<semaphore_mem>>
        %dma_start3A_194 = tpu.memref_squeeze %dma_start3A_193 : memref<1x!tpu.dma_semaphore, #tpu.memory_space<semaphore_mem>> -> memref<!tpu.dma_semaphore, #tpu.memory_space<semaphore_mem>>
        %dma_start3A_195 = arith.constant 0 : i32
        %dma_start3A_196 = arith.constant 0 : i32
        %dma_start3A_197 = tpu.memref_slice %arg7[%dma_start3A_185, %dma_start3A_195, %dma_start3A_196] : memref<2x128x128xf32, #tpu.memory_space<vmem>> -> memref<1x128x128xf32, #tpu.memory_space<vmem>>
        %dma_start3A_198 = tpu.memref_squeeze %dma_start3A_197 : memref<1x128x128xf32, #tpu.memory_space<vmem>> -> memref<128x128xf32, #tpu.memory_space<vmem>>
        %dma_start3A_199 = arith.constant 0 : i32
        %dma_start3A_200 = tpu.memref_slice %arg2[%mul3A_56, %dma_start3A_199] : memref<320000x128xf32, #tpu.memory_space<hbm>> -> memref<128x128xf32, #tpu.memory_space<hbm>>
        tpu.enqueue_dma source(%dma_start3A_200 : memref<128x128xf32, #tpu.memory_space<hbm>>) target(%dma_start3A_198 : memref<128x128xf32, #tpu.memory_space<vmem>>) target_semaphore(%dma_start3A_194 : memref<!tpu.dma_semaphore, #tpu.memory_space<semaphore_mem>>)
      } else {
      }
      %ge3A_87 = arith.constant 1 : i32
      %ge3A_88 = arith.cmpi sge, %mul3A_51, %ge3A_87 : i32
      %le3A_89 = arith.cmpi sle, %mul3A_51, %select_n3A : i32
      %and3A_90 = arith.andi %ge3A_88, %le3A_89 : i1
      %convert_element_type3A_91 = arith.extui %and3A_90 : i1 to i32
      %cond3A_92 = arith.constant 0 : i32
      %cond3A_93 = arith.cmpi ne, %convert_element_type3A_91, %cond3A_92 : i32
      scf.if %cond3A_93 {
        %scan3A_145 = arith.constant 0 : i32
        %scan3A_146 = arith.constant 0 : i32
        %scan3A_147 = arith.constant 128 : i32
        %scan3A_148 = arith.addi %scan3A_146, %scan3A_147 : i32
        %scan3A_149 = arith.constant 1 : i32
        scf.for %scan3A_167 = %scan3A_146 to %scan3A_148 step %scan3A_149  : i32 {
          %get3A = arith.constant 1 : i32
          %get3A_168 = arith.index_cast %get3A : i32 to index
          %get3A_169 = arith.index_cast %scan3A_167 : i32 to index
          %get3A_170 = arith.constant 0 : index
          %get3A_171 = tpu.vector_load %arg7[%get3A_168, %get3A_169, %get3A_170] {strides = array<i32>} : memref<2x128x128xf32, #tpu.memory_space<vmem>>, vector<1x1x16xf32>,
          %get3A_172 = vector.shape_cast %get3A_171 : vector<1x1x16xf32> to vector<16xf32>
          %get3A_173 = arith.constant 1 : i32
          %get3A_174 = arith.index_cast %get3A_173 : i32 to index
          %get3A_175 = arith.index_cast %scan3A_167 : i32 to index
          %get3A_176 = arith.constant 0 : index
          %get3A_177 = tpu.vector_load %arg8[%get3A_174, %get3A_175, %get3A_176] {strides = array<i32>} : memref<2x128x128xf32, #tpu.memory_space<vmem>>, vector<1x1x16xf32>,
          %get3A_178 = vector.shape_cast %get3A_177 : vector<1x1x16xf32> to vector<16xf32>
          %add3A_179 = arith.addf %get3A_172, %get3A_178 : vector<16xf32>
          %get3A_180 = arith.constant 1 : i32
          %get3A_181 = arith.index_cast %get3A_180 : i32 to index
          %get3A_182 = arith.index_cast %scan3A_167 : i32 to index
          %get3A_183 = arith.constant 0 : index
          %get3A_184 = tpu.vector_load %arg9[%get3A_181, %get3A_182, %get3A_183] {strides = array<i32>} : memref<2x128x128xf32, #tpu.memory_space<vmem>>, vector<1x1x16xf32>,
          %get3A_185 = vector.shape_cast %get3A_184 : vector<1x1x16xf32> to vector<16xf32>
          %add3A_186 = arith.addf %add3A_179, %get3A_185 : vector<16xf32>
          %max3A = arith.constant 0.000000e+00 : f32
          %max3A_187 = vector.broadcast %max3A : f32 to vector<16xf32>
          %max3A_188 = arith.maximumf %add3A_186, %max3A_187 : vector<16xf32>
          %swap3A = arith.constant 1 : i32
          %swap3A_189 = arith.index_cast %swap3A : i32 to index
          %swap3A_190 = arith.index_cast %scan3A_167 : i32 to index
          %swap3A_191 = arith.constant 0 : index
          %swap3A_192 = tpu.vector_load %arg7[%swap3A_189, %swap3A_190, %swap3A_191] {strides = array<i32>} : memref<2x128x128xf32, #tpu.memory_space<vmem>>, vector<1x1x16xf32>,
          %swap3A_193 = vector.shape_cast %swap3A_192 : vector<1x1x16xf32> to vector<16xf32>
          %swap3A_194 = vector.shape_cast %max3A_188 : vector<16xf32> to vector<1x1x16xf32>
          tpu.vector_store %arg7[%swap3A_189, %swap3A_190, %swap3A_191], %swap3A_194 {strides = array<i32>} : memref<2x128x128xf32, #tpu.memory_space<vmem>>, vector<1x1x16xf32>,
          %get3A_195 = arith.constant 1 : i32
          %get3A_196 = arith.index_cast %get3A_195 : i32 to index
          %get3A_197 = arith.index_cast %scan3A_167 : i32 to index
          %get3A_198 = arith.constant 16 : index
          %get3A_199 = tpu.vector_load %arg7[%get3A_196, %get3A_197, %get3A_198] {strides = array<i32>} : memref<2x128x128xf32, #tpu.memory_space<vmem>>, vector<1x1x16xf32>,
          %get3A_200 = vector.shape_cast %get3A_199 : vector<1x1x16xf32> to vector<16xf32>
          %get3A_201 = arith.constant 1 : i32
          %get3A_202 = arith.index_cast %get3A_201 : i32 to index
          %get3A_203 = arith.index_cast %scan3A_167 : i32 to index
          %get3A_204 = arith.constant 16 : index
          %get3A_205 = tpu.vector_load %arg8[%get3A_202, %get3A_203, %get3A_204] {strides = array<i32>} : memref<2x128x128xf32, #tpu.memory_space<vmem>>, vector<1x1x16xf32>,
          %get3A_206 = vector.shape_cast %get3A_205 : vector<1x1x16xf32> to vector<16xf32>
          %add3A_207 = arith.addf %get3A_200, %get3A_206 : vector<16xf32>
          %get3A_208 = arith.constant 1 : i32
          %get3A_209 = arith.index_cast %get3A_208 : i32 to index
          %get3A_210 = arith.index_cast %scan3A_167 : i32 to index
          %get3A_211 = arith.constant 16 : index
          %get3A_212 = tpu.vector_load %arg9[%get3A_209, %get3A_210, %get3A_211] {strides = array<i32>} : memref<2x128x128xf32, #tpu.memory_space<vmem>>, vector<1x1x16xf32>,
          %get3A_213 = vector.shape_cast %get3A_212 : vector<1x1x16xf32> to vector<16xf32>
          %add3A_214 = arith.addf %add3A_207, %get3A_213 : vector<16xf32>
          %max3A_215 = arith.constant 0.000000e+00 : f32
          %max3A_216 = vector.broadcast %max3A_215 : f32 to vector<16xf32>
          %max3A_217 = arith.maximumf %add3A_214, %max3A_216 : vector<16xf32>
          %swap3A_218 = arith.constant 1 : i32
          %swap3A_219 = arith.index_cast %swap3A_218 : i32 to index
          %swap3A_220 = arith.index_cast %scan3A_167 : i32 to index
          %swap3A_221 = arith.constant 16 : index
          %swap3A_222 = tpu.vector_load %arg7[%swap3A_219, %swap3A_220, %swap3A_221] {strides = array<i32>} : memref<2x128x128xf32, #tpu.memory_space<vmem>>, vector<1x1x16xf32>,
          %swap3A_223 = vector.shape_cast %swap3A_222 : vector<1x1x16xf32> to vector<16xf32>
          %swap3A_224 = vector.shape_cast %max3A_217 : vector<16xf32> to vector<1x1x16xf32>
          tpu.vector_store %arg7[%swap3A_219, %swap3A_220, %swap3A_221], %swap3A_224 {strides = array<i32>} : memref<2x128x128xf32, #tpu.memory_space<vmem>>, vector<1x1x16xf32>,
          %get3A_225 = arith.constant 1 : i32
          %get3A_226 = arith.index_cast %get3A_225 : i32 to index
          %get3A_227 = arith.index_cast %scan3A_167 : i32 to index
          %get3A_228 = arith.constant 32 : index
          %get3A_229 = tpu.vector_load %arg7[%get3A_226, %get3A_227, %get3A_228] {strides = array<i32>} : memref<2x128x128xf32, #tpu.memory_space<vmem>>, vector<1x1x16xf32>,
          %get3A_230 = vector.shape_cast %get3A_229 : vector<1x1x16xf32> to vector<16xf32>
          %get3A_231 = arith.constant 1 : i32
          %get3A_232 = arith.index_cast %get3A_231 : i32 to index
          %get3A_233 = arith.index_cast %scan3A_167 : i32 to index
          %get3A_234 = arith.constant 32 : index
          %get3A_235 = tpu.vector_load %arg8[%get3A_232, %get3A_233, %get3A_234] {strides = array<i32>} : memref<2x128x128xf32, #tpu.memory_space<vmem>>, vector<1x1x16xf32>,
          %get3A_236 = vector.shape_cast %get3A_235 : vector<1x1x16xf32> to vector<16xf32>
          %add3A_237 = arith.addf %get3A_230, %get3A_236 : vector<16xf32>
          %get3A_238 = arith.constant 1 : i32
          %get3A_239 = arith.index_cast %get3A_238 : i32 to index
          %get3A_240 = arith.index_cast %scan3A_167 : i32 to index
          %get3A_241 = arith.constant 32 : index
          %get3A_242 = tpu.vector_load %arg9[%get3A_239, %get3A_240, %get3A_241] {strides = array<i32>} : memref<2x128x128xf32, #tpu.memory_space<vmem>>, vector<1x1x16xf32>,
          %get3A_243 = vector.shape_cast %get3A_242 : vector<1x1x16xf32> to vector<16xf32>
          %add3A_244 = arith.addf %add3A_237, %get3A_243 : vector<16xf32>
          %max3A_245 = arith.constant 0.000000e+00 : f32
          %max3A_246 = vector.broadcast %max3A_245 : f32 to vector<16xf32>
          %max3A_247 = arith.maximumf %add3A_244, %max3A_246 : vector<16xf32>
          %swap3A_248 = arith.constant 1 : i32
          %swap3A_249 = arith.index_cast %swap3A_248 : i32 to index
          %swap3A_250 = arith.index_cast %scan3A_167 : i32 to index
          %swap3A_251 = arith.constant 32 : index
          %swap3A_252 = tpu.vector_load %arg7[%swap3A_249, %swap3A_250, %swap3A_251] {strides = array<i32>} : memref<2x128x128xf32, #tpu.memory_space<vmem>>, vector<1x1x16xf32>,
          %swap3A_253 = vector.shape_cast %swap3A_252 : vector<1x1x16xf32> to vector<16xf32>
          %swap3A_254 = vector.shape_cast %max3A_247 : vector<16xf32> to vector<1x1x16xf32>
          tpu.vector_store %arg7[%swap3A_249, %swap3A_250, %swap3A_251], %swap3A_254 {strides = array<i32>} : memref<2x128x128xf32, #tpu.memory_space<vmem>>, vector<1x1x16xf32>,
          %get3A_255 = arith.constant 1 : i32
          %get3A_256 = arith.index_cast %get3A_255 : i32 to index
          %get3A_257 = arith.index_cast %scan3A_167 : i32 to index
          %get3A_258 = arith.constant 48 : index
          %get3A_259 = tpu.vector_load %arg7[%get3A_256, %get3A_257, %get3A_258] {strides = array<i32>} : memref<2x128x128xf32, #tpu.memory_space<vmem>>, vector<1x1x16xf32>,
          %get3A_260 = vector.shape_cast %get3A_259 : vector<1x1x16xf32> to vector<16xf32>
          %get3A_261 = arith.constant 1 : i32
          %get3A_262 = arith.index_cast %get3A_261 : i32 to index
          %get3A_263 = arith.index_cast %scan3A_167 : i32 to index
          %get3A_264 = arith.constant 48 : index
          %get3A_265 = tpu.vector_load %arg8[%get3A_262, %get3A_263, %get3A_264] {strides = array<i32>} : memref<2x128x128xf32, #tpu.memory_space<vmem>>, vector<1x1x16xf32>,
          %get3A_266 = vector.shape_cast %get3A_265 : vector<1x1x16xf32> to vector<16xf32>
          %add3A_267 = arith.addf %get3A_260, %get3A_266 : vector<16xf32>
          %get3A_268 = arith.constant 1 : i32
          %get3A_269 = arith.index_cast %get3A_268 : i32 to index
          %get3A_270 = arith.index_cast %scan3A_167 : i32 to index
          %get3A_271 = arith.constant 48 : index
          %get3A_272 = tpu.vector_load %arg9[%get3A_269, %get3A_270, %get3A_271] {strides = array<i32>} : memref<2x128x128xf32, #tpu.memory_space<vmem>>, vector<1x1x16xf32>,
          %get3A_273 = vector.shape_cast %get3A_272 : vector<1x1x16xf32> to vector<16xf32>
          %add3A_274 = arith.addf %add3A_267, %get3A_273 : vector<16xf32>
          %max3A_275 = arith.constant 0.000000e+00 : f32
          %max3A_276 = vector.broadcast %max3A_275 : f32 to vector<16xf32>
          %max3A_277 = arith.maximumf %add3A_274, %max3A_276 : vector<16xf32>
          %swap3A_278 = arith.constant 1 : i32
          %swap3A_279 = arith.index_cast %swap3A_278 : i32 to index
          %swap3A_280 = arith.index_cast %scan3A_167 : i32 to index
          %swap3A_281 = arith.constant 48 : index
          %swap3A_282 = tpu.vector_load %arg7[%swap3A_279, %swap3A_280, %swap3A_281] {strides = array<i32>} : memref<2x128x128xf32, #tpu.memory_space<vmem>>, vector<1x1x16xf32>,
          %swap3A_283 = vector.shape_cast %swap3A_282 : vector<1x1x16xf32> to vector<16xf32>
          %swap3A_284 = vector.shape_cast %max3A_277 : vector<16xf32> to vector<1x1x16xf32>
          tpu.vector_store %arg7[%swap3A_279, %swap3A_280, %swap3A_281], %swap3A_284 {strides = array<i32>} : memref<2x128x128xf32, #tpu.memory_space<vmem>>, vector<1x1x16xf32>,
          %get3A_285 = arith.constant 1 : i32
          %get3A_286 = arith.index_cast %get3A_285 : i32 to index
          %get3A_287 = arith.index_cast %scan3A_167 : i32 to index
          %get3A_288 = arith.constant 64 : index
          %get3A_289 = tpu.vector_load %arg7[%get3A_286, %get3A_287, %get3A_288] {strides = array<i32>} : memref<2x128x128xf32, #tpu.memory_space<vmem>>, vector<1x1x16xf32>,
          %get3A_290 = vector.shape_cast %get3A_289 : vector<1x1x16xf32> to vector<16xf32>
          %get3A_291 = arith.constant 1 : i32
          %get3A_292 = arith.index_cast %get3A_291 : i32 to index
          %get3A_293 = arith.index_cast %scan3A_167 : i32 to index
          %get3A_294 = arith.constant 64 : index
          %get3A_295 = tpu.vector_load %arg8[%get3A_292, %get3A_293, %get3A_294] {strides = array<i32>} : memref<2x128x128xf32, #tpu.memory_space<vmem>>, vector<1x1x16xf32>,
          %get3A_296 = vector.shape_cast %get3A_295 : vector<1x1x16xf32> to vector<16xf32>
          %add3A_297 = arith.addf %get3A_290, %get3A_296 : vector<16xf32>
          %get3A_298 = arith.constant 1 : i32
          %get3A_299 = arith.index_cast %get3A_298 : i32 to index
          %get3A_300 = arith.index_cast %scan3A_167 : i32 to index
          %get3A_301 = arith.constant 64 : index
          %get3A_302 = tpu.vector_load %arg9[%get3A_299, %get3A_300, %get3A_301] {strides = array<i32>} : memref<2x128x128xf32, #tpu.memory_space<vmem>>, vector<1x1x16xf32>,
          %get3A_303 = vector.shape_cast %get3A_302 : vector<1x1x16xf32> to vector<16xf32>
          %add3A_304 = arith.addf %add3A_297, %get3A_303 : vector<16xf32>
          %max3A_305 = arith.constant 0.000000e+00 : f32
          %max3A_306 = vector.broadcast %max3A_305 : f32 to vector<16xf32>
          %max3A_307 = arith.maximumf %add3A_304, %max3A_306 : vector<16xf32>
          %swap3A_308 = arith.constant 1 : i32
          %swap3A_309 = arith.index_cast %swap3A_308 : i32 to index
          %swap3A_310 = arith.index_cast %scan3A_167 : i32 to index
          %swap3A_311 = arith.constant 64 : index
          %swap3A_312 = tpu.vector_load %arg7[%swap3A_309, %swap3A_310, %swap3A_311] {strides = array<i32>} : memref<2x128x128xf32, #tpu.memory_space<vmem>>, vector<1x1x16xf32>,
          %swap3A_313 = vector.shape_cast %swap3A_312 : vector<1x1x16xf32> to vector<16xf32>
          %swap3A_314 = vector.shape_cast %max3A_307 : vector<16xf32> to vector<1x1x16xf32>
          tpu.vector_store %arg7[%swap3A_309, %swap3A_310, %swap3A_311], %swap3A_314 {strides = array<i32>} : memref<2x128x128xf32, #tpu.memory_space<vmem>>, vector<1x1x16xf32>,
          %get3A_315 = arith.constant 1 : i32
          %get3A_316 = arith.index_cast %get3A_315 : i32 to index
          %get3A_317 = arith.index_cast %scan3A_167 : i32 to index
          %get3A_318 = arith.constant 80 : index
          %get3A_319 = tpu.vector_load %arg7[%get3A_316, %get3A_317, %get3A_318] {strides = array<i32>} : memref<2x128x128xf32, #tpu.memory_space<vmem>>, vector<1x1x16xf32>,
          %get3A_320 = vector.shape_cast %get3A_319 : vector<1x1x16xf32> to vector<16xf32>
          %get3A_321 = arith.constant 1 : i32
          %get3A_322 = arith.index_cast %get3A_321 : i32 to index
          %get3A_323 = arith.index_cast %scan3A_167 : i32 to index
          %get3A_324 = arith.constant 80 : index
          %get3A_325 = tpu.vector_load %arg8[%get3A_322, %get3A_323, %get3A_324] {strides = array<i32>} : memref<2x128x128xf32, #tpu.memory_space<vmem>>, vector<1x1x16xf32>,
          %get3A_326 = vector.shape_cast %get3A_325 : vector<1x1x16xf32> to vector<16xf32>
          %add3A_327 = arith.addf %get3A_320, %get3A_326 : vector<16xf32>
          %get3A_328 = arith.constant 1 : i32
          %get3A_329 = arith.index_cast %get3A_328 : i32 to index
          %get3A_330 = arith.index_cast %scan3A_167 : i32 to index
          %get3A_331 = arith.constant 80 : index
          %get3A_332 = tpu.vector_load %arg9[%get3A_329, %get3A_330, %get3A_331] {strides = array<i32>} : memref<2x128x128xf32, #tpu.memory_space<vmem>>, vector<1x1x16xf32>,
          %get3A_333 = vector.shape_cast %get3A_332 : vector<1x1x16xf32> to vector<16xf32>
          %add3A_334 = arith.addf %add3A_327, %get3A_333 : vector<16xf32>
          %max3A_335 = arith.constant 0.000000e+00 : f32
          %max3A_336 = vector.broadcast %max3A_335 : f32 to vector<16xf32>
          %max3A_337 = arith.maximumf %add3A_334, %max3A_336 : vector<16xf32>
          %swap3A_338 = arith.constant 1 : i32
          %swap3A_339 = arith.index_cast %swap3A_338 : i32 to index
          %swap3A_340 = arith.index_cast %scan3A_167 : i32 to index
          %swap3A_341 = arith.constant 80 : index
          %swap3A_342 = tpu.vector_load %arg7[%swap3A_339, %swap3A_340, %swap3A_341] {strides = array<i32>} : memref<2x128x128xf32, #tpu.memory_space<vmem>>, vector<1x1x16xf32>,
          %swap3A_343 = vector.shape_cast %swap3A_342 : vector<1x1x16xf32> to vector<16xf32>
          %swap3A_344 = vector.shape_cast %max3A_337 : vector<16xf32> to vector<1x1x16xf32>
          tpu.vector_store %arg7[%swap3A_339, %swap3A_340, %swap3A_341], %swap3A_344 {strides = array<i32>} : memref<2x128x128xf32, #tpu.memory_space<vmem>>, vector<1x1x16xf32>,
          %get3A_345 = arith.constant 1 : i32
          %get3A_346 = arith.index_cast %get3A_345 : i32 to index
          %get3A_347 = arith.index_cast %scan3A_167 : i32 to index
          %get3A_348 = arith.constant 96 : index
          %get3A_349 = tpu.vector_load %arg7[%get3A_346, %get3A_347, %get3A_348] {strides = array<i32>} : memref<2x128x128xf32, #tpu.memory_space<vmem>>, vector<1x1x16xf32>,
          %get3A_350 = vector.shape_cast %get3A_349 : vector<1x1x16xf32> to vector<16xf32>
          %get3A_351 = arith.constant 1 : i32
          %get3A_352 = arith.index_cast %get3A_351 : i32 to index
          %get3A_353 = arith.index_cast %scan3A_167 : i32 to index
          %get3A_354 = arith.constant 96 : index
          %get3A_355 = tpu.vector_load %arg8[%get3A_352, %get3A_353, %get3A_354] {strides = array<i32>} : memref<2x128x128xf32, #tpu.memory_space<vmem>>, vector<1x1x16xf32>,
          %get3A_356 = vector.shape_cast %get3A_355 : vector<1x1x16xf32> to vector<16xf32>
          %add3A_357 = arith.addf %get3A_350, %get3A_356 : vector<16xf32>
          %get3A_358 = arith.constant 1 : i32
          %get3A_359 = arith.index_cast %get3A_358 : i32 to index
          %get3A_360 = arith.index_cast %scan3A_167 : i32 to index
          %get3A_361 = arith.constant 96 : index
          %get3A_362 = tpu.vector_load %arg9[%get3A_359, %get3A_360, %get3A_361] {strides = array<i32>} : memref<2x128x128xf32, #tpu.memory_space<vmem>>, vector<1x1x16xf32>,
          %get3A_363 = vector.shape_cast %get3A_362 : vector<1x1x16xf32> to vector<16xf32>
          %add3A_364 = arith.addf %add3A_357, %get3A_363 : vector<16xf32>
          %max3A_365 = arith.constant 0.000000e+00 : f32
          %max3A_366 = vector.broadcast %max3A_365 : f32 to vector<16xf32>
          %max3A_367 = arith.maximumf %add3A_364, %max3A_366 : vector<16xf32>
          %swap3A_368 = arith.constant 1 : i32
          %swap3A_369 = arith.index_cast %swap3A_368 : i32 to index
          %swap3A_370 = arith.index_cast %scan3A_167 : i32 to index
          %swap3A_371 = arith.constant 96 : index
          %swap3A_372 = tpu.vector_load %arg7[%swap3A_369, %swap3A_370, %swap3A_371] {strides = array<i32>} : memref<2x128x128xf32, #tpu.memory_space<vmem>>, vector<1x1x16xf32>,
          %swap3A_373 = vector.shape_cast %swap3A_372 : vector<1x1x16xf32> to vector<16xf32>
          %swap3A_374 = vector.shape_cast %max3A_367 : vector<16xf32> to vector<1x1x16xf32>
          tpu.vector_store %arg7[%swap3A_369, %swap3A_370, %swap3A_371], %swap3A_374 {strides = array<i32>} : memref<2x128x128xf32, #tpu.memory_space<vmem>>, vector<1x1x16xf32>,
          %get3A_375 = arith.constant 1 : i32
          %get3A_376 = arith.index_cast %get3A_375 : i32 to index
          %get3A_377 = arith.index_cast %scan3A_167 : i32 to index
          %get3A_378 = arith.constant 112 : index
          %get3A_379 = tpu.vector_load %arg7[%get3A_376, %get3A_377, %get3A_378] {strides = array<i32>} : memref<2x128x128xf32, #tpu.memory_space<vmem>>, vector<1x1x16xf32>,
          %get3A_380 = vector.shape_cast %get3A_379 : vector<1x1x16xf32> to vector<16xf32>
          %get3A_381 = arith.constant 1 : i32
          %get3A_382 = arith.index_cast %get3A_381 : i32 to index
          %get3A_383 = arith.index_cast %scan3A_167 : i32 to index
          %get3A_384 = arith.constant 112 : index
          %get3A_385 = tpu.vector_load %arg8[%get3A_382, %get3A_383, %get3A_384] {strides = array<i32>} : memref<2x128x128xf32, #tpu.memory_space<vmem>>, vector<1x1x16xf32>,
          %get3A_386 = vector.shape_cast %get3A_385 : vector<1x1x16xf32> to vector<16xf32>
          %add3A_387 = arith.addf %get3A_380, %get3A_386 : vector<16xf32>
          %get3A_388 = arith.constant 1 : i32
          %get3A_389 = arith.index_cast %get3A_388 : i32 to index
          %get3A_390 = arith.index_cast %scan3A_167 : i32 to index
          %get3A_391 = arith.constant 112 : index
          %get3A_392 = tpu.vector_load %arg9[%get3A_389, %get3A_390, %get3A_391] {strides = array<i32>} : memref<2x128x128xf32, #tpu.memory_space<vmem>>, vector<1x1x16xf32>,
          %get3A_393 = vector.shape_cast %get3A_392 : vector<1x1x16xf32> to vector<16xf32>
          %add3A_394 = arith.addf %add3A_387, %get3A_393 : vector<16xf32>
          %max3A_395 = arith.constant 0.000000e+00 : f32
          %max3A_396 = vector.broadcast %max3A_395 : f32 to vector<16xf32>
          %max3A_397 = arith.maximumf %add3A_394, %max3A_396 : vector<16xf32>
          %swap3A_398 = arith.constant 1 : i32
          %swap3A_399 = arith.index_cast %swap3A_398 : i32 to index
          %swap3A_400 = arith.index_cast %scan3A_167 : i32 to index
          %swap3A_401 = arith.constant 112 : index
          %swap3A_402 = tpu.vector_load %arg7[%swap3A_399, %swap3A_400, %swap3A_401] {strides = array<i32>} : memref<2x128x128xf32, #tpu.memory_space<vmem>>, vector<1x1x16xf32>,
          %swap3A_403 = vector.shape_cast %swap3A_402 : vector<1x1x16xf32> to vector<16xf32>
          %swap3A_404 = vector.shape_cast %max3A_397 : vector<16xf32> to vector<1x1x16xf32>
          tpu.vector_store %arg7[%swap3A_399, %swap3A_400, %swap3A_401], %swap3A_404 {strides = array<i32>} : memref<2x128x128xf32, #tpu.memory_space<vmem>>, vector<1x1x16xf32>,
        }
        %scan3A_150 = arith.constant 128 : i32
        %dma_start3A_151 = arith.constant 1 : i32
        %dma_start3A_152 = arith.constant 1 : i32
        %dma_start3A_153 = arith.constant 0 : i32
        %dma_start3A_154 = arith.constant 0 : i32
        %dma_start3A_155 = tpu.memref_slice %arg7[%dma_start3A_151, %dma_start3A_153, %dma_start3A_154] : memref<2x128x128xf32, #tpu.memory_space<vmem>> -> memref<1x128x128xf32, #tpu.memory_space<vmem>>
        %dma_start3A_156 = tpu.memref_squeeze %dma_start3A_155 : memref<1x128x128xf32, #tpu.memory_space<vmem>> -> memref<128x128xf32, #tpu.memory_space<vmem>>
        %dma_start3A_157 = arith.constant 0 : i32
        %dma_start3A_158 = tpu.memref_slice %arg6[%mul3A_63, %dma_start3A_157] : memref<320000x128xf32, #tpu.memory_space<hbm>> -> memref<128x128xf32, #tpu.memory_space<hbm>>
        %dma_start3A_159 = tpu.memref_slice %arg15[%dma_start3A_152] : memref<2x!tpu.dma_semaphore, #tpu.memory_space<semaphore_mem>> -> memref<1x!tpu.dma_semaphore, #tpu.memory_space<semaphore_mem>>
        %dma_start3A_160 = tpu.memref_squeeze %dma_start3A_159 : memref<1x!tpu.dma_semaphore, #tpu.memory_space<semaphore_mem>> -> memref<!tpu.dma_semaphore, #tpu.memory_space<semaphore_mem>>
        %dma_start3A_161 = arith.constant 0 : i32
        %dma_start3A_162 = tpu.memref_slice %arg6[%mul3A_63, %dma_start3A_161] : memref<320000x128xf32, #tpu.memory_space<hbm>> -> memref<128x128xf32, #tpu.memory_space<hbm>>
        %dma_start3A_163 = arith.constant 0 : i32
        %dma_start3A_164 = arith.constant 0 : i32
        %dma_start3A_165 = tpu.memref_slice %arg7[%dma_start3A_151, %dma_start3A_163, %dma_start3A_164] : memref<2x128x128xf32, #tpu.memory_space<vmem>> -> memref<1x128x128xf32, #tpu.memory_space<vmem>>
        %dma_start3A_166 = tpu.memref_squeeze %dma_start3A_165 : memref<1x128x128xf32, #tpu.memory_space<vmem>> -> memref<128x128xf32, #tpu.memory_space<vmem>>
        tpu.enqueue_dma source(%dma_start3A_166 : memref<128x128xf32, #tpu.memory_space<vmem>>) target(%dma_start3A_162 : memref<128x128xf32, #tpu.memory_space<hbm>>) target_semaphore(%dma_start3A_160 : memref<!tpu.dma_semaphore, #tpu.memory_space<semaphore_mem>>)
      } else {
      }
      %mul3A_94 = arith.constant 2 : i32
      %mul3A_95 = arith.muli %mul3A_94, %scan3A_49 : i32
      %add3A_96 = arith.constant 1 : i32
      %add3A_97 = arith.addi %mul3A_95, %add3A_96 : i32
      %mul3A_98 = arith.constant 32 : i32
      %mul3A_99 = arith.muli %add3A_97, %mul3A_98 : i32
      %add3A_100 = arith.addi %add3A, %mul3A_99 : i32
      %mul3A_101 = arith.constant 128 : i32
      %mul3A_102 = arith.muli %add3A_100, %mul3A_101 : i32
      %sub3A_103 = arith.constant 1 : i32
      %sub3A_104 = arith.subi %add3A_97, %sub3A_103 : i32
      %mul3A_105 = arith.constant 32 : i32
      %mul3A_106 = arith.muli %sub3A_104, %mul3A_105 : i32
      %add3A_107 = arith.addi %add3A, %mul3A_106 : i32
      %mul3A_108 = arith.constant 128 : i32
      %mul3A_109 = arith.muli %add3A_107, %mul3A_108 : i32
      %lt3A_110 = arith.cmpi slt, %add3A_97, %select_n3A : i32
      %convert_element_type3A_111 = arith.extui %lt3A_110 : i1 to i32
      %cond3A_112 = arith.constant 0 : i32
      %cond3A_113 = arith.cmpi ne, %convert_element_type3A_111, %cond3A_112 : i32
      scf.if %cond3A_113 {
        %mul3A_145 = arith.constant 32 : i32
        %mul3A_146 = arith.muli %add3A_97, %mul3A_145 : i32
        %add3A_147 = arith.addi %add3A, %mul3A_146 : i32
        %dma_wait3A_148 = arith.constant 1 : i32
        %dma_wait3A_149 = arith.constant 1 : i32
        %dma_wait3A_150 = arith.constant 0 : i32
        %dma_wait3A_151 = arith.constant 0 : i32
        %dma_wait3A_152 = tpu.memref_slice %arg10[%dma_wait3A_148, %dma_wait3A_150, %dma_wait3A_151] : memref<2x2x128xi32, #tpu.memory_space<vmem>> -> memref<1x2x128xi32, #tpu.memory_space<vmem>>
        %dma_wait3A_153 = tpu.memref_squeeze %dma_wait3A_152 : memref<1x2x128xi32, #tpu.memory_space<vmem>> -> memref<2x128xi32, #tpu.memory_space<vmem>>
        %dma_wait3A_154 = arith.constant 0 : i32
        %dma_wait3A_155 = arith.constant 0 : i32
        %dma_wait3A_156 = tpu.memref_slice %arg5[%add3A_147, %dma_wait3A_154, %dma_wait3A_155] : memref<2500x2x128xi32, #tpu.memory_space<hbm>> -> memref<1x2x128xi32, #tpu.memory_space<hbm>>
        %dma_wait3A_157 = tpu.memref_squeeze %dma_wait3A_156 : memref<1x2x128xi32, #tpu.memory_space<hbm>> -> memref<2x128xi32, #tpu.memory_space<hbm>>
        %dma_wait3A_158 = tpu.memref_slice %arg11[%dma_wait3A_149] : memref<2x!tpu.dma_semaphore, #tpu.memory_space<semaphore_mem>> -> memref<1x!tpu.dma_semaphore, #tpu.memory_space<semaphore_mem>>
        %dma_wait3A_159 = tpu.memref_squeeze %dma_wait3A_158 : memref<1x!tpu.dma_semaphore, #tpu.memory_space<semaphore_mem>> -> memref<!tpu.dma_semaphore, #tpu.memory_space<semaphore_mem>>
        %dma_wait3A_160 = arith.constant 0 : i32
        %dma_wait3A_161 = arith.constant 0 : i32
        %dma_wait3A_162 = tpu.memref_slice %arg10[%dma_wait3A_148, %dma_wait3A_160, %dma_wait3A_161] : memref<2x2x128xi32, #tpu.memory_space<vmem>> -> memref<1x2x128xi32, #tpu.memory_space<vmem>>
        %dma_wait3A_163 = tpu.memref_squeeze %dma_wait3A_162 : memref<1x2x128xi32, #tpu.memory_space<vmem>> -> memref<2x128xi32, #tpu.memory_space<vmem>>
        %dma_wait3A_164 = arith.constant 0 : i32
        %dma_wait3A_165 = arith.constant 0 : i32
        %dma_wait3A_166 = tpu.memref_slice %arg5[%add3A_147, %dma_wait3A_164, %dma_wait3A_165] : memref<2500x2x128xi32, #tpu.memory_space<hbm>> -> memref<1x2x128xi32, #tpu.memory_space<hbm>>
        %dma_wait3A_167 = tpu.memref_squeeze %dma_wait3A_166 : memref<1x2x128xi32, #tpu.memory_space<hbm>> -> memref<2x128xi32, #tpu.memory_space<hbm>>
        tpu.wait_dma2 semaphore(%dma_wait3A_159 : memref<!tpu.dma_semaphore, #tpu.memory_space<semaphore_mem>>) src(%dma_wait3A_167 : memref<2x128xi32, #tpu.memory_space<hbm>>) dst(%dma_wait3A_163 : memref<2x128xi32, #tpu.memory_space<vmem>>)
      } else {
      }
      %ge3A_114 = arith.constant 1 : i32
      %ge3A_115 = arith.cmpi sge, %add3A_97, %ge3A_114 : i32
      %le3A_116 = arith.cmpi sle, %add3A_97, %select_n3A : i32
      %and3A_117 = arith.andi %ge3A_115, %le3A_116 : i1
      %convert_element_type3A_118 = arith.extui %and3A_117 : i1 to i32
      %cond3A_119 = arith.constant 0 : i32
      %cond3A_120 = arith.cmpi ne, %convert_element_type3A_118, %cond3A_119 : i32
      scf.if %cond3A_120 {
        %dma_wait3A_145 = arith.constant 0 : i32
        %dma_wait3A_146 = arith.constant 0 : i32
        %dma_wait3A_147 = arith.constant 0 : i32
        %dma_wait3A_148 = arith.constant 0 : i32
        %dma_wait3A_149 = arith.constant 0 : i32
        %dma_wait3A_150 = arith.constant 0 : i32
        %dma_wait3A_151 = tpu.memref_slice %arg8[%dma_wait3A_147, %dma_wait3A_149, %dma_wait3A_150] : memref<2x128x128xf32, #tpu.memory_space<vmem>> -> memref<1x128x128xf32, #tpu.memory_space<vmem>>
        %dma_wait3A_152 = tpu.memref_squeeze %dma_wait3A_151 : memref<1x128x128xf32, #tpu.memory_space<vmem>> -> memref<128x128xf32, #tpu.memory_space<vmem>>
        %dma_wait3A_153 = arith.constant 0 : i32
        %dma_wait3A_154 = arith.constant 0 : i32
        %dma_wait3A_155 = tpu.memref_slice %arg10[%dma_wait3A_145, %dma_wait3A_153, %dma_wait3A_154] : memref<2x2x128xi32, #tpu.memory_space<vmem>> -> memref<1x2x128xi32, #tpu.memory_space<vmem>>
        %dma_wait3A_156 = tpu.memref_squeeze %dma_wait3A_155 : memref<1x2x128xi32, #tpu.memory_space<vmem>> -> memref<2x128xi32, #tpu.memory_space<vmem>>
        %dma_wait3A_157 = arith.constant 0 : i32
        %dma_wait3A_158 = tpu.memref_slice %dma_wait3A_156[%dma_wait3A_146, %dma_wait3A_157] : memref<2x128xi32, #tpu.memory_space<vmem>> -> memref<1x128xi32, #tpu.memory_space<vmem>>
        %dma_wait3A_159 = tpu.memref_squeeze %dma_wait3A_158 : memref<1x128xi32, #tpu.memory_space<vmem>> -> memref<128xi32, #tpu.memory_space<vmem>>
        %dma_wait3A_160 = arith.constant 0 : i32
        %dma_wait3A_161 = arith.constant 0 : i32
        %dma_wait3A_162 = tpu.memref_slice %arg3[%dma_wait3A_160, %dma_wait3A_161] : memref<10240x128xf32, #tpu.memory_space<hbm>> -> memref<10240x128xf32, #tpu.memory_space<hbm>>
        %dma_wait3A_163 = tpu.memref_slice %arg12[%dma_wait3A_148] : memref<2x!tpu.dma_semaphore, #tpu.memory_space<semaphore_mem>> -> memref<1x!tpu.dma_semaphore, #tpu.memory_space<semaphore_mem>>
        %dma_wait3A_164 = tpu.memref_squeeze %dma_wait3A_163 : memref<1x!tpu.dma_semaphore, #tpu.memory_space<semaphore_mem>> -> memref<!tpu.dma_semaphore, #tpu.memory_space<semaphore_mem>>
        tpu.wait_indirect_dma semaphore(%dma_wait3A_164 : memref<!tpu.dma_semaphore, #tpu.memory_space<semaphore_mem>>) src(%dma_wait3A_162 : memref<10240x128xf32, #tpu.memory_space<hbm>>) dst(%dma_wait3A_152 : memref<128x128xf32, #tpu.memory_space<vmem>>)
        %dma_wait3A_165 = arith.constant 0 : i32
        %dma_wait3A_166 = arith.constant 1 : i32
        %dma_wait3A_167 = arith.constant 0 : i32
        %dma_wait3A_168 = arith.constant 0 : i32
        %dma_wait3A_169 = arith.constant 0 : i32
        %dma_wait3A_170 = arith.constant 0 : i32
        %dma_wait3A_171 = tpu.memref_slice %arg9[%dma_wait3A_167, %dma_wait3A_169, %dma_wait3A_170] : memref<2x128x128xf32, #tpu.memory_space<vmem>> -> memref<1x128x128xf32, #tpu.memory_space<vmem>>
        %dma_wait3A_172 = tpu.memref_squeeze %dma_wait3A_171 : memref<1x128x128xf32, #tpu.memory_space<vmem>> -> memref<128x128xf32, #tpu.memory_space<vmem>>
        %dma_wait3A_173 = arith.constant 0 : i32
        %dma_wait3A_174 = arith.constant 0 : i32
        %dma_wait3A_175 = tpu.memref_slice %arg10[%dma_wait3A_165, %dma_wait3A_173, %dma_wait3A_174] : memref<2x2x128xi32, #tpu.memory_space<vmem>> -> memref<1x2x128xi32, #tpu.memory_space<vmem>>
        %dma_wait3A_176 = tpu.memref_squeeze %dma_wait3A_175 : memref<1x2x128xi32, #tpu.memory_space<vmem>> -> memref<2x128xi32, #tpu.memory_space<vmem>>
        %dma_wait3A_177 = arith.constant 0 : i32
        %dma_wait3A_178 = tpu.memref_slice %dma_wait3A_176[%dma_wait3A_166, %dma_wait3A_177] : memref<2x128xi32, #tpu.memory_space<vmem>> -> memref<1x128xi32, #tpu.memory_space<vmem>>
        %dma_wait3A_179 = tpu.memref_squeeze %dma_wait3A_178 : memref<1x128xi32, #tpu.memory_space<vmem>> -> memref<128xi32, #tpu.memory_space<vmem>>
        %dma_wait3A_180 = arith.constant 0 : i32
        %dma_wait3A_181 = arith.constant 0 : i32
        %dma_wait3A_182 = tpu.memref_slice %arg4[%dma_wait3A_180, %dma_wait3A_181] : memref<10240x128xf32, #tpu.memory_space<hbm>> -> memref<10240x128xf32, #tpu.memory_space<hbm>>
        %dma_wait3A_183 = tpu.memref_slice %arg13[%dma_wait3A_168] : memref<2x!tpu.dma_semaphore, #tpu.memory_space<semaphore_mem>> -> memref<1x!tpu.dma_semaphore, #tpu.memory_space<semaphore_mem>>
        %dma_wait3A_184 = tpu.memref_squeeze %dma_wait3A_183 : memref<1x!tpu.dma_semaphore, #tpu.memory_space<semaphore_mem>> -> memref<!tpu.dma_semaphore, #tpu.memory_space<semaphore_mem>>
        tpu.wait_indirect_dma semaphore(%dma_wait3A_184 : memref<!tpu.dma_semaphore, #tpu.memory_space<semaphore_mem>>) src(%dma_wait3A_182 : memref<10240x128xf32, #tpu.memory_space<hbm>>) dst(%dma_wait3A_172 : memref<128x128xf32, #tpu.memory_space<vmem>>)
        %dma_wait3A_185 = arith.constant 0 : i32
        %dma_wait3A_186 = arith.constant 0 : i32
        %dma_wait3A_187 = arith.constant 0 : i32
        %dma_wait3A_188 = arith.constant 0 : i32
        %dma_wait3A_189 = tpu.memref_slice %arg7[%dma_wait3A_185, %dma_wait3A_187, %dma_wait3A_188] : memref<2x128x128xf32, #tpu.memory_space<vmem>> -> memref<1x128x128xf32, #tpu.memory_space<vmem>>
        %dma_wait3A_190 = tpu.memref_squeeze %dma_wait3A_189 : memref<1x128x128xf32, #tpu.memory_space<vmem>> -> memref<128x128xf32, #tpu.memory_space<vmem>>
        %dma_wait3A_191 = arith.constant 0 : i32
        %dma_wait3A_192 = tpu.memref_slice %arg2[%mul3A_109, %dma_wait3A_191] : memref<320000x128xf32, #tpu.memory_space<hbm>> -> memref<128x128xf32, #tpu.memory_space<hbm>>
        %dma_wait3A_193 = tpu.memref_slice %arg14[%dma_wait3A_186] : memref<2x!tpu.dma_semaphore, #tpu.memory_space<semaphore_mem>> -> memref<1x!tpu.dma_semaphore, #tpu.memory_space<semaphore_mem>>
        %dma_wait3A_194 = tpu.memref_squeeze %dma_wait3A_193 : memref<1x!tpu.dma_semaphore, #tpu.memory_space<semaphore_mem>> -> memref<!tpu.dma_semaphore, #tpu.memory_space<semaphore_mem>>
        %dma_wait3A_195 = arith.constant 0 : i32
        %dma_wait3A_196 = arith.constant 0 : i32
        %dma_wait3A_197 = tpu.memref_slice %arg7[%dma_wait3A_185, %dma_wait3A_195, %dma_wait3A_196] : memref<2x128x128xf32, #tpu.memory_space<vmem>> -> memref<1x128x128xf32, #tpu.memory_space<vmem>>
        %dma_wait3A_198 = tpu.memref_squeeze %dma_wait3A_197 : memref<1x128x128xf32, #tpu.memory_space<vmem>> -> memref<128x128xf32, #tpu.memory_space<vmem>>
        %dma_wait3A_199 = arith.constant 0 : i32
        %dma_wait3A_200 = tpu.memref_slice %arg2[%mul3A_109, %dma_wait3A_199] : memref<320000x128xf32, #tpu.memory_space<hbm>> -> memref<128x128xf32, #tpu.memory_space<hbm>>
        tpu.wait_dma2 semaphore(%dma_wait3A_194 : memref<!tpu.dma_semaphore, #tpu.memory_space<semaphore_mem>>) src(%dma_wait3A_200 : memref<128x128xf32, #tpu.memory_space<hbm>>) dst(%dma_wait3A_198 : memref<128x128xf32, #tpu.memory_space<vmem>>)
      } else {
      }
      %add3A_121 = arith.constant 1 : i32
      %add3A_122 = arith.addi %add3A_97, %add3A_121 : i32
      %lt3A_123 = arith.cmpi slt, %add3A_122, %select_n3A : i32
      %convert_element_type3A_124 = arith.extui %lt3A_123 : i1 to i32
      %cond3A_125 = arith.constant 0 : i32
      %cond3A_126 = arith.cmpi ne, %convert_element_type3A_124, %cond3A_125 : i32
      scf.if %cond3A_126 {
        %add3A_145 = arith.constant 1 : i32
        %add3A_146 = arith.addi %add3A_97, %add3A_145 : i32
        %mul3A_147 = arith.constant 32 : i32
        %mul3A_148 = arith.muli %add3A_146, %mul3A_147 : i32
        %add3A_149 = arith.addi %add3A, %mul3A_148 : i32
        %dma_start3A_150 = arith.constant 0 : i32
        %dma_start3A_151 = arith.constant 0 : i32
        %dma_start3A_152 = arith.constant 0 : i32
        %dma_start3A_153 = arith.constant 0 : i32
        %dma_start3A_154 = tpu.memref_slice %arg10[%dma_start3A_150, %dma_start3A_152, %dma_start3A_153] : memref<2x2x128xi32, #tpu.memory_space<vmem>> -> memref<1x2x128xi32, #tpu.memory_space<vmem>>
        %dma_start3A_155 = tpu.memref_squeeze %dma_start3A_154 : memref<1x2x128xi32, #tpu.memory_space<vmem>> -> memref<2x128xi32, #tpu.memory_space<vmem>>
        %dma_start3A_156 = arith.constant 0 : i32
        %dma_start3A_157 = arith.constant 0 : i32
        %dma_start3A_158 = tpu.memref_slice %arg5[%add3A_149, %dma_start3A_156, %dma_start3A_157] : memref<2500x2x128xi32, #tpu.memory_space<hbm>> -> memref<1x2x128xi32, #tpu.memory_space<hbm>>
        %dma_start3A_159 = tpu.memref_squeeze %dma_start3A_158 : memref<1x2x128xi32, #tpu.memory_space<hbm>> -> memref<2x128xi32, #tpu.memory_space<hbm>>
        %dma_start3A_160 = tpu.memref_slice %arg11[%dma_start3A_151] : memref<2x!tpu.dma_semaphore, #tpu.memory_space<semaphore_mem>> -> memref<1x!tpu.dma_semaphore, #tpu.memory_space<semaphore_mem>>
        %dma_start3A_161 = tpu.memref_squeeze %dma_start3A_160 : memref<1x!tpu.dma_semaphore, #tpu.memory_space<semaphore_mem>> -> memref<!tpu.dma_semaphore, #tpu.memory_space<semaphore_mem>>
        %dma_start3A_162 = arith.constant 0 : i32
        %dma_start3A_163 = arith.constant 0 : i32
        %dma_start3A_164 = tpu.memref_slice %arg10[%dma_start3A_150, %dma_start3A_162, %dma_start3A_163] : memref<2x2x128xi32, #tpu.memory_space<vmem>> -> memref<1x2x128xi32, #tpu.memory_space<vmem>>
        %dma_start3A_165 = tpu.memref_squeeze %dma_start3A_164 : memref<1x2x128xi32, #tpu.memory_space<vmem>> -> memref<2x128xi32, #tpu.memory_space<vmem>>
        %dma_start3A_166 = arith.constant 0 : i32
        %dma_start3A_167 = arith.constant 0 : i32
        %dma_start3A_168 = tpu.memref_slice %arg5[%add3A_149, %dma_start3A_166, %dma_start3A_167] : memref<2500x2x128xi32, #tpu.memory_space<hbm>> -> memref<1x2x128xi32, #tpu.memory_space<hbm>>
        %dma_start3A_169 = tpu.memref_squeeze %dma_start3A_168 : memref<1x2x128xi32, #tpu.memory_space<hbm>> -> memref<2x128xi32, #tpu.memory_space<hbm>>
        tpu.enqueue_dma source(%dma_start3A_169 : memref<2x128xi32, #tpu.memory_space<hbm>>) target(%dma_start3A_165 : memref<2x128xi32, #tpu.memory_space<vmem>>) target_semaphore(%dma_start3A_161 : memref<!tpu.dma_semaphore, #tpu.memory_space<semaphore_mem>>)
      } else {
      }
      %ge3A_127 = arith.constant 2 : i32
      %ge3A_128 = arith.cmpi sge, %add3A_97, %ge3A_127 : i32
      %le3A_129 = arith.cmpi sle, %add3A_97, %select_n3A : i32
      %and3A_130 = arith.andi %ge3A_128, %le3A_129 : i1
      %convert_element_type3A_131 = arith.extui %and3A_130 : i1 to i32
      %cond3A_132 = arith.constant 0 : i32
      %cond3A_133 = arith.cmpi ne, %convert_element_type3A_131, %cond3A_132 : i32
      scf.if %cond3A_133 {
        %sub3A_145 = arith.constant 2 : i32
        %sub3A_146 = arith.subi %add3A_97, %sub3A_145 : i32
        %mul3A_147 = arith.constant 32 : i32
        %mul3A_148 = arith.muli %sub3A_146, %mul3A_147 : i32
        %add3A_149 = arith.addi %add3A, %mul3A_148 : i32
        %mul3A_150 = arith.constant 128 : i32
        %mul3A_151 = arith.muli %add3A_149, %mul3A_150 : i32
        %dma_wait3A_152 = arith.constant 1 : i32
        %dma_wait3A_153 = arith.constant 1 : i32
        %dma_wait3A_154 = arith.constant 0 : i32
        %dma_wait3A_155 = arith.constant 0 : i32
        %dma_wait3A_156 = tpu.memref_slice %arg7[%dma_wait3A_152, %dma_wait3A_154, %dma_wait3A_155] : memref<2x128x128xf32, #tpu.memory_space<vmem>> -> memref<1x128x128xf32, #tpu.memory_space<vmem>>
        %dma_wait3A_157 = tpu.memref_squeeze %dma_wait3A_156 : memref<1x128x128xf32, #tpu.memory_space<vmem>> -> memref<128x128xf32, #tpu.memory_space<vmem>>
        %dma_wait3A_158 = arith.constant 0 : i32
        %dma_wait3A_159 = tpu.memref_slice %arg6[%mul3A_151, %dma_wait3A_158] : memref<320000x128xf32, #tpu.memory_space<hbm>> -> memref<128x128xf32, #tpu.memory_space<hbm>>
        %dma_wait3A_160 = tpu.memref_slice %arg15[%dma_wait3A_153] : memref<2x!tpu.dma_semaphore, #tpu.memory_space<semaphore_mem>> -> memref<1x!tpu.dma_semaphore, #tpu.memory_space<semaphore_mem>>
        %dma_wait3A_161 = tpu.memref_squeeze %dma_wait3A_160 : memref<1x!tpu.dma_semaphore, #tpu.memory_space<semaphore_mem>> -> memref<!tpu.dma_semaphore, #tpu.memory_space<semaphore_mem>>
        %dma_wait3A_162 = arith.constant 0 : i32
        %dma_wait3A_163 = tpu.memref_slice %arg6[%mul3A_151, %dma_wait3A_162] : memref<320000x128xf32, #tpu.memory_space<hbm>> -> memref<128x128xf32, #tpu.memory_space<hbm>>
        %dma_wait3A_164 = arith.constant 0 : i32
        %dma_wait3A_165 = arith.constant 0 : i32
        %dma_wait3A_166 = tpu.memref_slice %arg7[%dma_wait3A_152, %dma_wait3A_164, %dma_wait3A_165] : memref<2x128x128xf32, #tpu.memory_space<vmem>> -> memref<1x128x128xf32, #tpu.memory_space<vmem>>
        %dma_wait3A_167 = tpu.memref_squeeze %dma_wait3A_166 : memref<1x128x128xf32, #tpu.memory_space<vmem>> -> memref<128x128xf32, #tpu.memory_space<vmem>>
        tpu.wait_dma2 semaphore(%dma_wait3A_161 : memref<!tpu.dma_semaphore, #tpu.memory_space<semaphore_mem>>) src(%dma_wait3A_167 : memref<128x128xf32, #tpu.memory_space<vmem>>) dst(%dma_wait3A_163 : memref<128x128xf32, #tpu.memory_space<hbm>>)
      } else {
      }
      %lt3A_134 = arith.cmpi slt, %add3A_97, %select_n3A : i32
      %convert_element_type3A_135 = arith.extui %lt3A_134 : i1 to i32
      %cond3A_136 = arith.constant 0 : i32
      %cond3A_137 = arith.cmpi ne, %convert_element_type3A_135, %cond3A_136 : i32
      scf.if %cond3A_137 {
        %dma_start3A_145 = arith.constant 1 : i32
        %dma_start3A_146 = arith.constant 0 : i32
        %dma_start3A_147 = arith.constant 1 : i32
        %dma_start3A_148 = arith.constant 1 : i32
        %dma_start3A_149 = arith.constant 0 : i32
        %dma_start3A_150 = arith.constant 0 : i32
        %dma_start3A_151 = tpu.memref_slice %arg8[%dma_start3A_147, %dma_start3A_149, %dma_start3A_150] : memref<2x128x128xf32, #tpu.memory_space<vmem>> -> memref<1x128x128xf32, #tpu.memory_space<vmem>>
        %dma_start3A_152 = tpu.memref_squeeze %dma_start3A_151 : memref<1x128x128xf32, #tpu.memory_space<vmem>> -> memref<128x128xf32, #tpu.memory_space<vmem>>
        %dma_start3A_153 = arith.constant 0 : i32
        %dma_start3A_154 = arith.constant 0 : i32
        %dma_start3A_155 = tpu.memref_slice %arg10[%dma_start3A_145, %dma_start3A_153, %dma_start3A_154] : memref<2x2x128xi32, #tpu.memory_space<vmem>> -> memref<1x2x128xi32, #tpu.memory_space<vmem>>
        %dma_start3A_156 = tpu.memref_squeeze %dma_start3A_155 : memref<1x2x128xi32, #tpu.memory_space<vmem>> -> memref<2x128xi32, #tpu.memory_space<vmem>>
        %dma_start3A_157 = arith.constant 0 : i32
        %dma_start3A_158 = tpu.memref_slice %dma_start3A_156[%dma_start3A_146, %dma_start3A_157] : memref<2x128xi32, #tpu.memory_space<vmem>> -> memref<1x128xi32, #tpu.memory_space<vmem>>
        %dma_start3A_159 = tpu.memref_squeeze %dma_start3A_158 : memref<1x128xi32, #tpu.memory_space<vmem>> -> memref<128xi32, #tpu.memory_space<vmem>>
        %dma_start3A_160 = arith.constant 0 : i32
        %dma_start3A_161 = arith.constant 0 : i32
        %dma_start3A_162 = tpu.memref_slice %arg3[%dma_start3A_160, %dma_start3A_161] : memref<10240x128xf32, #tpu.memory_space<hbm>> -> memref<10240x128xf32, #tpu.memory_space<hbm>>
        %dma_start3A_163 = tpu.memref_slice %arg12[%dma_start3A_148] : memref<2x!tpu.dma_semaphore, #tpu.memory_space<semaphore_mem>> -> memref<1x!tpu.dma_semaphore, #tpu.memory_space<semaphore_mem>>
        %dma_start3A_164 = tpu.memref_squeeze %dma_start3A_163 : memref<1x!tpu.dma_semaphore, #tpu.memory_space<semaphore_mem>> -> memref<!tpu.dma_semaphore, #tpu.memory_space<semaphore_mem>>
        tpu.enqueue_indirect_dma source(%dma_start3A_162 : memref<10240x128xf32, #tpu.memory_space<hbm>>) target(%dma_start3A_152 : memref<128x128xf32, #tpu.memory_space<vmem>>) offsets(%dma_start3A_159 : memref<128xi32, #tpu.memory_space<vmem>>) semaphore(%dma_start3A_164 : memref<!tpu.dma_semaphore, #tpu.memory_space<semaphore_mem>>)
        %dma_start3A_165 = arith.constant 1 : i32
        %dma_start3A_166 = arith.constant 1 : i32
        %dma_start3A_167 = arith.constant 1 : i32
        %dma_start3A_168 = arith.constant 1 : i32
        %dma_start3A_169 = arith.constant 0 : i32
        %dma_start3A_170 = arith.constant 0 : i32
        %dma_start3A_171 = tpu.memref_slice %arg9[%dma_start3A_167, %dma_start3A_169, %dma_start3A_170] : memref<2x128x128xf32, #tpu.memory_space<vmem>> -> memref<1x128x128xf32, #tpu.memory_space<vmem>>
        %dma_start3A_172 = tpu.memref_squeeze %dma_start3A_171 : memref<1x128x128xf32, #tpu.memory_space<vmem>> -> memref<128x128xf32, #tpu.memory_space<vmem>>
        %dma_start3A_173 = arith.constant 0 : i32
        %dma_start3A_174 = arith.constant 0 : i32
        %dma_start3A_175 = tpu.memref_slice %arg10[%dma_start3A_165, %dma_start3A_173, %dma_start3A_174] : memref<2x2x128xi32, #tpu.memory_space<vmem>> -> memref<1x2x128xi32, #tpu.memory_space<vmem>>
        %dma_start3A_176 = tpu.memref_squeeze %dma_start3A_175 : memref<1x2x128xi32, #tpu.memory_space<vmem>> -> memref<2x128xi32, #tpu.memory_space<vmem>>
        %dma_start3A_177 = arith.constant 0 : i32
        %dma_start3A_178 = tpu.memref_slice %dma_start3A_176[%dma_start3A_166, %dma_start3A_177] : memref<2x128xi32, #tpu.memory_space<vmem>> -> memref<1x128xi32, #tpu.memory_space<vmem>>
        %dma_start3A_179 = tpu.memref_squeeze %dma_start3A_178 : memref<1x128xi32, #tpu.memory_space<vmem>> -> memref<128xi32, #tpu.memory_space<vmem>>
        %dma_start3A_180 = arith.constant 0 : i32
        %dma_start3A_181 = arith.constant 0 : i32
        %dma_start3A_182 = tpu.memref_slice %arg4[%dma_start3A_180, %dma_start3A_181] : memref<10240x128xf32, #tpu.memory_space<hbm>> -> memref<10240x128xf32, #tpu.memory_space<hbm>>
        %dma_start3A_183 = tpu.memref_slice %arg13[%dma_start3A_168] : memref<2x!tpu.dma_semaphore, #tpu.memory_space<semaphore_mem>> -> memref<1x!tpu.dma_semaphore, #tpu.memory_space<semaphore_mem>>
        %dma_start3A_184 = tpu.memref_squeeze %dma_start3A_183 : memref<1x!tpu.dma_semaphore, #tpu.memory_space<semaphore_mem>> -> memref<!tpu.dma_semaphore, #tpu.memory_space<semaphore_mem>>
        tpu.enqueue_indirect_dma source(%dma_start3A_182 : memref<10240x128xf32, #tpu.memory_space<hbm>>) target(%dma_start3A_172 : memref<128x128xf32, #tpu.memory_space<vmem>>) offsets(%dma_start3A_179 : memref<128xi32, #tpu.memory_space<vmem>>) semaphore(%dma_start3A_184 : memref<!tpu.dma_semaphore, #tpu.memory_space<semaphore_mem>>)
        %dma_start3A_185 = arith.constant 1 : i32
        %dma_start3A_186 = arith.constant 1 : i32
        %dma_start3A_187 = arith.constant 0 : i32
        %dma_start3A_188 = arith.constant 0 : i32
        %dma_start3A_189 = tpu.memref_slice %arg7[%dma_start3A_185, %dma_start3A_187, %dma_start3A_188] : memref<2x128x128xf32, #tpu.memory_space<vmem>> -> memref<1x128x128xf32, #tpu.memory_space<vmem>>
        %dma_start3A_190 = tpu.memref_squeeze %dma_start3A_189 : memref<1x128x128xf32, #tpu.memory_space<vmem>> -> memref<128x128xf32, #tpu.memory_space<vmem>>
        %dma_start3A_191 = arith.constant 0 : i32
        %dma_start3A_192 = tpu.memref_slice %arg2[%mul3A_102, %dma_start3A_191] : memref<320000x128xf32, #tpu.memory_space<hbm>> -> memref<128x128xf32, #tpu.memory_space<hbm>>
        %dma_start3A_193 = tpu.memref_slice %arg14[%dma_start3A_186] : memref<2x!tpu.dma_semaphore, #tpu.memory_space<semaphore_mem>> -> memref<1x!tpu.dma_semaphore, #tpu.memory_space<semaphore_mem>>
        %dma_start3A_194 = tpu.memref_squeeze %dma_start3A_193 : memref<1x!tpu.dma_semaphore, #tpu.memory_space<semaphore_mem>> -> memref<!tpu.dma_semaphore, #tpu.memory_space<semaphore_mem>>
        %dma_start3A_195 = arith.constant 0 : i32
        %dma_start3A_196 = arith.constant 0 : i32
        %dma_start3A_197 = tpu.memref_slice %arg7[%dma_start3A_185, %dma_start3A_195, %dma_start3A_196] : memref<2x128x128xf32, #tpu.memory_space<vmem>> -> memref<1x128x128xf32, #tpu.memory_space<vmem>>
        %dma_start3A_198 = tpu.memref_squeeze %dma_start3A_197 : memref<1x128x128xf32, #tpu.memory_space<vmem>> -> memref<128x128xf32, #tpu.memory_space<vmem>>
        %dma_start3A_199 = arith.constant 0 : i32
        %dma_start3A_200 = tpu.memref_slice %arg2[%mul3A_102, %dma_start3A_199] : memref<320000x128xf32, #tpu.memory_space<hbm>> -> memref<128x128xf32, #tpu.memory_space<hbm>>
        tpu.enqueue_dma source(%dma_start3A_200 : memref<128x128xf32, #tpu.memory_space<hbm>>) target(%dma_start3A_198 : memref<128x128xf32, #tpu.memory_space<vmem>>) target_semaphore(%dma_start3A_194 : memref<!tpu.dma_semaphore, #tpu.memory_space<semaphore_mem>>)
      } else {
      }
      %ge3A_138 = arith.constant 1 : i32
      %ge3A_139 = arith.cmpi sge, %add3A_97, %ge3A_138 : i32
      %le3A_140 = arith.cmpi sle, %add3A_97, %select_n3A : i32
      %and3A_141 = arith.andi %ge3A_139, %le3A_140 : i1
      %convert_element_type3A_142 = arith.extui %and3A_141 : i1 to i32
      %cond3A_143 = arith.constant 0 : i32
      %cond3A_144 = arith.cmpi ne, %convert_element_type3A_142, %cond3A_143 : i32
      scf.if %cond3A_144 {
        %scan3A_145 = arith.constant 0 : i32
        %scan3A_146 = arith.constant 0 : i32
        %scan3A_147 = arith.constant 128 : i32
        %scan3A_148 = arith.addi %scan3A_146, %scan3A_147 : i32
        %scan3A_149 = arith.constant 1 : i32
        scf.for %scan3A_167 = %scan3A_146 to %scan3A_148 step %scan3A_149  : i32 {
          %get3A = arith.constant 0 : i32
          %get3A_168 = arith.index_cast %get3A : i32 to index
          %get3A_169 = arith.index_cast %scan3A_167 : i32 to index
          %get3A_170 = arith.constant 0 : index
          %get3A_171 = tpu.vector_load %arg7[%get3A_168, %get3A_169, %get3A_170] {strides = array<i32>} : memref<2x128x128xf32, #tpu.memory_space<vmem>>, vector<1x1x16xf32>,
          %get3A_172 = vector.shape_cast %get3A_171 : vector<1x1x16xf32> to vector<16xf32>
          %get3A_173 = arith.constant 0 : i32
          %get3A_174 = arith.index_cast %get3A_173 : i32 to index
          %get3A_175 = arith.index_cast %scan3A_167 : i32 to index
          %get3A_176 = arith.constant 0 : index
          %get3A_177 = tpu.vector_load %arg8[%get3A_174, %get3A_175, %get3A_176] {strides = array<i32>} : memref<2x128x128xf32, #tpu.memory_space<vmem>>, vector<1x1x16xf32>,
          %get3A_178 = vector.shape_cast %get3A_177 : vector<1x1x16xf32> to vector<16xf32>
          %add3A_179 = arith.addf %get3A_172, %get3A_178 : vector<16xf32>
          %get3A_180 = arith.constant 0 : i32
          %get3A_181 = arith.index_cast %get3A_180 : i32 to index
          %get3A_182 = arith.index_cast %scan3A_167 : i32 to index
          %get3A_183 = arith.constant 0 : index
          %get3A_184 = tpu.vector_load %arg9[%get3A_181, %get3A_182, %get3A_183] {strides = array<i32>} : memref<2x128x128xf32, #tpu.memory_space<vmem>>, vector<1x1x16xf32>,
          %get3A_185 = vector.shape_cast %get3A_184 : vector<1x1x16xf32> to vector<16xf32>
          %add3A_186 = arith.addf %add3A_179, %get3A_185 : vector<16xf32>
          %max3A = arith.constant 0.000000e+00 : f32
          %max3A_187 = vector.broadcast %max3A : f32 to vector<16xf32>
          %max3A_188 = arith.maximumf %add3A_186, %max3A_187 : vector<16xf32>
          %swap3A = arith.constant 0 : i32
          %swap3A_189 = arith.index_cast %swap3A : i32 to index
          %swap3A_190 = arith.index_cast %scan3A_167 : i32 to index
          %swap3A_191 = arith.constant 0 : index
          %swap3A_192 = tpu.vector_load %arg7[%swap3A_189, %swap3A_190, %swap3A_191] {strides = array<i32>} : memref<2x128x128xf32, #tpu.memory_space<vmem>>, vector<1x1x16xf32>,
          %swap3A_193 = vector.shape_cast %swap3A_192 : vector<1x1x16xf32> to vector<16xf32>
          %swap3A_194 = vector.shape_cast %max3A_188 : vector<16xf32> to vector<1x1x16xf32>
          tpu.vector_store %arg7[%swap3A_189, %swap3A_190, %swap3A_191], %swap3A_194 {strides = array<i32>} : memref<2x128x128xf32, #tpu.memory_space<vmem>>, vector<1x1x16xf32>,
          %get3A_195 = arith.constant 0 : i32
          %get3A_196 = arith.index_cast %get3A_195 : i32 to index
          %get3A_197 = arith.index_cast %scan3A_167 : i32 to index
          %get3A_198 = arith.constant 16 : index
          %get3A_199 = tpu.vector_load %arg7[%get3A_196, %get3A_197, %get3A_198] {strides = array<i32>} : memref<2x128x128xf32, #tpu.memory_space<vmem>>, vector<1x1x16xf32>,
          %get3A_200 = vector.shape_cast %get3A_199 : vector<1x1x16xf32> to vector<16xf32>
          %get3A_201 = arith.constant 0 : i32
          %get3A_202 = arith.index_cast %get3A_201 : i32 to index
          %get3A_203 = arith.index_cast %scan3A_167 : i32 to index
          %get3A_204 = arith.constant 16 : index
          %get3A_205 = tpu.vector_load %arg8[%get3A_202, %get3A_203, %get3A_204] {strides = array<i32>} : memref<2x128x128xf32, #tpu.memory_space<vmem>>, vector<1x1x16xf32>,
          %get3A_206 = vector.shape_cast %get3A_205 : vector<1x1x16xf32> to vector<16xf32>
          %add3A_207 = arith.addf %get3A_200, %get3A_206 : vector<16xf32>
          %get3A_208 = arith.constant 0 : i32
          %get3A_209 = arith.index_cast %get3A_208 : i32 to index
          %get3A_210 = arith.index_cast %scan3A_167 : i32 to index
          %get3A_211 = arith.constant 16 : index
          %get3A_212 = tpu.vector_load %arg9[%get3A_209, %get3A_210, %get3A_211] {strides = array<i32>} : memref<2x128x128xf32, #tpu.memory_space<vmem>>, vector<1x1x16xf32>,
          %get3A_213 = vector.shape_cast %get3A_212 : vector<1x1x16xf32> to vector<16xf32>
          %add3A_214 = arith.addf %add3A_207, %get3A_213 : vector<16xf32>
          %max3A_215 = arith.constant 0.000000e+00 : f32
          %max3A_216 = vector.broadcast %max3A_215 : f32 to vector<16xf32>
          %max3A_217 = arith.maximumf %add3A_214, %max3A_216 : vector<16xf32>
          %swap3A_218 = arith.constant 0 : i32
          %swap3A_219 = arith.index_cast %swap3A_218 : i32 to index
          %swap3A_220 = arith.index_cast %scan3A_167 : i32 to index
          %swap3A_221 = arith.constant 16 : index
          %swap3A_222 = tpu.vector_load %arg7[%swap3A_219, %swap3A_220, %swap3A_221] {strides = array<i32>} : memref<2x128x128xf32, #tpu.memory_space<vmem>>, vector<1x1x16xf32>,
          %swap3A_223 = vector.shape_cast %swap3A_222 : vector<1x1x16xf32> to vector<16xf32>
          %swap3A_224 = vector.shape_cast %max3A_217 : vector<16xf32> to vector<1x1x16xf32>
          tpu.vector_store %arg7[%swap3A_219, %swap3A_220, %swap3A_221], %swap3A_224 {strides = array<i32>} : memref<2x128x128xf32, #tpu.memory_space<vmem>>, vector<1x1x16xf32>,
          %get3A_225 = arith.constant 0 : i32
          %get3A_226 = arith.index_cast %get3A_225 : i32 to index
          %get3A_227 = arith.index_cast %scan3A_167 : i32 to index
          %get3A_228 = arith.constant 32 : index
          %get3A_229 = tpu.vector_load %arg7[%get3A_226, %get3A_227, %get3A_228] {strides = array<i32>} : memref<2x128x128xf32, #tpu.memory_space<vmem>>, vector<1x1x16xf32>,
          %get3A_230 = vector.shape_cast %get3A_229 : vector<1x1x16xf32> to vector<16xf32>
          %get3A_231 = arith.constant 0 : i32
          %get3A_232 = arith.index_cast %get3A_231 : i32 to index
          %get3A_233 = arith.index_cast %scan3A_167 : i32 to index
          %get3A_234 = arith.constant 32 : index
          %get3A_235 = tpu.vector_load %arg8[%get3A_232, %get3A_233, %get3A_234] {strides = array<i32>} : memref<2x128x128xf32, #tpu.memory_space<vmem>>, vector<1x1x16xf32>,
          %get3A_236 = vector.shape_cast %get3A_235 : vector<1x1x16xf32> to vector<16xf32>
          %add3A_237 = arith.addf %get3A_230, %get3A_236 : vector<16xf32>
          %get3A_238 = arith.constant 0 : i32
          %get3A_239 = arith.index_cast %get3A_238 : i32 to index
          %get3A_240 = arith.index_cast %scan3A_167 : i32 to index
          %get3A_241 = arith.constant 32 : index
          %get3A_242 = tpu.vector_load %arg9[%get3A_239, %get3A_240, %get3A_241] {strides = array<i32>} : memref<2x128x128xf32, #tpu.memory_space<vmem>>, vector<1x1x16xf32>,
          %get3A_243 = vector.shape_cast %get3A_242 : vector<1x1x16xf32> to vector<16xf32>
          %add3A_244 = arith.addf %add3A_237, %get3A_243 : vector<16xf32>
          %max3A_245 = arith.constant 0.000000e+00 : f32
          %max3A_246 = vector.broadcast %max3A_245 : f32 to vector<16xf32>
          %max3A_247 = arith.maximumf %add3A_244, %max3A_246 : vector<16xf32>
          %swap3A_248 = arith.constant 0 : i32
          %swap3A_249 = arith.index_cast %swap3A_248 : i32 to index
          %swap3A_250 = arith.index_cast %scan3A_167 : i32 to index
          %swap3A_251 = arith.constant 32 : index
          %swap3A_252 = tpu.vector_load %arg7[%swap3A_249, %swap3A_250, %swap3A_251] {strides = array<i32>} : memref<2x128x128xf32, #tpu.memory_space<vmem>>, vector<1x1x16xf32>,
          %swap3A_253 = vector.shape_cast %swap3A_252 : vector<1x1x16xf32> to vector<16xf32>
          %swap3A_254 = vector.shape_cast %max3A_247 : vector<16xf32> to vector<1x1x16xf32>
          tpu.vector_store %arg7[%swap3A_249, %swap3A_250, %swap3A_251], %swap3A_254 {strides = array<i32>} : memref<2x128x128xf32, #tpu.memory_space<vmem>>, vector<1x1x16xf32>,
          %get3A_255 = arith.constant 0 : i32
          %get3A_256 = arith.index_cast %get3A_255 : i32 to index
          %get3A_257 = arith.index_cast %scan3A_167 : i32 to index
          %get3A_258 = arith.constant 48 : index
          %get3A_259 = tpu.vector_load %arg7[%get3A_256, %get3A_257, %get3A_258] {strides = array<i32>} : memref<2x128x128xf32, #tpu.memory_space<vmem>>, vector<1x1x16xf32>,
          %get3A_260 = vector.shape_cast %get3A_259 : vector<1x1x16xf32> to vector<16xf32>
          %get3A_261 = arith.constant 0 : i32
          %get3A_262 = arith.index_cast %get3A_261 : i32 to index
          %get3A_263 = arith.index_cast %scan3A_167 : i32 to index
          %get3A_264 = arith.constant 48 : index
          %get3A_265 = tpu.vector_load %arg8[%get3A_262, %get3A_263, %get3A_264] {strides = array<i32>} : memref<2x128x128xf32, #tpu.memory_space<vmem>>, vector<1x1x16xf32>,
          %get3A_266 = vector.shape_cast %get3A_265 : vector<1x1x16xf32> to vector<16xf32>
          %add3A_267 = arith.addf %get3A_260, %get3A_266 : vector<16xf32>
          %get3A_268 = arith.constant 0 : i32
          %get3A_269 = arith.index_cast %get3A_268 : i32 to index
          %get3A_270 = arith.index_cast %scan3A_167 : i32 to index
          %get3A_271 = arith.constant 48 : index
          %get3A_272 = tpu.vector_load %arg9[%get3A_269, %get3A_270, %get3A_271] {strides = array<i32>} : memref<2x128x128xf32, #tpu.memory_space<vmem>>, vector<1x1x16xf32>,
          %get3A_273 = vector.shape_cast %get3A_272 : vector<1x1x16xf32> to vector<16xf32>
          %add3A_274 = arith.addf %add3A_267, %get3A_273 : vector<16xf32>
          %max3A_275 = arith.constant 0.000000e+00 : f32
          %max3A_276 = vector.broadcast %max3A_275 : f32 to vector<16xf32>
          %max3A_277 = arith.maximumf %add3A_274, %max3A_276 : vector<16xf32>
          %swap3A_278 = arith.constant 0 : i32
          %swap3A_279 = arith.index_cast %swap3A_278 : i32 to index
          %swap3A_280 = arith.index_cast %scan3A_167 : i32 to index
          %swap3A_281 = arith.constant 48 : index
          %swap3A_282 = tpu.vector_load %arg7[%swap3A_279, %swap3A_280, %swap3A_281] {strides = array<i32>} : memref<2x128x128xf32, #tpu.memory_space<vmem>>, vector<1x1x16xf32>,
          %swap3A_283 = vector.shape_cast %swap3A_282 : vector<1x1x16xf32> to vector<16xf32>
          %swap3A_284 = vector.shape_cast %max3A_277 : vector<16xf32> to vector<1x1x16xf32>
          tpu.vector_store %arg7[%swap3A_279, %swap3A_280, %swap3A_281], %swap3A_284 {strides = array<i32>} : memref<2x128x128xf32, #tpu.memory_space<vmem>>, vector<1x1x16xf32>,
          %get3A_285 = arith.constant 0 : i32
          %get3A_286 = arith.index_cast %get3A_285 : i32 to index
          %get3A_287 = arith.index_cast %scan3A_167 : i32 to index
          %get3A_288 = arith.constant 64 : index
          %get3A_289 = tpu.vector_load %arg7[%get3A_286, %get3A_287, %get3A_288] {strides = array<i32>} : memref<2x128x128xf32, #tpu.memory_space<vmem>>, vector<1x1x16xf32>,
          %get3A_290 = vector.shape_cast %get3A_289 : vector<1x1x16xf32> to vector<16xf32>
          %get3A_291 = arith.constant 0 : i32
          %get3A_292 = arith.index_cast %get3A_291 : i32 to index
          %get3A_293 = arith.index_cast %scan3A_167 : i32 to index
          %get3A_294 = arith.constant 64 : index
          %get3A_295 = tpu.vector_load %arg8[%get3A_292, %get3A_293, %get3A_294] {strides = array<i32>} : memref<2x128x128xf32, #tpu.memory_space<vmem>>, vector<1x1x16xf32>,
          %get3A_296 = vector.shape_cast %get3A_295 : vector<1x1x16xf32> to vector<16xf32>
          %add3A_297 = arith.addf %get3A_290, %get3A_296 : vector<16xf32>
          %get3A_298 = arith.constant 0 : i32
          %get3A_299 = arith.index_cast %get3A_298 : i32 to index
          %get3A_300 = arith.index_cast %scan3A_167 : i32 to index
          %get3A_301 = arith.constant 64 : index
          %get3A_302 = tpu.vector_load %arg9[%get3A_299, %get3A_300, %get3A_301] {strides = array<i32>} : memref<2x128x128xf32, #tpu.memory_space<vmem>>, vector<1x1x16xf32>,
          %get3A_303 = vector.shape_cast %get3A_302 : vector<1x1x16xf32> to vector<16xf32>
          %add3A_304 = arith.addf %add3A_297, %get3A_303 : vector<16xf32>
          %max3A_305 = arith.constant 0.000000e+00 : f32
          %max3A_306 = vector.broadcast %max3A_305 : f32 to vector<16xf32>
          %max3A_307 = arith.maximumf %add3A_304, %max3A_306 : vector<16xf32>
          %swap3A_308 = arith.constant 0 : i32
          %swap3A_309 = arith.index_cast %swap3A_308 : i32 to index
          %swap3A_310 = arith.index_cast %scan3A_167 : i32 to index
          %swap3A_311 = arith.constant 64 : index
          %swap3A_312 = tpu.vector_load %arg7[%swap3A_309, %swap3A_310, %swap3A_311] {strides = array<i32>} : memref<2x128x128xf32, #tpu.memory_space<vmem>>, vector<1x1x16xf32>,
          %swap3A_313 = vector.shape_cast %swap3A_312 : vector<1x1x16xf32> to vector<16xf32>
          %swap3A_314 = vector.shape_cast %max3A_307 : vector<16xf32> to vector<1x1x16xf32>
          tpu.vector_store %arg7[%swap3A_309, %swap3A_310, %swap3A_311], %swap3A_314 {strides = array<i32>} : memref<2x128x128xf32, #tpu.memory_space<vmem>>, vector<1x1x16xf32>,
          %get3A_315 = arith.constant 0 : i32
          %get3A_316 = arith.index_cast %get3A_315 : i32 to index
          %get3A_317 = arith.index_cast %scan3A_167 : i32 to index
          %get3A_318 = arith.constant 80 : index
          %get3A_319 = tpu.vector_load %arg7[%get3A_316, %get3A_317, %get3A_318] {strides = array<i32>} : memref<2x128x128xf32, #tpu.memory_space<vmem>>, vector<1x1x16xf32>,
          %get3A_320 = vector.shape_cast %get3A_319 : vector<1x1x16xf32> to vector<16xf32>
          %get3A_321 = arith.constant 0 : i32
          %get3A_322 = arith.index_cast %get3A_321 : i32 to index
          %get3A_323 = arith.index_cast %scan3A_167 : i32 to index
          %get3A_324 = arith.constant 80 : index
          %get3A_325 = tpu.vector_load %arg8[%get3A_322, %get3A_323, %get3A_324] {strides = array<i32>} : memref<2x128x128xf32, #tpu.memory_space<vmem>>, vector<1x1x16xf32>,
          %get3A_326 = vector.shape_cast %get3A_325 : vector<1x1x16xf32> to vector<16xf32>
          %add3A_327 = arith.addf %get3A_320, %get3A_326 : vector<16xf32>
          %get3A_328 = arith.constant 0 : i32
          %get3A_329 = arith.index_cast %get3A_328 : i32 to index
          %get3A_330 = arith.index_cast %scan3A_167 : i32 to index
          %get3A_331 = arith.constant 80 : index
          %get3A_332 = tpu.vector_load %arg9[%get3A_329, %get3A_330, %get3A_331] {strides = array<i32>} : memref<2x128x128xf32, #tpu.memory_space<vmem>>, vector<1x1x16xf32>,
          %get3A_333 = vector.shape_cast %get3A_332 : vector<1x1x16xf32> to vector<16xf32>
          %add3A_334 = arith.addf %add3A_327, %get3A_333 : vector<16xf32>
          %max3A_335 = arith.constant 0.000000e+00 : f32
          %max3A_336 = vector.broadcast %max3A_335 : f32 to vector<16xf32>
          %max3A_337 = arith.maximumf %add3A_334, %max3A_336 : vector<16xf32>
          %swap3A_338 = arith.constant 0 : i32
          %swap3A_339 = arith.index_cast %swap3A_338 : i32 to index
          %swap3A_340 = arith.index_cast %scan3A_167 : i32 to index
          %swap3A_341 = arith.constant 80 : index
          %swap3A_342 = tpu.vector_load %arg7[%swap3A_339, %swap3A_340, %swap3A_341] {strides = array<i32>} : memref<2x128x128xf32, #tpu.memory_space<vmem>>, vector<1x1x16xf32>,
          %swap3A_343 = vector.shape_cast %swap3A_342 : vector<1x1x16xf32> to vector<16xf32>
          %swap3A_344 = vector.shape_cast %max3A_337 : vector<16xf32> to vector<1x1x16xf32>
          tpu.vector_store %arg7[%swap3A_339, %swap3A_340, %swap3A_341], %swap3A_344 {strides = array<i32>} : memref<2x128x128xf32, #tpu.memory_space<vmem>>, vector<1x1x16xf32>,
          %get3A_345 = arith.constant 0 : i32
          %get3A_346 = arith.index_cast %get3A_345 : i32 to index
          %get3A_347 = arith.index_cast %scan3A_167 : i32 to index
          %get3A_348 = arith.constant 96 : index
          %get3A_349 = tpu.vector_load %arg7[%get3A_346, %get3A_347, %get3A_348] {strides = array<i32>} : memref<2x128x128xf32, #tpu.memory_space<vmem>>, vector<1x1x16xf32>,
          %get3A_350 = vector.shape_cast %get3A_349 : vector<1x1x16xf32> to vector<16xf32>
          %get3A_351 = arith.constant 0 : i32
          %get3A_352 = arith.index_cast %get3A_351 : i32 to index
          %get3A_353 = arith.index_cast %scan3A_167 : i32 to index
          %get3A_354 = arith.constant 96 : index
          %get3A_355 = tpu.vector_load %arg8[%get3A_352, %get3A_353, %get3A_354] {strides = array<i32>} : memref<2x128x128xf32, #tpu.memory_space<vmem>>, vector<1x1x16xf32>,
          %get3A_356 = vector.shape_cast %get3A_355 : vector<1x1x16xf32> to vector<16xf32>
          %add3A_357 = arith.addf %get3A_350, %get3A_356 : vector<16xf32>
          %get3A_358 = arith.constant 0 : i32
          %get3A_359 = arith.index_cast %get3A_358 : i32 to index
          %get3A_360 = arith.index_cast %scan3A_167 : i32 to index
          %get3A_361 = arith.constant 96 : index
          %get3A_362 = tpu.vector_load %arg9[%get3A_359, %get3A_360, %get3A_361] {strides = array<i32>} : memref<2x128x128xf32, #tpu.memory_space<vmem>>, vector<1x1x16xf32>,
          %get3A_363 = vector.shape_cast %get3A_362 : vector<1x1x16xf32> to vector<16xf32>
          %add3A_364 = arith.addf %add3A_357, %get3A_363 : vector<16xf32>
          %max3A_365 = arith.constant 0.000000e+00 : f32
          %max3A_366 = vector.broadcast %max3A_365 : f32 to vector<16xf32>
          %max3A_367 = arith.maximumf %add3A_364, %max3A_366 : vector<16xf32>
          %swap3A_368 = arith.constant 0 : i32
          %swap3A_369 = arith.index_cast %swap3A_368 : i32 to index
          %swap3A_370 = arith.index_cast %scan3A_167 : i32 to index
          %swap3A_371 = arith.constant 96 : index
          %swap3A_372 = tpu.vector_load %arg7[%swap3A_369, %swap3A_370, %swap3A_371] {strides = array<i32>} : memref<2x128x128xf32, #tpu.memory_space<vmem>>, vector<1x1x16xf32>,
          %swap3A_373 = vector.shape_cast %swap3A_372 : vector<1x1x16xf32> to vector<16xf32>
          %swap3A_374 = vector.shape_cast %max3A_367 : vector<16xf32> to vector<1x1x16xf32>
          tpu.vector_store %arg7[%swap3A_369, %swap3A_370, %swap3A_371], %swap3A_374 {strides = array<i32>} : memref<2x128x128xf32, #tpu.memory_space<vmem>>, vector<1x1x16xf32>,
          %get3A_375 = arith.constant 0 : i32
          %get3A_376 = arith.index_cast %get3A_375 : i32 to index
          %get3A_377 = arith.index_cast %scan3A_167 : i32 to index
          %get3A_378 = arith.constant 112 : index
          %get3A_379 = tpu.vector_load %arg7[%get3A_376, %get3A_377, %get3A_378] {strides = array<i32>} : memref<2x128x128xf32, #tpu.memory_space<vmem>>, vector<1x1x16xf32>,
          %get3A_380 = vector.shape_cast %get3A_379 : vector<1x1x16xf32> to vector<16xf32>
          %get3A_381 = arith.constant 0 : i32
          %get3A_382 = arith.index_cast %get3A_381 : i32 to index
          %get3A_383 = arith.index_cast %scan3A_167 : i32 to index
          %get3A_384 = arith.constant 112 : index
          %get3A_385 = tpu.vector_load %arg8[%get3A_382, %get3A_383, %get3A_384] {strides = array<i32>} : memref<2x128x128xf32, #tpu.memory_space<vmem>>, vector<1x1x16xf32>,
          %get3A_386 = vector.shape_cast %get3A_385 : vector<1x1x16xf32> to vector<16xf32>
          %add3A_387 = arith.addf %get3A_380, %get3A_386 : vector<16xf32>
          %get3A_388 = arith.constant 0 : i32
          %get3A_389 = arith.index_cast %get3A_388 : i32 to index
          %get3A_390 = arith.index_cast %scan3A_167 : i32 to index
          %get3A_391 = arith.constant 112 : index
          %get3A_392 = tpu.vector_load %arg9[%get3A_389, %get3A_390, %get3A_391] {strides = array<i32>} : memref<2x128x128xf32, #tpu.memory_space<vmem>>, vector<1x1x16xf32>,
          %get3A_393 = vector.shape_cast %get3A_392 : vector<1x1x16xf32> to vector<16xf32>
          %add3A_394 = arith.addf %add3A_387, %get3A_393 : vector<16xf32>
          %max3A_395 = arith.constant 0.000000e+00 : f32
          %max3A_396 = vector.broadcast %max3A_395 : f32 to vector<16xf32>
          %max3A_397 = arith.maximumf %add3A_394, %max3A_396 : vector<16xf32>
          %swap3A_398 = arith.constant 0 : i32
          %swap3A_399 = arith.index_cast %swap3A_398 : i32 to index
          %swap3A_400 = arith.index_cast %scan3A_167 : i32 to index
          %swap3A_401 = arith.constant 112 : index
          %swap3A_402 = tpu.vector_load %arg7[%swap3A_399, %swap3A_400, %swap3A_401] {strides = array<i32>} : memref<2x128x128xf32, #tpu.memory_space<vmem>>, vector<1x1x16xf32>,
          %swap3A_403 = vector.shape_cast %swap3A_402 : vector<1x1x16xf32> to vector<16xf32>
          %swap3A_404 = vector.shape_cast %max3A_397 : vector<16xf32> to vector<1x1x16xf32>
          tpu.vector_store %arg7[%swap3A_399, %swap3A_400, %swap3A_401], %swap3A_404 {strides = array<i32>} : memref<2x128x128xf32, #tpu.memory_space<vmem>>, vector<1x1x16xf32>,
        }
        %scan3A_150 = arith.constant 128 : i32
        %dma_start3A_151 = arith.constant 0 : i32
        %dma_start3A_152 = arith.constant 0 : i32
        %dma_start3A_153 = arith.constant 0 : i32
        %dma_start3A_154 = arith.constant 0 : i32
        %dma_start3A_155 = tpu.memref_slice %arg7[%dma_start3A_151, %dma_start3A_153, %dma_start3A_154] : memref<2x128x128xf32, #tpu.memory_space<vmem>> -> memref<1x128x128xf32, #tpu.memory_space<vmem>>
        %dma_start3A_156 = tpu.memref_squeeze %dma_start3A_155 : memref<1x128x128xf32, #tpu.memory_space<vmem>> -> memref<128x128xf32, #tpu.memory_space<vmem>>
        %dma_start3A_157 = arith.constant 0 : i32
        %dma_start3A_158 = tpu.memref_slice %arg6[%mul3A_109, %dma_start3A_157] : memref<320000x128xf32, #tpu.memory_space<hbm>> -> memref<128x128xf32, #tpu.memory_space<hbm>>
        %dma_start3A_159 = tpu.memref_slice %arg15[%dma_start3A_152] : memref<2x!tpu.dma_semaphore, #tpu.memory_space<semaphore_mem>> -> memref<1x!tpu.dma_semaphore, #tpu.memory_space<semaphore_mem>>
        %dma_start3A_160 = tpu.memref_squeeze %dma_start3A_159 : memref<1x!tpu.dma_semaphore, #tpu.memory_space<semaphore_mem>> -> memref<!tpu.dma_semaphore, #tpu.memory_space<semaphore_mem>>
        %dma_start3A_161 = arith.constant 0 : i32
        %dma_start3A_162 = tpu.memref_slice %arg6[%mul3A_109, %dma_start3A_161] : memref<320000x128xf32, #tpu.memory_space<hbm>> -> memref<128x128xf32, #tpu.memory_space<hbm>>
        %dma_start3A_163 = arith.constant 0 : i32
        %dma_start3A_164 = arith.constant 0 : i32
        %dma_start3A_165 = tpu.memref_slice %arg7[%dma_start3A_151, %dma_start3A_163, %dma_start3A_164] : memref<2x128x128xf32, #tpu.memory_space<vmem>> -> memref<1x128x128xf32, #tpu.memory_space<vmem>>
        %dma_start3A_166 = tpu.memref_squeeze %dma_start3A_165 : memref<1x128x128xf32, #tpu.memory_space<vmem>> -> memref<128x128xf32, #tpu.memory_space<vmem>>
        tpu.enqueue_dma source(%dma_start3A_166 : memref<128x128xf32, #tpu.memory_space<vmem>>) target(%dma_start3A_162 : memref<128x128xf32, #tpu.memory_space<hbm>>) target_semaphore(%dma_start3A_160 : memref<!tpu.dma_semaphore, #tpu.memory_space<semaphore_mem>>)
      } else {
      }
    }
    %scan3A_28 = arith.constant 40 : i32
    %sub3A = arith.constant 1 : i32
    %sub3A_29 = arith.subi %select_n3A, %sub3A : i32
    %rem3A = arith.constant 2 : i32
    %rem3A_30 = arith.remsi %sub3A_29, %rem3A : i32
    %mul3A_31 = arith.constant 32 : i32
    %mul3A_32 = arith.muli %sub3A_29, %mul3A_31 : i32
    %add3A_33 = arith.addi %add3A, %mul3A_32 : i32
    %mul3A_34 = arith.constant 128 : i32
    %mul3A_35 = arith.muli %add3A_33, %mul3A_34 : i32
    %dma_wait3A = arith.constant 0 : i32
    %dma_wait3A_36 = arith.constant 0 : i32
    %dma_wait3A_37 = tpu.memref_slice %arg7[%rem3A_30, %dma_wait3A, %dma_wait3A_36] : memref<2x128x128xf32, #tpu.memory_space<vmem>> -> memref<1x128x128xf32, #tpu.memory_space<vmem>>
    %dma_wait3A_38 = tpu.memref_squeeze %dma_wait3A_37 : memref<1x128x128xf32, #tpu.memory_space<vmem>> -> memref<128x128xf32, #tpu.memory_space<vmem>>
    %dma_wait3A_39 = arith.constant 0 : i32
    %dma_wait3A_40 = tpu.memref_slice %arg6[%mul3A_35, %dma_wait3A_39] : memref<320000x128xf32, #tpu.memory_space<hbm>> -> memref<128x128xf32, #tpu.memory_space<hbm>>
    %dma_wait3A_41 = tpu.memref_slice %arg15[%rem3A_30] : memref<2x!tpu.dma_semaphore, #tpu.memory_space<semaphore_mem>> -> memref<1x!tpu.dma_semaphore, #tpu.memory_space<semaphore_mem>>
    %dma_wait3A_42 = tpu.memref_squeeze %dma_wait3A_41 : memref<1x!tpu.dma_semaphore, #tpu.memory_space<semaphore_mem>> -> memref<!tpu.dma_semaphore, #tpu.memory_space<semaphore_mem>>
    %dma_wait3A_43 = arith.constant 0 : i32
    %dma_wait3A_44 = tpu.memref_slice %arg6[%mul3A_35, %dma_wait3A_43] : memref<320000x128xf32, #tpu.memory_space<hbm>> -> memref<128x128xf32, #tpu.memory_space<hbm>>
    %dma_wait3A_45 = arith.constant 0 : i32
    %dma_wait3A_46 = arith.constant 0 : i32
    %dma_wait3A_47 = tpu.memref_slice %arg7[%rem3A_30, %dma_wait3A_45, %dma_wait3A_46] : memref<2x128x128xf32, #tpu.memory_space<vmem>> -> memref<1x128x128xf32, #tpu.memory_space<vmem>>
    %dma_wait3A_48 = tpu.memref_squeeze %dma_wait3A_47 : memref<1x128x128xf32, #tpu.memory_space<vmem>> -> memref<128x128xf32, #tpu.memory_space<vmem>>
    tpu.wait_dma2 semaphore(%dma_wait3A_42 : memref<!tpu.dma_semaphore, #tpu.memory_space<semaphore_mem>>) src(%dma_wait3A_48 : memref<128x128xf32, #tpu.memory_space<vmem>>) dst(%dma_wait3A_44 : memref<128x128xf32, #tpu.memory_space<hbm>>)
    return
  }
}

module attributes {stable_mosaic.version = 14 : i64} {
  func.func @_m_body(%arg0: i32, %arg1: memref<16000x128xf32, #tpu.memory_space<vmem>>, %arg2: memref<128x128xf32, #tpu.memory_space<vmem>>, %arg3: memref<128x256xf32, #tpu.memory_space<vmem>>, %arg4: memref<128xf32, #tpu.memory_space<vmem>>, %arg5: memref<16000x128xf32, #tpu.memory_space<vmem>>) attributes {dimension_semantics = [#tpu.dimension_semantics<arbitrary>], iteration_bounds = array<i64: 20>, scalar_prefetch = 0 : i64, scratch_operands = 0 : i64, tpu.core_type = #tpu.core_type<tc>, window_params = [{transform_indices = @transform_0, window_bounds = array<i64: 16000, 128>}, {pipeline_mode = #tpu.pipeline_mode<synchronous>, transform_indices = @transform_1, window_bounds = array<i64: 128, 128>}, {pipeline_mode = #tpu.pipeline_mode<synchronous>, transform_indices = @transform_2, window_bounds = array<i64: 128, 256>}, {pipeline_mode = #tpu.pipeline_mode<synchronous>, transform_indices = @transform_3, window_bounds = array<i64: 128>}, {transform_indices = @transform_4, window_bounds = array<i64: 16000, 128>}]} {
    %get3A = arith.constant 0 : index
    %get3A_0 = arith.constant 0 : index
    %get3A_1 = vector.load %arg2[%get3A, %get3A_0] : memref<128x128xf32, #tpu.memory_space<vmem>>, vector<128x128xf32>
    %get3A_2 = arith.constant 0 : index
    %get3A_3 = arith.constant 0 : index
    %get3A_4 = vector.load %arg3[%get3A_2, %get3A_3] : memref<128x256xf32, #tpu.memory_space<vmem>>, vector<128x256xf32>
    %slice3A = vector.extract_strided_slice %get3A_4 {offsets = [0, 0], sizes = [128, 128], strides = [1, 1]} : vector<128x256xf32> to vector<128x128xf32>
    %transpose3A = tpu.transpose %slice3A, [1, 0] : vector<128x128xf32> -> vector<128x128xf32>
    %dot_general3A = arith.constant dense<0.000000e+00> : vector<128x128xf32>
    %dot_general3A_5 = tpu.matmul %get3A_1, %transpose3A, %dot_general3A {dimension_numbers = #tpu.dot_dimension_numbers<[1], [0], [0], [1], [0, 0, 1, 1], [], []>, precision = #tpu.contract_precision<fp32>, transpose_lhs_hint = false} : vector<128x128xf32>, vector<128x128xf32>, vector<128x128xf32> -> vector<128x128xf32>
    %get3A_6 = arith.constant 0 : index
    %get3A_7 = arith.constant 0 : index
    %get3A_8 = vector.load %arg1[%get3A_6, %get3A_7] : memref<16000x128xf32, #tpu.memory_space<vmem>>, vector<16000x128xf32>
    %dot_general3A_9 = arith.constant dense<0.000000e+00> : vector<16000x128xf32>
    %dot_general3A_10 = tpu.matmul %get3A_8, %dot_general3A_5, %dot_general3A_9 {dimension_numbers = #tpu.dot_dimension_numbers<[1], [0], [0], [1], [0, 0, 1, 1], [], []>, transpose_lhs_hint = false} : vector<16000x128xf32>, vector<128x128xf32>, vector<16000x128xf32> -> vector<16000x128xf32>
    %get3A_11 = arith.constant 0 : index
    %get3A_12 = vector.load %arg4[%get3A_11] : memref<128xf32, #tpu.memory_space<vmem>>, vector<128xf32>
    %broadcast_in_dim3A = vector.shape_cast %get3A_12 : vector<128xf32> to vector<1x128xf32>
    %add3A = vector.broadcast %broadcast_in_dim3A : vector<1x128xf32> to vector<16000x128xf32>
    %add3A_13 = arith.addf %dot_general3A_10, %add3A : vector<16000x128xf32>
    %swap3A = arith.constant 0 : index
    %swap3A_14 = arith.constant 0 : index
    %swap3A_15 = vector.load %arg5[%swap3A, %swap3A_14] : memref<16000x128xf32, #tpu.memory_space<vmem>>, vector<16000x128xf32>
    tpu.vector_store %arg5[%swap3A, %swap3A_14], %add3A_13 {strides = array<i32>} : memref<16000x128xf32, #tpu.memory_space<vmem>>, vector<16000x128xf32>,
    return
  }
  func.func @transform_0(%arg0: i32) -> (i32, i32) {
    %c0_i32 = arith.constant 0 : i32
    %c0_i32_0 = arith.constant 0 : i32
    return %arg0, %c0_i32 : i32, i32
  }
  func.func @transform_1(%arg0: i32) -> (i32, i32) {
    %c0_i32 = arith.constant 0 : i32
    %c0_i32_0 = arith.constant 0 : i32
    %c0_i32_1 = arith.constant 0 : i32
    return %c0_i32, %c0_i32_0 : i32, i32
  }
  func.func @transform_2(%arg0: i32) -> (i32, i32) {
    %c0_i32 = arith.constant 0 : i32
    %c0_i32_0 = arith.constant 0 : i32
    %c0_i32_1 = arith.constant 0 : i32
    return %c0_i32, %c0_i32_0 : i32, i32
  }
  func.func @transform_3(%arg0: i32) -> i32 {
    %c0_i32 = arith.constant 0 : i32
    %c0_i32_0 = arith.constant 0 : i32
    return %c0_i32 : i32
  }
  func.func @transform_4(%arg0: i32) -> (i32, i32) {
    %c0_i32 = arith.constant 0 : i32
    %c0_i32_0 = arith.constant 0 : i32
    return %arg0, %c0_i32 : i32, i32
  }
}

module attributes {stable_mosaic.version = 14 : i64} {
  func.func @_nf2_body(%arg0: i32, %arg1: memref<2048x128xf32, #tpu.memory_space<vmem>>, %arg2: memref<128x128xf32, #tpu.memory_space<vmem>>, %arg3: memref<128xf32, #tpu.memory_space<vmem>>, %arg4: memref<2048x128xf32, #tpu.memory_space<vmem>>) attributes {dimension_semantics = [#tpu.dimension_semantics<arbitrary>], iteration_bounds = array<i64: 5>, scalar_prefetch = 0 : i64, scratch_operands = 0 : i64, tpu.core_type = #tpu.core_type<tc>, window_params = [{transform_indices = @transform_0, window_bounds = array<i64: 2048, 128>}, {pipeline_mode = #tpu.pipeline_mode<synchronous>, transform_indices = @transform_1, window_bounds = array<i64: 128, 128>}, {pipeline_mode = #tpu.pipeline_mode<synchronous>, transform_indices = @transform_2, window_bounds = array<i64: 128>}, {transform_indices = @transform_3, window_bounds = array<i64: 2048, 128>}]} {
    %get3A = arith.constant 0 : index
    %get3A_0 = arith.constant 0 : index
    %get3A_1 = vector.load %arg1[%get3A, %get3A_0] : memref<2048x128xf32, #tpu.memory_space<vmem>>, vector<2048x128xf32>
    %get3A_2 = arith.constant 0 : index
    %get3A_3 = arith.constant 0 : index
    %get3A_4 = vector.load %arg2[%get3A_2, %get3A_3] : memref<128x128xf32, #tpu.memory_space<vmem>>, vector<128x128xf32>
    %dot_general3A = arith.constant dense<0.000000e+00> : vector<2048x128xf32>
    %dot_general3A_5 = tpu.matmul %get3A_1, %get3A_4, %dot_general3A {dimension_numbers = #tpu.dot_dimension_numbers<[1], [0], [0], [1], [0, 0, 1, 1], [], []>, precision = #tpu.contract_precision<fp32>, transpose_lhs_hint = false} : vector<2048x128xf32>, vector<128x128xf32>, vector<2048x128xf32> -> vector<2048x128xf32>
    %get3A_6 = arith.constant 0 : index
    %get3A_7 = vector.load %arg3[%get3A_6] : memref<128xf32, #tpu.memory_space<vmem>>, vector<128xf32>
    %broadcast_in_dim3A = vector.shape_cast %get3A_7 : vector<128xf32> to vector<1x128xf32>
    %add3A = vector.broadcast %broadcast_in_dim3A : vector<1x128xf32> to vector<2048x128xf32>
    %add3A_8 = arith.addf %dot_general3A_5, %add3A : vector<2048x128xf32>
    %max3A = arith.constant 0.000000e+00 : f32
    %max3A_9 = vector.broadcast %max3A : f32 to vector<2048x128xf32>
    %max3A_10 = arith.maximumf %add3A_8, %max3A_9 : vector<2048x128xf32>
    %swap3A = arith.constant 0 : index
    %swap3A_11 = arith.constant 0 : index
    %swap3A_12 = vector.load %arg4[%swap3A, %swap3A_11] : memref<2048x128xf32, #tpu.memory_space<vmem>>, vector<2048x128xf32>
    tpu.vector_store %arg4[%swap3A, %swap3A_11], %max3A_10 {strides = array<i32>} : memref<2048x128xf32, #tpu.memory_space<vmem>>, vector<2048x128xf32>,
    return
  }
  func.func @transform_0(%arg0: i32) -> (i32, i32) {
    %c0_i32 = arith.constant 0 : i32
    %c0_i32_0 = arith.constant 0 : i32
    return %arg0, %c0_i32 : i32, i32
  }
  func.func @transform_1(%arg0: i32) -> (i32, i32) {
    %c0_i32 = arith.constant 0 : i32
    %c0_i32_0 = arith.constant 0 : i32
    %c0_i32_1 = arith.constant 0 : i32
    return %c0_i32, %c0_i32_0 : i32, i32
  }
  func.func @transform_2(%arg0: i32) -> i32 {
    %c0_i32 = arith.constant 0 : i32
    %c0_i32_0 = arith.constant 0 : i32
    return %c0_i32 : i32
  }
  func.func @transform_3(%arg0: i32) -> (i32, i32) {
    %c0_i32 = arith.constant 0 : i32
    %c0_i32_0 = arith.constant 0 : i32
    return %arg0, %c0_i32 : i32, i32
  }
}

module attributes {stable_mosaic.version = 14 : i64} {
  func.func @_tables_body(%arg0: i32, %arg1: memref<2x2048x128xf32, #tpu.memory_space<vmem>>, %arg2: memref<2x10240xf32, #tpu.memory_space<vmem>>, %arg3: memref<2048x128xf32, #tpu.memory_space<vmem>>, %arg4: memref<128x128xf32, #tpu.memory_space<vmem>>, %arg5: memref<128x256xf32, #tpu.memory_space<vmem>>, %arg6: memref<2048x128xf32, #tpu.memory_space<vmem>>, %arg7: memref<2048x128xf32, #tpu.memory_space<vmem>>) attributes {dimension_semantics = [#tpu.dimension_semantics<arbitrary>], iteration_bounds = array<i64: 5>, scalar_prefetch = 0 : i64, scratch_operands = 0 : i64, tpu.core_type = #tpu.core_type<tc>, window_params = [{transform_indices = @transform_0, window_bounds = array<i64: 2, 2048, 128>}, {pipeline_mode = #tpu.pipeline_mode<synchronous>, transform_indices = @transform_1, window_bounds = array<i64: 2, 10240>}, {transform_indices = @transform_2, window_bounds = array<i64: 2048, 128>}, {pipeline_mode = #tpu.pipeline_mode<synchronous>, transform_indices = @transform_3, window_bounds = array<i64: 128, 128>}, {pipeline_mode = #tpu.pipeline_mode<synchronous>, transform_indices = @transform_4, window_bounds = array<i64: 128, 256>}, {transform_indices = @transform_5, window_bounds = array<i64: 2048, 128>}, {transform_indices = @transform_6, window_bounds = array<i64: 2048, 128>}]} {
    %get3A = arith.constant 0 : index
    %get3A_0 = arith.constant 0 : index
    %get3A_1 = arith.constant 0 : index
    %get3A_2 = vector.load %arg1[%get3A, %get3A_0, %get3A_1] : memref<2x2048x128xf32, #tpu.memory_space<vmem>>, vector<1x2048x128xf32>
    %get3A_3 = vector.shape_cast %get3A_2 : vector<1x2048x128xf32> to vector<2048x128xf32>
    %get3A_4 = arith.constant 1 : index
    %get3A_5 = arith.constant 0 : index
    %get3A_6 = arith.constant 0 : index
    %get3A_7 = vector.load %arg1[%get3A_4, %get3A_5, %get3A_6] : memref<2x2048x128xf32, #tpu.memory_space<vmem>>, vector<1x2048x128xf32>
    %get3A_8 = vector.shape_cast %get3A_7 : vector<1x2048x128xf32> to vector<2048x128xf32>
    %add3A = arith.addf %get3A_3, %get3A_8 : vector<2048x128xf32>
    %mul3A = arith.constant 2048 : i32
    %mul3A_9 = arith.muli %arg0, %mul3A : i32
    %get3A_10 = arith.constant 0 : index
    %get3A_11 = arith.index_cast %mul3A_9 : i32 to index
    %get3A_12 = vector.load %arg2[%get3A_10, %get3A_11] : memref<2x10240xf32, #tpu.memory_space<vmem>>, vector<1x2048xf32>
    %get3A_13 = vector.shape_cast %get3A_12 : vector<1x2048xf32> to vector<2048xf32>
    %mul3A_14 = arith.constant 2048 : i32
    %mul3A_15 = arith.muli %arg0, %mul3A_14 : i32
    %get3A_16 = arith.constant 1 : index
    %get3A_17 = arith.index_cast %mul3A_15 : i32 to index
    %get3A_18 = vector.load %arg2[%get3A_16, %get3A_17] : memref<2x10240xf32, #tpu.memory_space<vmem>>, vector<1x2048xf32>
    %get3A_19 = vector.shape_cast %get3A_18 : vector<1x2048xf32> to vector<2048xf32>
    %add3A_20 = arith.addf %get3A_13, %get3A_19 : vector<2048xf32>
    %get3A_21 = arith.constant 0 : index
    %get3A_22 = arith.constant 0 : index
    %get3A_23 = vector.load %arg4[%get3A_21, %get3A_22] : memref<128x128xf32, #tpu.memory_space<vmem>>, vector<128x128xf32>
    %dot_general3A = arith.constant dense<0.000000e+00> : vector<2048x128xf32>
    %dot_general3A_24 = tpu.matmul %add3A, %get3A_23, %dot_general3A {dimension_numbers = #tpu.dot_dimension_numbers<[1], [0], [0], [1], [0, 0, 1, 1], [], []>, precision = #tpu.contract_precision<fp32>, transpose_lhs_hint = false} : vector<2048x128xf32>, vector<128x128xf32>, vector<2048x128xf32> -> vector<2048x128xf32>
    %max3A = arith.constant 1.000000e+00 : f32
    %max3A_25 = vector.broadcast %max3A : f32 to vector<2048xf32>
    %max3A_26 = arith.maximumf %add3A_20, %max3A_25 : vector<2048xf32>
    %broadcast_in_dim3A = vector.shape_cast %max3A_26 : vector<2048xf32> to vector<2048x1xf32>
    %div3A = vector.broadcast %broadcast_in_dim3A : vector<2048x1xf32> to vector<2048x128xf32>
    %div3A_27 = arith.divf %dot_general3A_24, %div3A : vector<2048x128xf32>
    %get3A_28 = arith.constant 0 : index
    %get3A_29 = arith.constant 0 : index
    %get3A_30 = vector.load %arg3[%get3A_28, %get3A_29] : memref<2048x128xf32, #tpu.memory_space<vmem>>, vector<2048x128xf32>
    %get3A_31 = arith.constant 0 : index
    %get3A_32 = arith.constant 0 : index
    %get3A_33 = vector.load %arg5[%get3A_31, %get3A_32] : memref<128x256xf32, #tpu.memory_space<vmem>>, vector<128x256xf32>
    %slice3A = vector.extract_strided_slice %get3A_33 {offsets = [0, 128], sizes = [128, 128], strides = [1, 1]} : vector<128x256xf32> to vector<128x128xf32>
    %transpose3A = tpu.transpose %slice3A, [1, 0] : vector<128x128xf32> -> vector<128x128xf32>
    %dot_general3A_34 = arith.constant dense<0.000000e+00> : vector<2048x128xf32>
    %dot_general3A_35 = tpu.matmul %get3A_30, %transpose3A, %dot_general3A_34 {dimension_numbers = #tpu.dot_dimension_numbers<[1], [0], [0], [1], [0, 0, 1, 1], [], []>, precision = #tpu.contract_precision<fp32>, transpose_lhs_hint = false} : vector<2048x128xf32>, vector<128x128xf32>, vector<2048x128xf32> -> vector<2048x128xf32>
    %mul3A_36 = arith.constant 5.000000e-01 : f32
    %mul3A_37 = vector.broadcast %mul3A_36 : f32 to vector<2048x128xf32>
    %mul3A_38 = arith.mulf %mul3A_37, %dot_general3A_35 : vector<2048x128xf32>
    %get3A_39 = arith.constant 0 : index
    %get3A_40 = arith.constant 0 : index
    %get3A_41 = vector.load %arg5[%get3A_39, %get3A_40] : memref<128x256xf32, #tpu.memory_space<vmem>>, vector<128x256xf32>
    %slice3A_42 = vector.extract_strided_slice %get3A_41 {offsets = [0, 0], sizes = [128, 128], strides = [1, 1]} : vector<128x256xf32> to vector<128x128xf32>
    %transpose3A_43 = tpu.transpose %slice3A_42, [1, 0] : vector<128x128xf32> -> vector<128x128xf32>
    %dot_general3A_44 = arith.constant dense<0.000000e+00> : vector<2048x128xf32>
    %dot_general3A_45 = tpu.matmul %div3A_27, %transpose3A_43, %dot_general3A_44 {dimension_numbers = #tpu.dot_dimension_numbers<[1], [0], [0], [1], [0, 0, 1, 1], [], []>, precision = #tpu.contract_precision<fp32>, transpose_lhs_hint = false} : vector<2048x128xf32>, vector<128x128xf32>, vector<2048x128xf32> -> vector<2048x128xf32>
    %add3A_46 = arith.addf %dot_general3A_45, %mul3A_38 : vector<2048x128xf32>
    %swap3A = arith.constant 0 : index
    %swap3A_47 = arith.constant 0 : index
    %swap3A_48 = vector.load %arg6[%swap3A, %swap3A_47] : memref<2048x128xf32, #tpu.memory_space<vmem>>, vector<2048x128xf32>
    tpu.vector_store %arg6[%swap3A, %swap3A_47], %add3A_46 {strides = array<i32>} : memref<2048x128xf32, #tpu.memory_space<vmem>>, vector<2048x128xf32>,
    %swap3A_49 = arith.constant 0 : index
    %swap3A_50 = arith.constant 0 : index
    %swap3A_51 = vector.load %arg7[%swap3A_49, %swap3A_50] : memref<2048x128xf32, #tpu.memory_space<vmem>>, vector<2048x128xf32>
    tpu.vector_store %arg7[%swap3A_49, %swap3A_50], %mul3A_38 {strides = array<i32>} : memref<2048x128xf32, #tpu.memory_space<vmem>>, vector<2048x128xf32>,
    return
  }
  func.func @transform_0(%arg0: i32) -> (i32, i32, i32) {
    %c0_i32 = arith.constant 0 : i32
    %c0_i32_0 = arith.constant 0 : i32
    %c0_i32_1 = arith.constant 0 : i32
    return %c0_i32, %arg0, %c0_i32_0 : i32, i32, i32
  }
  func.func @transform_1(%arg0: i32) -> (i32, i32) {
    %c0_i32 = arith.constant 0 : i32
    %c0_i32_0 = arith.constant 0 : i32
    %c0_i32_1 = arith.constant 0 : i32
    return %c0_i32, %c0_i32_0 : i32, i32
  }
  func.func @transform_2(%arg0: i32) -> (i32, i32) {
    %c0_i32 = arith.constant 0 : i32
    %c0_i32_0 = arith.constant 0 : i32
    return %arg0, %c0_i32 : i32, i32
  }
  func.func @transform_3(%arg0: i32) -> (i32, i32) {
    %c0_i32 = arith.constant 0 : i32
    %c0_i32_0 = arith.constant 0 : i32
    %c0_i32_1 = arith.constant 0 : i32
    return %c0_i32, %c0_i32_0 : i32, i32
  }
  func.func @transform_4(%arg0: i32) -> (i32, i32) {
    %c0_i32 = arith.constant 0 : i32
    %c0_i32_0 = arith.constant 0 : i32
    %c0_i32_1 = arith.constant 0 : i32
    return %c0_i32, %c0_i32_0 : i32, i32
  }
  func.func @transform_5(%arg0: i32) -> (i32, i32) {
    %c0_i32 = arith.constant 0 : i32
    %c0_i32_0 = arith.constant 0 : i32
    return %arg0, %c0_i32 : i32, i32
  }
  func.func @transform_6(%arg0: i32) -> (i32, i32) {
    %c0_i32 = arith.constant 0 : i32
    %c0_i32_0 = arith.constant 0 : i32
    return %arg0, %c0_i32 : i32, i32
  }
}

</mosaic_0001>

<sc_bundles>
// kernel: kernel.10.cloned.1.call-start
scs
__scs_entry_jumppad:
0x0: {  	(pc) =	sbr.rel $0x88, $3  }
0x1: {  	(tag) =	ssettag $0x0;
	lr =	simm.s32 $0x1  }
0x2: {  	[smem:$0x3F98] =	sst lr;
	_ =	strace $0xD0000000  }
0x3: {  	_ = 	snop  }
0x4: {  	_ = 	snop  }
0x5: {  	_ = 	snop  }
0x6: {  	_ = 	snop  }
0x7: {  	_ = 	snop  }
__scs_overlays_trampoline_lowered:
0x8: {  	[smem:$0x3FA7] =	sst s0  }
0x9: {  	[smem:$0x3FA8] =	sst s1  }
0xa: {  	[smem:$0x3FA9] =	sst s2  }
0xb: {  	[smem:$0x3FAA] =	sst s3  }
0xc: {  	[smem:$0x3FAB] =	sst s4  }
0xd: {  	[smem:$0x3FAC] =	sst s5  }
0xe: {  	[smem:$0x3FAD] =	sst s6  }
0xf: {  	[smem:$0x3FAE] =	sst s7  }
0x10: {  	[smem:$0x3FAF] =	sst s8  }
0x11: {  	[smem:$0x3FB0] =	sst s9;
	s0 =	simm.s32 @!p0 $0x0  }
0x12: {  	s1 =	sld [smem:$0x3F96];
	s0 =	simm.s32 @p0 $0x1  }
0x13: {  	[smem:$0x3FB1] =	sst s0;
	s0 =	simm.s32 @!p1 $0x0  }
0x14: {  	s2 =	sld [smem:$0x3F95];
	s0 =	simm.s32 @p1 $0x1  }
0x15: {  	[smem:$0x3FB2] =	sst s0;
	s0 =	simm.s32 @!p2 $0x0  }
0x16: {  	s3 =	sld [smem:$0x3FDB];
	s0 =	simm.s32 @p2 $0x1  }
0x17: {  	s4 =	simm.s32 $0x1BF5;
	[smem:$0x3FB4] =	sst s0  }
0x18: {  	s0 =	sld [smem:$0x3F97];
	_ =	swait.ge [sflag:s4], $0x0  }
0x19: {  	s7 =	sld [smem:$0x3F98]  }
0x1a: {  	s8 =	sadd.s32 $0xFFFFE003, lr  }
0x1b: {  	s9 =	sadd.s32 $0xFFFFFEF7, lr;
	s5 =	simm.s32 $0xFFFFFFFF;
	p2 =	slt.u32 s8, $0xFFFFF086  }
0x1c: {  	p1 =	slt.u32 s9, $0xF7A;
	s5 =	simm.s32 @!p2 $0x0  }
0x1d: {  	s5 =	simm.s32 @p1 $0x1;
	p0 =	seq.s32 s7, s2  }
0x1e: {  	s7 =	smul.u32 @!p0 $0xF7A, s2;
	p2 =	seq.s32 @!p0 s5, $0x0  }
0x1f: {  	s9 =	smul.u32 $0xF7A, s1;
	s8 =	simm.s32 @!p0 $0x1BF5;
	p2 =	por !p2, p0  }
0x20: {  	[sflag:s8] =	ssyncset.s32 @!p0 $0xFFFFF086;
	s6 =	sadd.s32 @!p0 s3, s7;
	s7 =	simm.s32 @!p0 $0x108  }
0x21: {  	s3 =	sadd.s32 s3, s9;
	s6 =	sadd.s32 @!p0 $0x88, s6;
	s7 =	simm.s32 @p2 $0x1082  }
0x22: {  	[simem:s7], [sflag:s8] =	dma.local @!p0 [hbm:s6], $0xF7A  }
0x23: {  	s9 =	sor.u32 $0xD0000000, s2;
	s6 =	simm.s32 $0x108;
	_ =	swait.ge @!p0 [sflag:s8], $0x0  }
0x24: {  	s3 =	sadd.s32 $0x88, s3;
	s6 =	simm.s32 @!p1 $0x1082;
	[sflag:s4] =	ssyncset.s32 $0xFFFFF086  }
0x25: {  	[simem:s6], [sflag:s4] =	dma.local [hbm:s3], $0xF7A  }
0x26: {  	[smem:$0x3F98] =	sst s1;
	(tag) =	ssettag s2;
	_ =	strace s9  }
0x27: {  	s1 =	sld [smem:$0x3FA8]  }
0x28: {  	s2 =	sld [smem:$0x3FA9]  }
0x29: {  	s4 =	sld [smem:$0x3FAB]  }
0x2a: {  	p0 =	seq.s32 s5, $0x0;
	s5 =	sld [smem:$0x3FAC]  }
0x2b: {  	s6 =	sld [smem:$0x3FAD]  }
0x2c: {  	s7 =	sld [smem:$0x3FAE]  }
0x2d: {  	s3 =	simm.s32 $0x108;
	s8 =	sld [smem:$0x3FAF]  }
0x2e: {  	s3 =	simm.s32 @!p0 $0x1082;
	s9 =	sld [smem:$0x3FB0]  }
0x2f: {  	lr =	sadd.s32 s0, s3;
	s0 =	sld [smem:$0x3FA7]  }
0x30: {  	s3 =	sld [smem:$0x3FAA]  }
0x31: {  	[smem:$0x3FB3] =	sst s10  }
0x32: {  	s10 =	sld [smem:$0x3FB1];
	_ =	sdelay $0x3  }
0x33: {  	p0 =	seq.s32 s10, $0x1;
	s10 =	sld [smem:$0x3FB3];
	_ =	sdelay $0x3  }
0x34: {  	[smem:$0x3FB3] =	sst s10  }
0x35: {  	s10 =	sld [smem:$0x3FB2];
	_ =	sdelay $0x3  }
0x36: {  	p1 =	seq.s32 s10, $0x1;
	s10 =	sld [smem:$0x3FB3];
	_ =	sdelay $0x3  }
0x37: {  	[smem:$0x3FB3] =	sst s10  }
0x38: {  	s10 =	sld [smem:$0x3FB4]  }
0x39: {  	_ = 	snop;
	(pc) =	sbr.ind lr, $3  }
0x3a: {  	_ = 	snop  }
0x3b: {  	_ = 	snop  }
0x3c: {  	p2 =	seq.s32 s10, $0x1;
	s10 =	sld [smem:$0x3FB3]  }
0x3d: {  	_ =	shalt  }
0x3e: {  	_ =	shalt  }
0x3f: {  	_ =	shalt  }
0x40: {  	_ =	shalt  }
0x41: {  	_ =	shalt  }
0x42: {  	_ =	shalt  }
0x43: {  	_ =	shalt  }
0x44: {  	_ =	shalt  }
0x45: {  	_ =	shalt  }
0x46: {  	_ =	shalt  }
0x47: {  	_ =	shalt  }
0x48: {  	_ =	shalt  }
0x49: {  	_ =	shalt  }
0x4a: {  	_ =	shalt  }
0x4b: {  	_ =	shalt  }
0x4c: {  	_ =	shalt  }
0x4d: {  	_ =	shalt  }
0x4e: {  	_ =	shalt  }
0x4f: {  	_ =	shalt  }
0x50: {  	_ =	shalt  }
0x51: {  	_ =	shalt  }
0x52: {  	_ =	shalt  }
0x53: {  	_ =	shalt  }
0x54: {  	_ =	shalt  }
0x55: {  	_ =	shalt  }
0x56: {  	_ =	shalt  }
0x57: {  	_ =	shalt  }
0x58: {  	_ =	shalt  }
0x59: {  	_ =	shalt  }
0x5a: {  	_ =	shalt  }
0x5b: {  	_ =	shalt  }
0x5c: {  	_ =	shalt  }
0x5d: {  	_ =	shalt  }
0x5e: {  	_ =	shalt  }
0x5f: {  	_ =	shalt  }
0x60: {  	_ =	shalt  }
0x61: {  	_ =	shalt  }
0x62: {  	_ =	shalt  }
0x63: {  	_ =	shalt  }
0x64: {  	_ =	shalt  }
0x65: {  	_ =	shalt  }
0x66: {  	_ =	shalt  }
0x67: {  	_ =	shalt  }
0x68: {  	_ =	shalt  }
0x69: {  	_ =	shalt  }
0x6a: {  	_ =	shalt  }
0x6b: {  	_ =	shalt  }
0x6c: {  	_ =	shalt  }
0x6d: {  	_ =	shalt  }
0x6e: {  	_ =	shalt  }
0x6f: {  	_ =	shalt  }
0x70: {  	_ =	shalt  }
0x71: {  	_ =	shalt  }
0x72: {  	_ =	shalt  }
0x73: {  	_ =	shalt  }
0x74: {  	_ =	shalt  }
0x75: {  	_ =	shalt  }
0x76: {  	_ =	shalt  }
0x77: {  	_ =	shalt  }
0x78: {  	_ =	shalt  }
0x79: {  	_ =	shalt  }
0x7a: {  	_ =	shalt  }
0x7b: {  	_ =	shalt  }
0x7c: {  	_ =	shalt  }
0x7d: {  	_ =	shalt  }
0x7e: {  	_ =	shalt  }
0x7f: {  	_ =	shalt  }
0x80: {  	_ =	shalt  }
0x81: {  	_ =	shalt  }
0x82: {  	_ =	shalt  }
0x83: {  	_ =	shalt  }
0x84: {  	_ =	shalt  }
0x85: {  	_ =	shalt  }
0x86: {  	_ =	shalt  }
0x87: {  	_ =	shalt  }
.Lfunc_end0:
.L_simem_size_0:
called_computation.1_lowered:
.L_overlay_start_0:
0x88: {  	s2 =	sld [smem:$0x3FD9]  }
0x89: {  	s3 =	sld [smem:$0x3FFE];
	_ =	sdelay $0x1  }
0x8a: {  	s1 =	srdreg.scid  }
0x8b: {  	s0 =	sand.u32 $0x1, s1  }
0x8c: {  	s14 =	sshll.u32 s0, $0xA;
	s2 =	sadd.s32 s3, s2  }
0x8d: {  	s2 =	sadd.s32 s2, s14  }
0x8e: {  	[smem:$0x3FBF] =	sst s2  }
0x8f: {  	_ = 	snop  }
0x90: {  	s2 =	sld [smem:$0x3FD0];
	_ =	sdelay $0x2  }
0x91: {  	s15 =	simm.s32 $0xA;
	s4 =	simm.s32 $0x10  }
0x92: {  	[smem:s4], [sflag:s15] =	dma.local [hbm:s2], $0x1  }
0x93: {  	_ =	swait.eq [sflag:s15], $0x1  }
0x94: {  	[sflag:s15] =	ssyncset.done $0x0  }
0x95: {  	[sflag:s15] =	ssyncadd.s32 $0xFFFFFFFF  }
0x96: {  	s16 =	sld [smem:$0x11];
	(tm) =	ssettm $0x1  }
0x97: {  	s17 =	sld [smem:$0x3FFB];
	_ =	sdelay $0x3  }
0x98: {  	_ =	strace s17  }
0x99: {  	s3 =	sld [smem:$0x3FFC];
	_ =	sdelay $0x3  }
0x9a: {  	_ =	strace s3  }
0x9b: {  	s3 =	sld [smem:$0x3FFD];
	_ =	sdelay $0x3  }
0x9c: {  	_ =	strace s3  }
0x9d: {  	_ =	strace $0x8FFFFFFF  }
0x9e: {  	s18 =	sld [smem:$0x3FDB];
	_ =	sdelay $0x1  }
0x9f: {  	s19 =	simm.s32 $_scs_section_size  }
0xa0: {  	s5 =	simm.s32 $_size__tile_overlayer_lowered;
	s6 =	simm.s32 $_tile_overlayer_lowered  }
0xa1: {  	s22 =	simm.s32 $0x1BFF;
	s21 =	sshll.u32 s6, $0x1;
	s3 =	sadd.s32 s19, s18  }
0xa2: {  	s7 =	simm.s32 $0x0;
	s20 =	sshll.u32 s5, $0x1;
	s5 =	sadd.s32 s21, s3  }
0xa3: {  	[timem:s7], [sflag:s22] =	dma.local [hbm:s5], s20  }
0xa4: {  	_ =	swait.ge [sflag:s22], s20  }
0xa5: {  	s4 =	ssub.s32 $0x0, s20;
	[sflag:s22] =	ssyncset.done $0x0  }
0xa6: {  	[sflag:s22] =	ssyncadd.s32 s4;
	_ =	sdelay $0x1  }
0xa7: {  	s23 =	simm.s32 $0x1B8B  }
0xa8: {  	_ =	swait.ge [sflag:s23], $0x1  }
0xa9: {  	[sflag:s23] =	ssyncset.done $0x0  }
0xaa: {  	s25 =	simm.s32 $0x1B8E;
	s24 =	sld [smem:$0x3FFE];
	[sflag:s23] =	ssyncadd.s32 $0xFFFFFFFF  }
0xab: {  	s26 =	simm.s32 $execute0_lowered;
	[smem:$0x3FD2] =	sst s25  }
0xac: {  	s5 =	sshll.u32 s26, $0x1;
	_ =	strace $0x80000049;
	[dreg:$0x1] =	wrdreg $0xFFFFFFFF  }
0xad: {  	s28 =	simm.s32 $_size_execute0_lowered;
	s3 =	sadd.s32 s3, s5;
	[dreg:$0x0] =	wrdreg $0x0  }
0xae: {  	s5 =	sshll.u32 s28, $0x1;
	[dreg:$0x2] =	wrdreg s3  }
0xaf: {  	[dreg:$0x3] =	wrdreg s5  }
0xb0: {  	[dreg:$0x4] =	wrdreg $0xC0  }
0xb1: {  	_ =	task [dreg:s7], $0x5FFFF  }
0xb2: {  	[dreg:$0x1] =	wrdreg $0xFFFFFFFF  }
0xb3: {  	[dreg:$0x0] =	wrdreg $0x60  }
0xb4: {  	[dreg:$0x2] =	wrdreg s24  }
0xb5: {  	[dreg:$0x3] =	wrdreg s16  }
0xb6: {  	[dreg:$0x4] =	wrdreg $0x9  }
0xb7: {  	_ =	task.clear_ibuf [dreg:s7], $0x5FFFF;
	_ =	strace $0x90000049  }
0xb8: {  	s29 =	simm.s32 $0x9;
	_ =	strace $0x8000004B  }
0xb9: {  	_ =	swait.ge [sflag:s29], $0x1  }
0xba: {  	[sflag:s29] =	ssyncadd.s32 $0xFFFFFFFF  }
0xbb: {  	_ =	strace $0x9000004B  }
0xbc: {  	_ =	sfence  }
0xbd: {  	s30 =	sld [smem:$0x0];
	_ =	sdelay $0x2  }
0xbe: {  	s31 =	sshll.u32 s1, $0xD;
	s1 =	sshrl.u32 s1, $0x2  }
0xbf: {  	s3 =	sand.u32 $0x4000, s31;
	s1 =	sadd.s32 s1, s30  }
0xc0: {  	s0 =	sor.u32 s3, s0;
	s1 =	sshll.u32 s1, $0x11  }
0xc1: {  	s0 =	sor.u32 s1, s0  }
0xc2: {  	s0 =	sadd.s32 $0x8F2B, s0  }
0xc3: {  	[sflag:s0] =	ssyncadd.remote.s32 $0x1  }
0xc4: {  	_ =	sfence.sel $0xFFFF  }
0xc5: {  	[dreg:$0x0] =	wrdreg $0xFFFFFFFF;
	(pc) =	sbr.abs _section_cstart, $3  }
0xc6: {  	[dreg:$0x1] =	wrdreg $0xFFFFFFFF  }
0xc7: {  	_ =	task.clear_ibuf [dreg:s7], $0x2FFFF;
	_ =	strace $0x9FFFFFFF  }
0xc8: {  	(tm) =	ssettm $0x7FFFFFFF  }
0xc9: {  	_ =	shalt  }
tec
execute0_lowered:
.L_overlay_start_1:
0x0: {  	(tag) =	ssettag $0x1  }
0x1: {  	s8 =	rddreg [dreg:$0x0]  }
0x2: {  	s1 =	rddreg [dreg:$0x1]  }
0x3: {  	s0 =	rddreg [dreg:$0x2];
	s2 =	simm.s32 $0x0;
	s3 =	srdreg.scid  }
0x4: {  	s14 =	simm.s32 $0x18000;
	s15 =	simm.s32 $0x4000;
	s16 =	simm.s32 $0x0  }
0x5: {  	[smem:$0x7FF] =	sst s2;
	s7 =	sand.u32 $0x1, s3;
	s3 =	stileid.u32  }
0x6: {  	s4 =	sadd.s32 $0x67800, s8;
	s5 =	sadd.s32 $0x16600, s8;
	_ =	strace $0x8000004A  }
0x7: {  	s6 =	sshll.u32 s7, $0x4;
	s11 =	ssub.s32 $0x2, s7;
	s7 =	simm.s32 $0x4F  }
0x8: {  	s9 =	sor.u32 s3, s6;
	s6 =	sadd.s32 $0x549800, s8;
	s12 =	sshrl.u32 s11, $0x1  }
.Ltmp0:
0x9: {  	s10 =	sshll.u32 s9, $0x5;
	p0 =	slt.u32 s9, $0x4;
	(pc) =	sbr.rel .LBB2_1-.Ltmp0, $4  }
0xa: {  	s12 =	ssub.s32 s11, s12;
	s13 =	sshll.u32 s9, $0xB;
	s7 =	simm.s32 @!p0 $0x4E  }
0xb: {  	s9 =	sshll.u32 s9, $0x7;
	s8 =	sadd.s32 s10, s8;
	s31 =	sxor.u32 $0xFFFFFFFF, s7  }
0xc: {  	s10 =	sadd.s32 s4, s13;
	s12 =	smax.u32 s12, $0x1;
	s11 =	sand.u32 $0x1, s31  }
0xd: {  	s13 =	sor.u32 $0x1FFF0000, s13;
	s8 =	sadd.s32 $0x2C00, s8;
	s11 =	sadd.s32 $0x9, s11  }
.LBB2_11:
0xe: {  	s16 =	sadd.s32 $0x1, s16  }
0xf: {  	p0 =	sne.s32 s16, s12  }
.Ltmp1:
0x10: {  	_ = 	snop;
	(pc) =	sbr.rel @!p0 .LBB2_12-.Ltmp1, $4  }
0x11: {  	_ = 	snop  }
0x12: {  	_ =	swait.ge [sflag:s11], $0x4000  }
0x13: {  	[sflag:s11] =	ssyncset.done $0x0  }
0x14: {  	[sflag:s11] =	ssyncadd.s32 $0xFFFFC000  }
.LBB2_1:
.Ltmp2:
0x15: {  	(pc) =	sbr.rel .LBB2_2-.Ltmp2, $3  }
0x16: {  	_ =	sdelay $0x1  }
0x17: {  	[tilespmem:s14], [sflag:$0x1] =	stream.linear.gather [hbm4b:s8+s2], $0x100, $0x38;
	[tilespmem:$0x18200] =	vst v63  }
0x18: {  	s17 =	simm.s32 $0x0  }
.LBB2_10:
0x19: {  	s17 =	sadd.s32 $0x1, s17  }
0x1a: {  	p0 =	sne.s32 s17, $0x28  }
.Ltmp3:
0x1b: {  	_ = 	snop;
	(pc) =	sbr.rel @!p0 .LBB2_11-.Ltmp3, $1  }
0x1c: {  	_ =	sdelay $0x3  }
.LBB2_2:
0x1d: {  	s19 =	sshll.u32 s17, $0x1  }
0x1e: {  	p0 =	sge.u32 s19, s7  }
0x1f: {  	s18 =	simm.s32 @!p0 $0x1  }
0x20: {  	_ =	swait.ge @!p0 [sflag:s18], $0x100  }
0x21: {  	p1 =	seq.s32 s17, $0x0;
	[sflag:s18] =	ssyncset.done @!p0 $0x0  }
0x22: {  	[sflag:s18] =	ssyncadd.s32 @!p0 $0xFFFFFF00;
	s18 =	simm.s32 @!p1 $0x4  }
0x23: {  	_ =	swait.ge @!p1 [sflag:s18], $0x4000  }
0x24: {  	[sflag:s18] =	ssyncset.done @!p1 $0x0  }
0x25: {  	[sflag:s18] =	ssyncadd.s32 @!p1 $0xFFFFC000;
	s18 =	simm.s32 @!p1 $0x6  }
0x26: {  	_ =	swait.ge @!p1 [sflag:s18], $0x4000  }
0x27: {  	[sflag:s18] =	ssyncset.done @!p1 $0x0  }
0x28: {  	[sflag:s18] =	ssyncadd.s32 @!p1 $0xFFFFC000;
	s18 =	simm.s32 @!p1 $0x8  }
0x29: {  	s20 =	sor.u32 $0x1, s19;
	_ =	swait.ge @!p1 [sflag:s18], $0x4000  }
0x2a: {  	p2 =	sge.u32 s20, s7;
	[sflag:s18] =	ssyncset.done @!p1 $0x0  }
0x2b: {  	[sflag:s18] =	ssyncadd.s32 @!p1 $0xFFFFC000;
	s18 =	sshll.u32 @!p2 s20, $0xA  }
0x2c: {  	s21 =	simm.s32 @!p2 $0x0;
	s22 =	simm.s32 @!p2 $0x18100;
	s18 =	sadd.s32 @!p2 s18, s8  }
0x2d: {  	[tilespmem:s22], [sflag:$0x2] =	stream.linear.gather @!p2 [hbm4b:s18+s21], $0x100, $0x38;
	[tilespmem:$0x18200] =	vst v63  }
0x2e: {  	s18 =	simm.s32 @!p1 $0x9  }
0x2f: {  	_ =	swait.ge @!p1 [sflag:s18], $0x4000  }
0x30: {  	s23 =	sshll.u32 s17, $0xD;
	s24 =	simm.s32 @!p0 $0x80;
	[sflag:s18] =	ssyncset.done @!p1 $0x0  }
0x31: {  	s25 =	simm.s32 @!p0 $0x8000;
	[sflag:s18] =	ssyncadd.s32 @!p1 $0xFFFFC000;
	s18 =	simm.s32 @!p0 $0x18000  }
0x32: {  	[tilespmem:s25], [sflag:$0x3] =	stream.indirect.gather @!p0 [hbm4b:s5+s24], $0x80, s18, s24, $0xb8;
	[tilespmem:$0x18200] =	vst v63  }
0x33: {  	s18 =	sor.u32 s9, s23  }
.Ltmp4:
0x34: {  	s23 =	simm.s32 @!p0 $0x18080;
	s25 =	simm.s32 @!p0 $0x10000;
	(pc) =	sbr.rel @p1 .LBB2_6-.Ltmp4, $4  }
0x35: {  	[tilespmem:s25], [sflag:$0x5] =	stream.indirect.gather @!p0 [hbm4b:s6+s24], $0x80, s23, s24, $0xb8;
	[tilespmem:$0x18200] =	vst v63  }
0x36: {  	s23 =	sshll.u32 @!p0 s18, $0x4  }
0x37: {  	s24 =	simm.s32 @!p0 $0x0;
	s23 =	sadd.s32 @!p0 s4, s23  }
0x38: {  	[tilespmem:s24], [sflag:$0x7] =	stream.linear.gather @!p0 [hbm4b:s23+s24], $0x4000, $0x38;
	[tilespmem:$0x18200] =	vst v63  }
0x39: {  	s23 =	simm.s32 $0x0  }
0x3a: {  	v4 =	vld [tilespmem:s23+$0x14000]  }
0x3b: {  	v5 =	vld [tilespmem:s23+$0x14010]  }
0x3c: {  	v3 =	vld [tilespmem:s23+$0x14020]  }
0x3d: {  	v2 =	vld [tilespmem:s23+$0x14030]  }
0x3e: {  	v1 =	vld [tilespmem:s23+$0x14040]  }
0x3f: {  	v0 =	vld [tilespmem:s23+$0x14050]  }
0x40: {  	v12 =	vld [tilespmem:s23+$0xC000]  }
0x41: {  	v17 =	vld [tilespmem:s23+$0xC010]  }
0x42: {  	v11 =	vld [tilespmem:s23+$0xC020]  }
0x43: {  	v10 =	vld [tilespmem:s23+$0xC030]  }
0x44: {  	v9 =	vld [tilespmem:s23+$0xC040]  }
0x45: {  	v8 =	vld [tilespmem:s23+$0xC050]  }
0x46: {  	v7 =	vld [tilespmem:s23+$0xC060]  }
0x47: {  	v6 =	vld [tilespmem:s23+$0xC070]  }
0x48: {  	v18 =	vld [tilespmem:s23+$0x4000]  }
0x49: {  	v19 =	vld [tilespmem:s23+$0x4010]  }
0x4a: {  	v16 =	vld [tilespmem:s23+$0x4020]  }
0x4b: {  	v15 =	vld [tilespmem:s23+$0x4030]  }
0x4c: {  	v14 =	vld [tilespmem:s23+$0x4040]  }
0x4d: {  	v13 =	vld [tilespmem:s23+$0x4050];
	v18 =	vadd.f32 v12, v18  }
0x4e: {  	s24 =	simm.s32 $0x200;
	v17 =	vadd.f32 v17, v19;
	v12 =	vld [tilespmem:s23+$0x4060]  }
.LBB2_4:
0x4f: {  	p3 =	sne.s32 s24, $0xFE00;
	v4 =	vadd.f32 v4, v18;
	v11 =	vadd.f32 v11, v16;
	v16 =	vld [tilespmem:s23+$0x4070]  }
0x50: {  	v5 =	vadd.f32 v5, v17;
	v10 =	vadd.f32 v10, v15;
	v15 =	vld [tilespmem:s23+$0x14060]  }
0x51: {  	s25 =	sshra.s32 s24, $0x2;
	v17 =	vmax.f32 v4, $0.0e+00;
	v3 =	vadd.f32 v3, v11;
	v9 =	vadd.f32 v9, v14;
	v11 =	vld [tilespmem:s23+$0x14070]  }
0x52: {  	v4 =	vld [tilespmem:s25+$0x14000];
	[tilespmem:s23+$0x4000] =	vst v17;
	v14 =	vmax.f32 v5, $0.0e+00;
	v2 =	vadd.f32 v2, v10;
	v8 =	vadd.f32 v8, v13  }
0x53: {  	v5 =	vld [tilespmem:s25+$0x14010];
	[tilespmem:s23+$0x4010] =	vst v14;
	v10 =	vmax.f32 v3, $0.0e+00;
	v1 =	vadd.f32 v1, v9;
	v7 =	vadd.f32 v7, v12  }
0x54: {  	v3 =	vld [tilespmem:s25+$0x14020];
	[tilespmem:s23+$0x4020] =	vst v10;
	v9 =	vmax.f32 v2, $0.0e+00;
	v0 =	vadd.f32 v0, v8;
	v6 =	vadd.f32 v6, v16  }
0x55: {  	v2 =	vld [tilespmem:s25+$0x14030];
	[tilespmem:s23+$0x4030] =	vst v9;
	v8 =	vmax.f32 v1, $0.0e+00;
	v7 =	vadd.f32 v15, v7  }
0x56: {  	v1 =	vld [tilespmem:s25+$0x14040];
	[tilespmem:s23+$0x4040] =	vst v8;
	v8 =	vmax.f32 v0, $0.0e+00;
	v6 =	vadd.f32 v11, v6  }
0x57: {  	v0 =	vld [tilespmem:s25+$0x14050];
	[tilespmem:s23+$0x4050] =	vst v8;
	v7 =	vmax.f32 v7, $0.0e+00  }
0x58: {  	v12 =	vld [tilespmem:s25+$0xC000];
	[tilespmem:s23+$0x4060] =	vst v7;
	v6 =	vmax.f32 v6, $0.0e+00  }
0x59: {  	v17 =	vld [tilespmem:s25+$0xC010];
	[tilespmem:s23+$0x4070] =	vst v6;
	s23 =	smov.u32 s25  }
0x5a: {  	v11 =	vld [tilespmem:s23+$0xC020]  }
0x5b: {  	v10 =	vld [tilespmem:s23+$0xC030]  }
0x5c: {  	v9 =	vld [tilespmem:s23+$0xC040]  }
0x5d: {  	v8 =	vld [tilespmem:s23+$0xC050]  }
0x5e: {  	v7 =	vld [tilespmem:s23+$0xC060]  }
0x5f: {  	v6 =	vld [tilespmem:s23+$0xC070]  }
0x60: {  	v13 =	vld [tilespmem:s23+$0x4000]  }
0x61: {  	v19 =	vld [tilespmem:s23+$0x4010]  }
.Ltmp5:
0x62: {  	v16 =	vld [tilespmem:s23+$0x4020];
	(pc) =	sbr.rel @p3 .LBB2_4-.Ltmp5, $4  }
0x63: {  	v15 =	vld [tilespmem:s23+$0x4030]  }
0x64: {  	v14 =	vld [tilespmem:s23+$0x4040]  }
0x65: {  	v18 =	vadd.f32 v12, v13;
	v13 =	vld [tilespmem:s23+$0x4050]  }
0x66: {  	s24 =	sadd.s32 $0x200, s24;
	v17 =	vadd.f32 v17, v19;
	v12 =	vld [tilespmem:s23+$0x4060]  }
0x67: {  	v4 =	vadd.f32 v4, v18;
	v11 =	vadd.f32 v11, v16;
	v53 =	vld [tilespmem:s23+$0x4070]  }
0x68: {  	v54 =	vld [tilespmem:s23+$0x14060];
	v5 =	vadd.f32 v5, v17;
	v10 =	vadd.f32 v10, v15  }
0x69: {  	v55 =	vld [tilespmem:s23+$0x14070];
	v4 =	vmax.f32 v4, $0.0e+00;
	v3 =	vadd.f32 v3, v11;
	v9 =	vadd.f32 v9, v14  }
0x6a: {  	[tilespmem:s23+$0x4000] =	vst v4;
	v56 =	vmax.f32 v5, $0.0e+00;
	v2 =	vadd.f32 v2, v10;
	v57 =	vadd.f32 v8, v13  }
0x6b: {  	[tilespmem:s23+$0x4010] =	vst v56;
	v3 =	vmax.f32 v3, $0.0e+00;
	v1 =	vadd.f32 v1, v9;
	v58 =	vadd.f32 v7, v12  }
0x6c: {  	[tilespmem:s23+$0x4020] =	vst v3;
	v2 =	vmax.f32 v2, $0.0e+00;
	v0 =	vadd.f32 v0, v57;
	v59 =	vadd.f32 v6, v53  }
0x6d: {  	[tilespmem:s23+$0x4030] =	vst v2;
	v1 =	vmax.f32 v1, $0.0e+00;
	v60 =	vadd.f32 v54, v58  }
0x6e: {  	s24 =	sshll.u32 s17, $0x11;
	[tilespmem:s23+$0x4040] =	vst v1;
	v0 =	vmax.f32 v0, $0.0e+00;
	v61 =	vadd.f32 v55, v59  }
0x6f: {  	s24 =	sadd.s32 s13, s24;
	[tilespmem:s23+$0x4050] =	vst v0;
	v62 =	vmax.f32 v60, $0.0e+00  }
0x70: {  	s24 =	sand.u32 $0x1FFFF800, s24;
	[tilespmem:s23+$0x4060] =	vst v62;
	v63 =	vmax.f32 v61, $0.0e+00  }
0x71: {  	s31 =	sadd.s32 s1, s24;
	[tilespmem:s23+$0x4070] =	vst v63  }
0x72: {  	[hbm4b:s31+s2] =	stream.linear.scatter [tilespmem:s15], [sflag:$0xA], $0x4000, $0x38;
	[tilespmem:$0x18200] =	vst v63  }
.LBB2_6:
0x73: {  	s23 =	simm.s32 @!p2 $0x2  }
0x74: {  	_ =	swait.ge @!p2 [sflag:s23], $0x100  }
0x75: {  	[sflag:s23] =	ssyncset.done @!p2 $0x0  }
0x76: {  	[sflag:s23] =	ssyncadd.s32 @!p2 $0xFFFFFF00;
	s23 =	simm.s32 @!p0 $0x3  }
0x77: {  	_ =	swait.ge @!p0 [sflag:s23], $0x4000  }
0x78: {  	[sflag:s23] =	ssyncset.done @!p0 $0x0  }
0x79: {  	[sflag:s23] =	ssyncadd.s32 @!p0 $0xFFFFC000;
	s23 =	simm.s32 @!p0 $0x5  }
0x7a: {  	_ =	swait.ge @!p0 [sflag:s23], $0x4000  }
0x7b: {  	[sflag:s23] =	ssyncset.done @!p0 $0x0  }
0x7c: {  	[sflag:s23] =	ssyncadd.s32 @!p0 $0xFFFFC000;
	s23 =	simm.s32 @!p0 $0x7  }
0x7d: {  	s24 =	sadd.s32 $0x2, s19;
	_ =	swait.ge @!p0 [sflag:s23], $0x4000  }
0x7e: {  	p3 =	sge.u32 s24, s7;
	[sflag:s23] =	ssyncset.done @!p0 $0x0  }
0x7f: {  	[sflag:s23] =	ssyncadd.s32 @!p0 $0xFFFFC000;
	s23 =	sshll.u32 @!p3 s24, $0xA  }
0x80: {  	s25 =	simm.s32 @!p3 $0x18000;
	s24 =	simm.s32 @!p3 $0x0;
	s23 =	sadd.s32 @!p3 s23, s8  }
0x81: {  	[tilespmem:s25], [sflag:$0x1] =	stream.linear.gather @!p3 [hbm4b:s23+s24], $0x100, $0x38;
	[tilespmem:$0x18200] =	vst v63  }
0x82: {  	p3 =	sge.u32 @!p1 s19, s7  }
0x83: {  	p1 =	por p3, p1  }
0x84: {  	s19 =	simm.s32 @!p1 $0xA  }
0x85: {  	_ =	swait.ge @!p1 [sflag:s19], $0x4000  }
0x86: {  	[sflag:s19] =	ssyncset.done @!p1 $0x0  }
0x87: {  	s23 =	simm.s32 @!p2 $0xC000;
	[sflag:s19] =	ssyncadd.s32 @!p1 $0xFFFFC000;
	s19 =	simm.s32 @!p2 $0x80  }
0x88: {  	[tilespmem:s23], [sflag:$0x4] =	stream.indirect.gather @!p2 [hbm4b:s5+s19], $0x80, s22, s19, $0xb8;
	[tilespmem:$0x18200] =	vst v63  }
.Ltmp6:
0x89: {  	_ = 	snop;
	(pc) =	sbr.rel @p0 .LBB2_10-.Ltmp6, $4  }
0x8a: {  	s20 =	sshll.u32 s20, $0x10;
	s22 =	simm.s32 @!p2 $0x18180;
	s23 =	simm.s32 @!p2 $0x14000  }
0x8b: {  	[tilespmem:s23], [sflag:$0x6] =	stream.indirect.gather @!p2 [hbm4b:s6+s19], $0x80, s22, s19, $0xb8;
	[tilespmem:$0x18200] =	vst v63  }
0x8c: {  	s19 =	sadd.s32 @!p2 s20, s10;
	s20 =	simm.s32 @!p2 $0x4000  }
0x8d: {  	[tilespmem:s20], [sflag:$0x8] =	stream.linear.gather @!p2 [hbm4b:s19+s21], $0x4000, $0x38;
	[tilespmem:$0x18200] =	vst v63  }
0x8e: {  	s19 =	simm.s32 $0x0  }
0x8f: {  	v4 =	vld [tilespmem:s19+$0x10000]  }
0x90: {  	v5 =	vld [tilespmem:s19+$0x10010]  }
0x91: {  	v3 =	vld [tilespmem:s19+$0x10020]  }
0x92: {  	v2 =	vld [tilespmem:s19+$0x10030]  }
0x93: {  	v1 =	vld [tilespmem:s19+$0x10040]  }
0x94: {  	v0 =	vld [tilespmem:s19+$0x10050]  }
0x95: {  	v12 =	vld [tilespmem:s19+$0x8000]  }
0x96: {  	v17 =	vld [tilespmem:s19+$0x8010]  }
0x97: {  	v11 =	vld [tilespmem:s19+$0x8020]  }
0x98: {  	v10 =	vld [tilespmem:s19+$0x8030]  }
0x99: {  	v9 =	vld [tilespmem:s19+$0x8040]  }
0x9a: {  	v8 =	vld [tilespmem:s19+$0x8050]  }
0x9b: {  	v7 =	vld [tilespmem:s19+$0x8060]  }
0x9c: {  	v6 =	vld [tilespmem:s19+$0x8070]  }
0x9d: {  	v18 =	vld [tilespmem:s19+$0x0]  }
0x9e: {  	v19 =	vld [tilespmem:s19+$0x10]  }
0x9f: {  	v16 =	vld [tilespmem:s19+$0x20]  }
0xa0: {  	v15 =	vld [tilespmem:s19+$0x30]  }
0xa1: {  	v14 =	vld [tilespmem:s19+$0x40]  }
0xa2: {  	v13 =	vld [tilespmem:s19+$0x50];
	v18 =	vadd.f32 v12, v18  }
0xa3: {  	s20 =	simm.s32 $0x200;
	v17 =	vadd.f32 v17, v19;
	v12 =	vld [tilespmem:s19+$0x60]  }
.LBB2_8:
0xa4: {  	p0 =	sne.s32 s20, $0xFE00;
	v4 =	vadd.f32 v4, v18;
	v11 =	vadd.f32 v11, v16;
	v16 =	vld [tilespmem:s19+$0x70]  }
0xa5: {  	v5 =	vadd.f32 v5, v17;
	v10 =	vadd.f32 v10, v15;
	v15 =	vld [tilespmem:s19+$0x10060]  }
0xa6: {  	s21 =	sshra.s32 s20, $0x2;
	v17 =	vmax.f32 v4, $0.0e+00;
	v3 =	vadd.f32 v3, v11;
	v9 =	vadd.f32 v9, v14;
	v11 =	vld [tilespmem:s19+$0x10070]  }
0xa7: {  	v4 =	vld [tilespmem:s21+$0x10000];
	[tilespmem:s19+$0x0] =	vst v17;
	v14 =	vmax.f32 v5, $0.0e+00;
	v2 =	vadd.f32 v2, v10;
	v8 =	vadd.f32 v8, v13  }
0xa8: {  	v5 =	vld [tilespmem:s21+$0x10010];
	[tilespmem:s19+$0x10] =	vst v14;
	v10 =	vmax.f32 v3, $0.0e+00;
	v1 =	vadd.f32 v1, v9;
	v7 =	vadd.f32 v7, v12  }
0xa9: {  	v3 =	vld [tilespmem:s21+$0x10020];
	[tilespmem:s19+$0x20] =	vst v10;
	v9 =	vmax.f32 v2, $0.0e+00;
	v0 =	vadd.f32 v0, v8;
	v6 =	vadd.f32 v6, v16  }
0xaa: {  	v2 =	vld [tilespmem:s21+$0x10030];
	[tilespmem:s19+$0x30] =	vst v9;
	v8 =	vmax.f32 v1, $0.0e+00;
	v7 =	vadd.f32 v15, v7  }
0xab: {  	v1 =	vld [tilespmem:s21+$0x10040];
	[tilespmem:s19+$0x40] =	vst v8;
	v8 =	vmax.f32 v0, $0.0e+00;
	v6 =	vadd.f32 v11, v6  }
0xac: {  	v0 =	vld [tilespmem:s21+$0x10050];
	[tilespmem:s19+$0x50] =	vst v8;
	v7 =	vmax.f32 v7, $0.0e+00  }
0xad: {  	v12 =	vld [tilespmem:s21+$0x8000];
	[tilespmem:s19+$0x60] =	vst v7;
	v6 =	vmax.f32 v6, $0.0e+00  }
0xae: {  	v17 =	vld [tilespmem:s21+$0x8010];
	[tilespmem:s19+$0x70] =	vst v6;
	s19 =	smov.u32 s21  }
0xaf: {  	v11 =	vld [tilespmem:s19+$0x8020]  }
0xb0: {  	v10 =	vld [tilespmem:s19+$0x8030]  }
0xb1: {  	v9 =	vld [tilespmem:s19+$0x8040]  }
0xb2: {  	v8 =	vld [tilespmem:s19+$0x8050]  }
0xb3: {  	v7 =	vld [tilespmem:s19+$0x8060]  }
0xb4: {  	v6 =	vld [tilespmem:s19+$0x8070]  }
0xb5: {  	v13 =	vld [tilespmem:s19+$0x0]  }
0xb6: {  	v19 =	vld [tilespmem:s19+$0x10]  }
.Ltmp7:
0xb7: {  	v16 =	vld [tilespmem:s19+$0x20];
	(pc) =	sbr.rel @p0 .LBB2_8-.Ltmp7, $4  }
0xb8: {  	v15 =	vld [tilespmem:s19+$0x30]  }
0xb9: {  	v14 =	vld [tilespmem:s19+$0x40]  }
0xba: {  	v18 =	vadd.f32 v12, v13;
	v13 =	vld [tilespmem:s19+$0x50]  }
0xbb: {  	s20 =	sadd.s32 $0x200, s20;
	v17 =	vadd.f32 v17, v19;
	v12 =	vld [tilespmem:s19+$0x60]  }
0xbc: {  	v4 =	vadd.f32 v4, v18;
	v11 =	vadd.f32 v11, v16;
	v53 =	vld [tilespmem:s19+$0x70]  }
0xbd: {  	v54 =	vld [tilespmem:s19+$0x10060];
	v5 =	vadd.f32 v5, v17;
	v10 =	vadd.f32 v10, v15  }
0xbe: {  	v55 =	vld [tilespmem:s19+$0x10070];
	v4 =	vmax.f32 v4, $0.0e+00;
	v3 =	vadd.f32 v3, v11;
	v9 =	vadd.f32 v9, v14  }
0xbf: {  	[tilespmem:s19+$0x0] =	vst v4;
	v56 =	vmax.f32 v5, $0.0e+00;
	v2 =	vadd.f32 v2, v10;
	v57 =	vadd.f32 v8, v13  }
0xc0: {  	[tilespmem:s19+$0x10] =	vst v56;
	v3 =	vmax.f32 v3, $0.0e+00;
	v1 =	vadd.f32 v1, v9;
	v58 =	vadd.f32 v7, v12  }
0xc1: {  	[tilespmem:s19+$0x20] =	vst v3;
	v2 =	vmax.f32 v2, $0.0e+00;
	v0 =	vadd.f32 v0, v57;
	v59 =	vadd.f32 v6, v53  }
0xc2: {  	[tilespmem:s19+$0x30] =	vst v2;
	v1 =	vmax.f32 v1, $0.0e+00;
	v60 =	vadd.f32 v54, v58  }
.Ltmp8:
0xc3: {  	[tilespmem:s19+$0x40] =	vst v1;
	v0 =	vmax.f32 v0, $0.0e+00;
	v61 =	vadd.f32 v55, v59;
	(pc) =	sbr.rel .LBB2_10-.Ltmp8, $4  }
0xc4: {  	[tilespmem:s19+$0x50] =	vst v0;
	v62 =	vmax.f32 v60, $0.0e+00  }
0xc5: {  	s18 =	sshll.u32 s18, $0x4;
	[tilespmem:s19+$0x60] =	vst v62;
	v63 =	vmax.f32 v61, $0.0e+00  }
0xc6: {  	s18 =	sadd.s32 s1, s18;
	[tilespmem:s19+$0x70] =	vst v63  }
0xc7: {  	[hbm4b:s18+s2] =	stream.linear.scatter [tilespmem:s2], [sflag:$0x9], $0x4000, $0x38;
	[tilespmem:$0x18200] =	vst v63  }
.LBB2_12:
0xc8: {  	_ =	sfence.sel $0x180000  }
0xc9: {  	[bflag:$0x0] =	sbarrier.arrive $0xFFFF  }
0xca: {  	p0 =	sne.s32 s3, $0x0;
	_ =	strace $0x9000004A  }
0xcb: {  	s0 =	sadd.s32 @!p0 $0x100000, s0;
	[bflag:$0x2] =	sbarrier.arrive $0xFFFF  }
0xcc: {  	[sflag:s0] =	ssyncadd.tile.s32 @!p0 $0x1;
	_ =	shalt  }
.Lfunc_end2:
_tile_overlayer_lowered:
.L_overlay_start_2:
0xcd: {  	(tag) =	ssettag $0x2  }
0xce: {  	s0 =	rddreg [dreg:$0x0];
	s2 =	stileid.u32  }
0xcf: {  	s1 =	rddreg [dreg:$0x1];
	p0 =	sne.s32 s2, $0x0  }
0xd0: {  	s3 =	rddreg [dreg:$0x2];
	[bflag:$0x3] =	sbarrier.arrive $0xFFFF;
	s2 =	simm.s32 @!p0 $0x1C0B  }
0xd1: {  	[timem:s3], [sflag:s2] =	dma.local @!p0 [hbm:s0], s1  }
0xd2: {  	s0 =	simm.s32 @!p0 $0xB  }
0xd3: {  	_ =	swait.ge @!p0 [sflag:s0], s1  }
0xd4: {  	s1 =	ssub.s32 @!p0 $0x0, s1;
	[sflag:s0] =	ssyncset.done @!p0 $0x0  }
0xd5: {  	[sflag:s0] =	ssyncadd.s32 @!p0 s1  }
0xd6: {  	[bflag:$0x3] =	sbarrier.arrive $0xFFFF  }
0xd7: {  	_ =	shalt  }

// kernel: kernel.7.cloned.1.call-start
scs
__scs_entry_jumppad:
0x0: {  	(pc) =	sbr.rel $0x88, $3  }
0x1: {  	(tag) =	ssettag $0x0;
	lr =	simm.s32 $0x1  }
0x2: {  	[smem:$0x3F98] =	sst lr;
	_ =	strace $0xD0000000  }
0x3: {  	_ = 	snop  }
0x4: {  	_ = 	snop  }
0x5: {  	_ = 	snop  }
0x6: {  	_ = 	snop  }
0x7: {  	_ = 	snop  }
__scs_overlays_trampoline_lowered:
0x8: {  	[smem:$0x3FA7] =	sst s0  }
0x9: {  	[smem:$0x3FA8] =	sst s1  }
0xa: {  	[smem:$0x3FA9] =	sst s2  }
0xb: {  	[smem:$0x3FAA] =	sst s3  }
0xc: {  	[smem:$0x3FAB] =	sst s4  }
0xd: {  	[smem:$0x3FAC] =	sst s5  }
0xe: {  	[smem:$0x3FAD] =	sst s6  }
0xf: {  	[smem:$0x3FAE] =	sst s7  }
0x10: {  	[smem:$0x3FAF] =	sst s8  }
0x11: {  	[smem:$0x3FB0] =	sst s9;
	s0 =	simm.s32 @!p0 $0x0  }
0x12: {  	s1 =	sld [smem:$0x3F96];
	s0 =	simm.s32 @p0 $0x1  }
0x13: {  	[smem:$0x3FB1] =	sst s0;
	s0 =	simm.s32 @!p1 $0x0  }
0x14: {  	s2 =	sld [smem:$0x3F95];
	s0 =	simm.s32 @p1 $0x1  }
0x15: {  	[smem:$0x3FB2] =	sst s0;
	s0 =	simm.s32 @!p2 $0x0  }
0x16: {  	s3 =	sld [smem:$0x3FDB];
	s0 =	simm.s32 @p2 $0x1  }
0x17: {  	s4 =	simm.s32 $0x1BF5;
	[smem:$0x3FB4] =	sst s0  }
0x18: {  	s0 =	sld [smem:$0x3F97];
	_ =	swait.ge [sflag:s4], $0x0  }
0x19: {  	s7 =	sld [smem:$0x3F98]  }
0x1a: {  	s8 =	sadd.s32 $0xFFFFE003, lr  }
0x1b: {  	s9 =	sadd.s32 $0xFFFFFEF7, lr;
	s5 =	simm.s32 $0xFFFFFFFF;
	p2 =	slt.u32 s8, $0xFFFFF086  }
0x1c: {  	p1 =	slt.u32 s9, $0xF7A;
	s5 =	simm.s32 @!p2 $0x0  }
0x1d: {  	s5 =	simm.s32 @p1 $0x1;
	p0 =	seq.s32 s7, s2  }
0x1e: {  	s7 =	smul.u32 @!p0 $0xF7A, s2;
	p2 =	seq.s32 @!p0 s5, $0x0  }
0x1f: {  	s9 =	smul.u32 $0xF7A, s1;
	s8 =	simm.s32 @!p0 $0x1BF5;
	p2 =	por !p2, p0  }
0x20: {  	[sflag:s8] =	ssyncset.s32 @!p0 $0xFFFFF086;
	s6 =	sadd.s32 @!p0 s3, s7;
	s7 =	simm.s32 @!p0 $0x108  }
0x21: {  	s3 =	sadd.s32 s3, s9;
	s6 =	sadd.s32 @!p0 $0x88, s6;
	s7 =	simm.s32 @p2 $0x1082  }
0x22: {  	[simem:s7], [sflag:s8] =	dma.local @!p0 [hbm:s6], $0xF7A  }
0x23: {  	s9 =	sor.u32 $0xD0000000, s2;
	s6 =	simm.s32 $0x108;
	_ =	swait.ge @!p0 [sflag:s8], $0x0  }
0x24: {  	s3 =	sadd.s32 $0x88, s3;
	s6 =	simm.s32 @!p1 $0x1082;
	[sflag:s4] =	ssyncset.s32 $0xFFFFF086  }
0x25: {  	[simem:s6], [sflag:s4] =	dma.local [hbm:s3], $0xF7A  }
0x26: {  	[smem:$0x3F98] =	sst s1;
	(tag) =	ssettag s2;
	_ =	strace s9  }
0x27: {  	s1 =	sld [smem:$0x3FA8]  }
0x28: {  	s2 =	sld [smem:$0x3FA9]  }
0x29: {  	s4 =	sld [smem:$0x3FAB]  }
0x2a: {  	p0 =	seq.s32 s5, $0x0;
	s5 =	sld [smem:$0x3FAC]  }
0x2b: {  	s6 =	sld [smem:$0x3FAD]  }
0x2c: {  	s7 =	sld [smem:$0x3FAE]  }
0x2d: {  	s3 =	simm.s32 $0x108;
	s8 =	sld [smem:$0x3FAF]  }
0x2e: {  	s3 =	simm.s32 @!p0 $0x1082;
	s9 =	sld [smem:$0x3FB0]  }
0x2f: {  	lr =	sadd.s32 s0, s3;
	s0 =	sld [smem:$0x3FA7]  }
0x30: {  	s3 =	sld [smem:$0x3FAA]  }
0x31: {  	[smem:$0x3FB3] =	sst s10  }
0x32: {  	s10 =	sld [smem:$0x3FB1];
	_ =	sdelay $0x3  }
0x33: {  	p0 =	seq.s32 s10, $0x1;
	s10 =	sld [smem:$0x3FB3];
	_ =	sdelay $0x3  }
0x34: {  	[smem:$0x3FB3] =	sst s10  }
0x35: {  	s10 =	sld [smem:$0x3FB2];
	_ =	sdelay $0x3  }
0x36: {  	p1 =	seq.s32 s10, $0x1;
	s10 =	sld [smem:$0x3FB3];
	_ =	sdelay $0x3  }
0x37: {  	[smem:$0x3FB3] =	sst s10  }
0x38: {  	s10 =	sld [smem:$0x3FB4]  }
0x39: {  	_ = 	snop;
	(pc) =	sbr.ind lr, $3  }
0x3a: {  	_ = 	snop  }
0x3b: {  	_ = 	snop  }
0x3c: {  	p2 =	seq.s32 s10, $0x1;
	s10 =	sld [smem:$0x3FB3]  }
0x3d: {  	_ =	shalt  }
0x3e: {  	_ =	shalt  }
0x3f: {  	_ =	shalt  }
0x40: {  	_ =	shalt  }
0x41: {  	_ =	shalt  }
0x42: {  	_ =	shalt  }
0x43: {  	_ =	shalt  }
0x44: {  	_ =	shalt  }
0x45: {  	_ =	shalt  }
0x46: {  	_ =	shalt  }
0x47: {  	_ =	shalt  }
0x48: {  	_ =	shalt  }
0x49: {  	_ =	shalt  }
0x4a: {  	_ =	shalt  }
0x4b: {  	_ =	shalt  }
0x4c: {  	_ =	shalt  }
0x4d: {  	_ =	shalt  }
0x4e: {  	_ =	shalt  }
0x4f: {  	_ =	shalt  }
0x50: {  	_ =	shalt  }
0x51: {  	_ =	shalt  }
0x52: {  	_ =	shalt  }
0x53: {  	_ =	shalt  }
0x54: {  	_ =	shalt  }
0x55: {  	_ =	shalt  }
0x56: {  	_ =	shalt  }
0x57: {  	_ =	shalt  }
0x58: {  	_ =	shalt  }
0x59: {  	_ =	shalt  }
0x5a: {  	_ =	shalt  }
0x5b: {  	_ =	shalt  }
0x5c: {  	_ =	shalt  }
0x5d: {  	_ =	shalt  }
0x5e: {  	_ =	shalt  }
0x5f: {  	_ =	shalt  }
0x60: {  	_ =	shalt  }
0x61: {  	_ =	shalt  }
0x62: {  	_ =	shalt  }
0x63: {  	_ =	shalt  }
0x64: {  	_ =	shalt  }
0x65: {  	_ =	shalt  }
0x66: {  	_ =	shalt  }
0x67: {  	_ =	shalt  }
0x68: {  	_ =	shalt  }
0x69: {  	_ =	shalt  }
0x6a: {  	_ =	shalt  }
0x6b: {  	_ =	shalt  }
0x6c: {  	_ =	shalt  }
0x6d: {  	_ =	shalt  }
0x6e: {  	_ =	shalt  }
0x6f: {  	_ =	shalt  }
0x70: {  	_ =	shalt  }
0x71: {  	_ =	shalt  }
0x72: {  	_ =	shalt  }
0x73: {  	_ =	shalt  }
0x74: {  	_ =	shalt  }
0x75: {  	_ =	shalt  }
0x76: {  	_ =	shalt  }
0x77: {  	_ =	shalt  }
0x78: {  	_ =	shalt  }
0x79: {  	_ =	shalt  }
0x7a: {  	_ =	shalt  }
0x7b: {  	_ =	shalt  }
0x7c: {  	_ =	shalt  }
0x7d: {  	_ =	shalt  }
0x7e: {  	_ =	shalt  }
0x7f: {  	_ =	shalt  }
0x80: {  	_ =	shalt  }
0x81: {  	_ =	shalt  }
0x82: {  	_ =	shalt  }
0x83: {  	_ =	shalt  }
0x84: {  	_ =	shalt  }
0x85: {  	_ =	shalt  }
0x86: {  	_ =	shalt  }
0x87: {  	_ =	shalt  }
.Lfunc_end0:
.L_simem_size_0:
called_computation_lowered:
.L_overlay_start_0:
0x88: {  	s2 =	sld [smem:$0x3FD9]  }
0x89: {  	s3 =	sld [smem:$0x3FFE];
	_ =	sdelay $0x1  }
0x8a: {  	s1 =	srdreg.scid  }
0x8b: {  	s0 =	sand.u32 $0x1, s1  }
0x8c: {  	s14 =	sshll.u32 s0, $0xA;
	s2 =	sadd.s32 s3, s2  }
0x8d: {  	s2 =	sadd.s32 s2, s14  }
0x8e: {  	[smem:$0x3FBF] =	sst s2  }
0x8f: {  	_ = 	snop  }
0x90: {  	s2 =	sld [smem:$0x3FD0];
	_ =	sdelay $0x2  }
0x91: {  	s4 =	simm.s32 $0xA;
	s5 =	simm.s32 $0x10;
	s15 =	sld [smem:$0x3FC8]  }
0x92: {  	[smem:s5], [sflag:s4] =	dma.local [hbm:s2], $0x1  }
0x93: {  	_ =	swait.eq [sflag:s4], $0x1  }
0x94: {  	[sflag:s4] =	ssyncset.done $0x0  }
0x95: {  	s16 =	sld [smem:$0x10];
	[sflag:s4] =	ssyncadd.s32 $0xFFFFFFFF  }
0x96: {  	s17 =	sld [smem:$0x11];
	(tm) =	ssettm $0x1  }
0x97: {  	s18 =	sld [smem:$0x3FFB];
	_ =	sdelay $0x3  }
0x98: {  	_ =	strace s18  }
0x99: {  	s5 =	sld [smem:$0x3FFC];
	_ =	sdelay $0x3  }
0x9a: {  	_ =	strace s5  }
0x9b: {  	s5 =	sld [smem:$0x3FFD];
	_ =	sdelay $0x3  }
0x9c: {  	_ =	strace s5  }
0x9d: {  	_ =	strace $0x8FFFFFFF  }
0x9e: {  	s19 =	sld [smem:$0x3FDB];
	_ =	sdelay $0x1  }
0x9f: {  	s6 =	simm.s32 $_scs_section_size  }
0xa0: {  	s7 =	simm.s32 $_size__tile_overlayer_lowered;
	s8 =	simm.s32 $_tile_overlayer_lowered  }
0xa1: {  	s22 =	simm.s32 $0x1BFF;
	s21 =	sshll.u32 s8, $0x1;
	s5 =	sadd.s32 s6, s19  }
0xa2: {  	s9 =	simm.s32 $0x0;
	s20 =	sshll.u32 s7, $0x1;
	s7 =	sadd.s32 s21, s5  }
0xa3: {  	[timem:s9], [sflag:s22] =	dma.local [hbm:s7], s20  }
0xa4: {  	_ =	swait.ge [sflag:s22], s20  }
0xa5: {  	s6 =	ssub.s32 $0x0, s20;
	[sflag:s22] =	ssyncset.done $0x0  }
0xa6: {  	[sflag:s22] =	ssyncadd.s32 s6;
	_ =	sdelay $0x1  }
0xa7: {  	s23 =	simm.s32 $0x1B8B  }
0xa8: {  	_ =	swait.ge [sflag:s23], $0x1  }
0xa9: {  	[sflag:s23] =	ssyncset.done $0x0  }
0xaa: {  	s25 =	simm.s32 $0x1B8E;
	s24 =	sld [smem:$0x3FFE];
	[sflag:s23] =	ssyncadd.s32 $0xFFFFFFFF  }
0xab: {  	s26 =	simm.s32 $execute0_lowered;
	[smem:$0x3FD2] =	sst s25  }
0xac: {  	s7 =	sshll.u32 s26, $0x1;
	_ =	strace $0x80000046;
	[dreg:$0x1] =	wrdreg $0xFFFFFFFF  }
0xad: {  	s28 =	simm.s32 $_size_execute0_lowered;
	s5 =	sadd.s32 s5, s7;
	[dreg:$0x0] =	wrdreg $0x0  }
0xae: {  	s7 =	sshll.u32 s28, $0x1;
	[dreg:$0x2] =	wrdreg s5  }
0xaf: {  	[dreg:$0x3] =	wrdreg s7  }
0xb0: {  	[dreg:$0x4] =	wrdreg $0xC0  }
0xb1: {  	_ =	task [dreg:s9], $0x5FFFF  }
0xb2: {  	[dreg:$0x1] =	wrdreg $0xFFFFFFFF  }
0xb3: {  	[dreg:$0x0] =	wrdreg $0x60  }
0xb4: {  	[dreg:$0x2] =	wrdreg s15  }
0xb5: {  	[dreg:$0x3] =	wrdreg s16  }
0xb6: {  	[dreg:$0x4] =	wrdreg s24  }
0xb7: {  	[dreg:$0x5] =	wrdreg s17  }
0xb8: {  	[dreg:$0x6] =	wrdreg $0x0  }
0xb9: {  	[dreg:$0x7] =	wrdreg $0x140000  }
0xba: {  	[dreg:$0x8] =	wrdreg $0x9  }
0xbb: {  	_ =	task.clear_ibuf [dreg:s9], $0x9FFFF;
	_ =	strace $0x90000046  }
0xbc: {  	s29 =	simm.s32 $0x9;
	_ =	strace $0x80000048  }
0xbd: {  	_ =	swait.ge [sflag:s29], $0x1  }
0xbe: {  	[sflag:s29] =	ssyncadd.s32 $0xFFFFFFFF  }
0xbf: {  	_ =	strace $0x90000048  }
0xc0: {  	_ =	sfence  }
0xc1: {  	s30 =	sld [smem:$0x0];
	_ =	sdelay $0x2  }
0xc2: {  	s31 =	sshll.u32 s1, $0xD;
	s1 =	sshrl.u32 s1, $0x2  }
0xc3: {  	s3 =	sand.u32 $0x4000, s31;
	s1 =	sadd.s32 s1, s30  }
0xc4: {  	s0 =	sor.u32 s3, s0;
	s1 =	sshll.u32 s1, $0x11  }
0xc5: {  	s0 =	sor.u32 s1, s0  }
0xc6: {  	s0 =	sadd.s32 $0x8F2B, s0  }
0xc7: {  	[sflag:s0] =	ssyncadd.remote.s32 $0x1  }
0xc8: {  	_ =	sfence.sel $0xFFFF  }
0xc9: {  	[dreg:$0x0] =	wrdreg $0xFFFFFFFF;
	(pc) =	sbr.abs _section_cstart, $3  }
0xca: {  	[dreg:$0x1] =	wrdreg $0xFFFFFFFF  }
0xcb: {  	_ =	task.clear_ibuf [dreg:s9], $0x2FFFF;
	_ =	strace $0x9FFFFFFF  }
0xcc: {  	(tm) =	ssettm $0x7FFFFFFF  }
0xcd: {  	_ =	shalt  }
tec
execute0_lowered:
.L_overlay_start_1:
0x0: {  	(tag) =	ssettag $0x1  }
0x1: {  	s0 =	rddreg [dreg:$0x0]  }
0x2: {  	s4 =	rddreg [dreg:$0x1]  }
0x3: {  	s5 =	rddreg [dreg:$0x2]  }
0x4: {  	s6 =	rddreg [dreg:$0x3]  }
0x5: {  	s1 =	rddreg [dreg:$0x4]  }
0x6: {  	s2 =	rddreg [dreg:$0x5];
	s3 =	simm.s32 $0x0  }
0x7: {  	s8 =	stileid.u32;
	s7 =	srdreg.scid;
	s28 =	simm.s32 $0x50  }
0x8: {  	s29 =	simm.s32 $0x19380;
	s30 =	simm.s32 $0x5;
	s31 =	simm.s32 $0x7  }
0x9: {  	[smem:$0x7FF] =	sst s3;
	s9 =	smul.u32 $0x2800, s8;
	s11 =	sadd.s32 $0x16800, s5  }
0xa: {  	s21 =	sand.u32 $0x1, s7;
	s13 =	smul.u32 $0x50000, s8;
	s24 =	sshll.u32 s8, $0x6  }
0xb: {  	p0 =	sne.s32 s8, $0x0;
	_ =	strace $0x80000047;
	s15 =	smul.u32 $0x28000, s21  }
0xc: {  	[dreg:$0x7] =	wrdreg s11;
	s7 =	sshll.u32 s21, $0x4;
	s18 =	smul.u32 $0x27100, s21  }
0xd: {  	s12 =	ssub.s32 $0x2, s21;
	s21 =	smul.u32 $0x271000, s21;
	s10 =	sadd.s32 s9, s5  }
0xe: {  	s5 =	sadd.s32 s7, s5;
	s14 =	sshrl.u32 s12, $0x1;
	s13 =	sshrl.u32 s13, $0x2  }
0xf: {  	s7 =	sor.u32 s8, s7;
	s12 =	ssub.s32 s12, s14;
	s13 =	sadd.s32 s13, s1  }
0x10: {  	s22 =	smul.u32 $0x2710, s7;
	s10 =	sadd.s32 $0x16E00, s10;
	[dreg:$0x8] =	wrdreg s13  }
0x11: {  	s23 =	smul.u32 $0x27100, s7;
	s5 =	sadd.s32 $0x3EE00, s5;
	[dreg:$0x9] =	wrdreg s10  }
0x12: {  	s7 =	sor.u32 $0x1C09, s24;
	s6 =	sadd.s32 s6, s15;
	[dreg:$0xc] =	wrdreg s5  }
0x13: {  	s15 =	smax.u32 s12, $0x1;
	s25 =	sshrl.u32 s22, $0x3;
	s10 =	sadd.s32 s0, s23  }
0x14: {  	s26 =	sadd.s32 $0xA0, s22;
	s14 =	sadd.s32 $0x50, s22;
	[dreg:$0xd] =	wrdreg s15  }
0x15: {  	s22 =	smul.u32 $0x27100, s8;
	s13 =	sadd.s32 s4, s25;
	[dreg:$0xb] =	wrdreg s10  }
0x16: {  	s16 =	sshrl.u32 s14, $0x3;
	s17 =	sshll.u32 s14, $0x4;
	s19 =	sshrl.u32 s26, $0x3  }
0x17: {  	s20 =	sshll.u32 s26, $0x4;
	[dreg:$0xa] =	wrdreg s13;
	s5 =	sadd.s32 s4, s16  }
0x18: {  	s16 =	smul.u32 $0x2710, s8;
	s15 =	sadd.s32 s0, s20;
	s20 =	simm.s32 $0x19280  }
0x19: {  	s8 =	simm.s32 $0x0;
	[dreg:$0xe] =	wrdreg s5;
	s5 =	sadd.s32 s0, s17  }
0x1a: {  	s0 =	sadd.s32 s21, s0;
	s21 =	simm.s32 $0x14280;
	[dreg:$0xf] =	wrdreg s5  }
0x1b: {  	s5 =	sadd.s32 s4, s19;
	s23 =	sadd.s32 s16, s18;
	s0 =	sadd.s32 s22, s0  }
0x1c: {  	s19 =	simm.s32 $0x9;
	s22 =	simm.s32 $0x19300;
	[dreg:$0x10] =	wrdreg s5  }
0x1d: {  	s24 =	sadd.s32 $0x140, s23;
	s11 =	sadd.s32 $0xF0, s23;
	s16 =	sadd.s32 $0x1400, s0  }
0x1e: {  	s23 =	simm.s32 $0x16A80;
	s0 =	simm.s32 $0x2;
	s5 =	simm.s32 $0x6  }
0x1f: {  	s25 =	sshrl.u32 s24, $0x3;
	s26 =	sshrl.u32 s11, $0x3;
	s24 =	sadd.s32 s9, s6  }
0x20: {  	s6 =	simm.s32 $0x8;
	s17 =	sadd.s32 s25, s4;
	s18 =	sadd.s32 s26, s4  }
0x21: {  	v0 =	vimm.f32 $1.000000000e+00;
	s25 =	simm.s32 $0x1;
	s26 =	simm.s32 $0x3;
	s4 =	simm.s32 $0x4  }
.LBB2_1:
0x22: {  	s9 =	rddreg [dreg:$0x8]  }
0x23: {  	s12 =	rddreg [dreg:$0x9];
	s10 =	sshrl.u32 s9, $0x3  }
0x24: {  	[spmem:s10], [sflag:s7] =	dma.local [hbm:s12], $0x2800  }
0x25: {  	_ =	swait.ge [sflag:s19], $0x2800  }
0x26: {  	[sflag:s19] =	ssyncset.done $0x0  }
0x27: {  	s9 =	sshrl.u32 @!p0 s2, $0x3;
	s11 =	rddreg [dreg:$0x7];
	[sflag:s19] =	ssyncadd.s32 $0xFFFFD800  }
0x28: {  	[spmem:s9], [sflag:s7] =	dma.local @!p0 [hbm:s11], $0x500  }
0x29: {  	s11 =	simm.s32 @!p0 $0x9  }
0x2a: {  	_ =	swait.ge @!p0 [sflag:s11], $0x500  }
0x2b: {  	[sflag:s11] =	ssyncset.done @!p0 $0x0  }
0x2c: {  	[sflag:s11] =	ssyncadd.s32 @!p0 $0xFFFFFB00  }
0x2d: {  	[tilespmem:$0x19380] =	vst v0  }
0x2e: {  	[tilespmem:$0x19390] =	vst v0  }
0x2f: {  	[tilespmem:$0x193A0] =	vst v0  }
0x30: {  	[tilespmem:$0x193B0] =	vst v0  }
0x31: {  	[tilespmem:$0x193C0] =	vst v0  }
0x32: {  	[bflag:$0x0] =	sbarrier.arrive $0xFFFF  }
0x33: {  	s13 =	rddreg [dreg:$0xa]  }
0x34: {  	[tilespmem:s20], [sflag:$0x1] =	stream.linear.gather [hbm4b:s13+s3], $0x50, $0x38;
	[tilespmem:$0x19400] =	vst v63  }
0x35: {  	s14 =	rddreg [dreg:$0xb]  }
0x36: {  	[tilespmem:s21], [sflag:$0x3] =	stream.linear.gather [hbm4b:s14+s3], $0x2800, $0x38;
	[tilespmem:$0x19400] =	vst v63  }
0x37: {  	s12 =	rddreg [dreg:$0xe]  }
0x38: {  	[tilespmem:s22], [sflag:$0x2] =	stream.linear.gather [hbm4b:s12+s3], $0x50, $0x38;
	[tilespmem:$0x19400] =	vst v63  }
0x39: {  	s13 =	rddreg [dreg:$0xf]  }
0x3a: {  	[tilespmem:s23], [sflag:$0x4] =	stream.linear.gather [hbm4b:s13+s3], $0x2800, $0x38;
	[tilespmem:$0x19400] =	vst v63  }
0x3b: {  	_ =	swait.ge [sflag:s25], $0x50  }
0x3c: {  	[sflag:s25] =	ssyncset.done $0x0  }
0x3d: {  	[sflag:s25] =	ssyncadd.s32 $0xFFFFFFB0  }
0x3e: {  	_ =	swait.ge [sflag:s26], $0x2800  }
0x3f: {  	[sflag:s26] =	ssyncset.done $0x0  }
0x40: {  	[sflag:s26] =	ssyncadd.s32 $0xFFFFD800  }
0x41: {  	[spmem:s1] =	stream.indirect.scatter.add.f32 [tilespmem:s21], [sflag:$0x5], $0x80, s20, s28, $0xb8;
	[tilespmem:$0x19400] =	vst v63  }
0x42: {  	_ = 	snop  }
0x43: {  	[spmem:s2] =	stream.indirect.scatter.add.f32 [tilespmem:s29], [sflag:$0x7], $0x1, s20, s28, $0xb8;
	[tilespmem:$0x19400] =	vst v63  }
0x44: {  	_ =	swait.ge [sflag:s30], $0x2800  }
0x45: {  	[sflag:s30] =	ssyncset.done $0x0  }
0x46: {  	[sflag:s30] =	ssyncadd.s32 $0xFFFFD800  }
0x47: {  	_ =	swait.ge [sflag:s31], $0x50  }
0x48: {  	[sflag:s31] =	ssyncset.done $0x0  }
0x49: {  	s14 =	rddreg [dreg:$0x10];
	[sflag:s31] =	ssyncadd.s32 $0xFFFFFFB0  }
0x4a: {  	[tilespmem:s20], [sflag:$0x1] =	stream.linear.gather [hbm4b:s14+s3], $0x50, $0x38;
	[tilespmem:$0x19400] =	vst v63  }
0x4b: {  	_ = 	snop  }
0x4c: {  	[tilespmem:s21], [sflag:$0x3] =	stream.linear.gather [hbm4b:s15+s3], $0x2800, $0x38;
	[tilespmem:$0x19400] =	vst v63  }
0x4d: {  	_ =	swait.ge [sflag:s0], $0x50  }
0x4e: {  	[sflag:s0] =	ssyncset.done $0x0  }
0x4f: {  	[sflag:s0] =	ssyncadd.s32 $0xFFFFFFB0  }
0x50: {  	_ =	swait.ge [sflag:s4], $0x2800  }
0x51: {  	[sflag:s4] =	ssyncset.done $0x0  }
0x52: {  	[sflag:s4] =	ssyncadd.s32 $0xFFFFD800  }
0x53: {  	[spmem:s1] =	stream.indirect.scatter.add.f32 [tilespmem:s23], [sflag:$0x6], $0x80, s22, s28, $0xb8;
	[tilespmem:$0x19400] =	vst v63  }
0x54: {  	_ = 	snop  }
0x55: {  	[spmem:s2] =	stream.indirect.scatter.add.f32 [tilespmem:s29], [sflag:$0x8], $0x1, s22, s28, $0xb8;
	[tilespmem:$0x19400] =	vst v63  }
0x56: {  	_ =	swait.ge [sflag:s5], $0x2800  }
0x57: {  	[sflag:s5] =	ssyncset.done $0x0  }
0x58: {  	[sflag:s5] =	ssyncadd.s32 $0xFFFFD800  }
0x59: {  	_ =	swait.ge [sflag:s6], $0x50  }
0x5a: {  	[sflag:s6] =	ssyncset.done $0x0  }
0x5b: {  	s12 =	sadd.s32 $0x0, s18;
	[sflag:s6] =	ssyncadd.s32 $0xFFFFFFB0  }
0x5c: {  	[tilespmem:s22], [sflag:$0x2] =	stream.linear.gather [hbm4b:s12+s3], $0x50, $0x38;
	[tilespmem:$0x19400] =	vst v63  }
0x5d: {  	s13 =	sadd.s32 $0xFFFFFB00, s16  }
0x5e: {  	[tilespmem:s23], [sflag:$0x4] =	stream.linear.gather [hbm4b:s13+s3], $0x2800, $0x38;
	[tilespmem:$0x19400] =	vst v63  }
0x5f: {  	_ =	swait.ge [sflag:s25], $0x50  }
0x60: {  	[sflag:s25] =	ssyncset.done $0x0  }
0x61: {  	[sflag:s25] =	ssyncadd.s32 $0xFFFFFFB0  }
0x62: {  	_ =	swait.ge [sflag:s26], $0x2800  }
0x63: {  	[sflag:s26] =	ssyncset.done $0x0  }
0x64: {  	[sflag:s26] =	ssyncadd.s32 $0xFFFFD800  }
0x65: {  	[spmem:s1] =	stream.indirect.scatter.add.f32 [tilespmem:s21], [sflag:$0x5], $0x80, s20, s28, $0xb8;
	[tilespmem:$0x19400] =	vst v63  }
0x66: {  	_ = 	snop  }
0x67: {  	[spmem:s2] =	stream.indirect.scatter.add.f32 [tilespmem:s29], [sflag:$0x7], $0x1, s20, s28, $0xb8;
	[tilespmem:$0x19400] =	vst v63  }
0x68: {  	_ =	swait.ge [sflag:s30], $0x2800  }
0x69: {  	[sflag:s30] =	ssyncset.done $0x0  }
0x6a: {  	[sflag:s30] =	ssyncadd.s32 $0xFFFFD800  }
0x6b: {  	_ =	swait.ge [sflag:s31], $0x50  }
0x6c: {  	[sflag:s31] =	ssyncset.done $0x0  }
0x6d: {  	s14 =	sadd.s32 $0x0, s17;
	[sflag:s31] =	ssyncadd.s32 $0xFFFFFFB0  }
0x6e: {  	[tilespmem:s20], [sflag:$0x1] =	stream.linear.gather [hbm4b:s14+s3], $0x50, $0x38;
	[tilespmem:$0x19400] =	vst v63  }
0x6f: {  	_ = 	snop  }
0x70: {  	[tilespmem:s21], [sflag:$0x3] =	stream.linear.gather [hbm4b:s16+s3], $0x2800, $0x38;
	[tilespmem:$0x19400] =	vst v63  }
0x71: {  	_ =	swait.ge [sflag:s0], $0x50  }
0x72: {  	[sflag:s0] =	ssyncset.done $0x0  }
0x73: {  	[sflag:s0] =	ssyncadd.s32 $0xFFFFFFB0  }
0x74: {  	_ =	swait.ge [sflag:s4], $0x2800  }
0x75: {  	[sflag:s4] =	ssyncset.done $0x0  }
0x76: {  	s11 =	simm.s32 $0x14;
	s12 =	sadd.s32 $0xA00, s16;
	[sflag:s4] =	ssyncadd.s32 $0xFFFFD800  }
0x77: {  	[spmem:s1] =	stream.indirect.scatter.add.f32 [tilespmem:s23], [sflag:$0x6], $0x80, s22, s28, $0xb8;
	[tilespmem:$0x19400] =	vst v63  }
.LBB2_2:
0x78: {  	[spmem:s2] =	stream.indirect.scatter.add.f32 [tilespmem:s29], [sflag:$0x8], $0x1, s22, s28, $0xb8;
	[tilespmem:$0x19400] =	vst v63  }
0x79: {  	s13 =	smov.u32 s11  }
0x7a: {  	p1 =	sne.s32 s11, $0x4B0;
	s11 =	sadd.s32 $0x14, s11;
	_ =	swait.ge [sflag:s5], $0x2800  }
0x7b: {  	[sflag:s5] =	ssyncset.done $0x0  }
0x7c: {  	[sflag:s5] =	ssyncadd.s32 $0xFFFFD800  }
0x7d: {  	_ =	swait.ge [sflag:s6], $0x50  }
0x7e: {  	[sflag:s6] =	ssyncset.done $0x0  }
0x7f: {  	s14 =	sadd.s32 s13, s18;
	[sflag:s6] =	ssyncadd.s32 $0xFFFFFFB0  }
0x80: {  	[tilespmem:s22], [sflag:$0x2] =	stream.linear.gather [hbm4b:s14+s3], $0x50, $0x38;
	[tilespmem:$0x19400] =	vst v63  }
0x81: {  	s14 =	sadd.s32 $0xFFFFFB00, s12  }
0x82: {  	[tilespmem:s23], [sflag:$0x4] =	stream.linear.gather [hbm4b:s14+s3], $0x2800, $0x38;
	[tilespmem:$0x19400] =	vst v63  }
0x83: {  	_ =	swait.ge [sflag:s25], $0x50  }
0x84: {  	[sflag:s25] =	ssyncset.done $0x0  }
0x85: {  	[sflag:s25] =	ssyncadd.s32 $0xFFFFFFB0  }
0x86: {  	_ =	swait.ge [sflag:s26], $0x2800  }
0x87: {  	[sflag:s26] =	ssyncset.done $0x0  }
0x88: {  	[sflag:s26] =	ssyncadd.s32 $0xFFFFD800  }
0x89: {  	[spmem:s1] =	stream.indirect.scatter.add.f32 [tilespmem:s21], [sflag:$0x5], $0x80, s20, s28, $0xb8;
	[tilespmem:$0x19400] =	vst v63  }
0x8a: {  	_ = 	snop  }
0x8b: {  	[spmem:s2] =	stream.indirect.scatter.add.f32 [tilespmem:s29], [sflag:$0x7], $0x1, s20, s28, $0xb8;
	[tilespmem:$0x19400] =	vst v63  }
0x8c: {  	_ =	swait.ge [sflag:s30], $0x2800  }
0x8d: {  	[sflag:s30] =	ssyncset.done $0x0  }
0x8e: {  	[sflag:s30] =	ssyncadd.s32 $0xFFFFD800  }
0x8f: {  	_ =	swait.ge [sflag:s31], $0x50  }
0x90: {  	[sflag:s31] =	ssyncset.done $0x0  }
0x91: {  	s13 =	sadd.s32 s13, s17;
	[sflag:s31] =	ssyncadd.s32 $0xFFFFFFB0  }
0x92: {  	[tilespmem:s20], [sflag:$0x1] =	stream.linear.gather [hbm4b:s13+s3], $0x50, $0x38;
	[tilespmem:$0x19400] =	vst v63  }
0x93: {  	_ = 	snop  }
0x94: {  	[tilespmem:s21], [sflag:$0x3] =	stream.linear.gather [hbm4b:s12+s3], $0x2800, $0x38;
	[tilespmem:$0x19400] =	vst v63  }
0x95: {  	_ =	swait.ge [sflag:s0], $0x50  }
0x96: {  	[sflag:s0] =	ssyncset.done $0x0  }
0x97: {  	[sflag:s0] =	ssyncadd.s32 $0xFFFFFFB0  }
.Ltmp0:
0x98: {  	_ =	swait.ge [sflag:s4], $0x2800;
	(pc) =	sbr.rel @p1 .LBB2_2-.Ltmp0, $4  }
0x99: {  	[sflag:s4] =	ssyncset.done $0x0  }
0x9a: {  	[sflag:s4] =	ssyncadd.s32 $0xFFFFD800  }
0x9b: {  	[spmem:s1] =	stream.indirect.scatter.add.f32 [tilespmem:s23], [sflag:$0x6], $0x80, s22, s28, $0xb8;
	[tilespmem:$0x19400] =	vst v63  }
0x9c: {  	s12 =	sadd.s32 $0xA00, s12  }
0x9d: {  	[spmem:s2] =	stream.indirect.scatter.add.f32 [tilespmem:s29], [sflag:$0x8], $0x1, s22, s28, $0xb8;
	[tilespmem:$0x19400] =	vst v63  }
0x9e: {  	_ =	swait.ge [sflag:s5], $0x2800  }
0x9f: {  	[sflag:s5] =	ssyncset.done $0x0  }
0xa0: {  	[sflag:s5] =	ssyncadd.s32 $0xFFFFD800  }
0xa1: {  	_ =	swait.ge [sflag:s6], $0x50  }
0xa2: {  	[sflag:s6] =	ssyncset.done $0x0  }
0xa3: {  	[sflag:s6] =	ssyncadd.s32 $0xFFFFFFB0  }
0xa4: {  	_ =	swait.ge [sflag:s25], $0x50  }
0xa5: {  	[sflag:s25] =	ssyncset.done $0x0  }
0xa6: {  	[sflag:s25] =	ssyncadd.s32 $0xFFFFFFB0  }
0xa7: {  	_ =	swait.ge [sflag:s26], $0x2800  }
0xa8: {  	[sflag:s26] =	ssyncset.done $0x0  }
0xa9: {  	[sflag:s26] =	ssyncadd.s32 $0xFFFFD800  }
0xaa: {  	[spmem:s1] =	stream.indirect.scatter.add.f32 [tilespmem:s21], [sflag:$0x5], $0x80, s20, s28, $0xb8;
	[tilespmem:$0x19400] =	vst v63  }
0xab: {  	_ = 	snop  }
0xac: {  	[spmem:s2] =	stream.indirect.scatter.add.f32 [tilespmem:s29], [sflag:$0x7], $0x1, s20, s28, $0xb8;
	[tilespmem:$0x19400] =	vst v63  }
0xad: {  	_ =	swait.ge [sflag:s30], $0x2800  }
0xae: {  	[sflag:s30] =	ssyncset.done $0x0  }
0xaf: {  	[sflag:s30] =	ssyncadd.s32 $0xFFFFD800  }
0xb0: {  	_ =	swait.ge [sflag:s31], $0x50  }
0xb1: {  	[sflag:s31] =	ssyncset.done $0x0  }
0xb2: {  	[sflag:s31] =	ssyncadd.s32 $0xFFFFFFB0  }
0xb3: {  	[bflag:$0x0] =	sbarrier.arrive $0xFFFF  }
0xb4: {  	[hbm:s24], [sflag:s7] =	dma.local [spmem:s10], $0x2800  }
0xb5: {  	_ =	swait.ge [sflag:s19], $0x2800  }
0xb6: {  	s11 =	simm.s32 @!p0 $0x20;
	s12 =	simm.s32 @!p0 $0x10;
	[sflag:s19] =	ssyncset.done $0x0  }
0xb7: {  	s10 =	simm.s32 @!p0 $0x1;
	s13 =	rddreg [dreg:$0xc];
	[sflag:s19] =	ssyncadd.s32 $0xFFFFD800  }
0xb8: {  	[hbm:s13@s11], [sflag:s7] =	dma.strided @!p0 [spmem:s9@s12], $0x500, s10, $0x10   }
0xb9: {  	s9 =	simm.s32 @!p0 $0x9  }
0xba: {  	_ =	swait.ge @!p0 [sflag:s9], $0x500  }
0xbb: {  	s8 =	sadd.s32 $0x1, s8;
	s14 =	rddreg [dreg:$0xd]  }
0xbc: {  	p1 =	sne.s32 s8, s14  }
.Ltmp1:
0xbd: {  	_ = 	snop;
	(pc) =	sbr.rel @p1 .LBB2_1-.Ltmp1, $3  }
0xbe: {  	_ =	sdelay $0x1  }
0xbf: {  	[sflag:s9] =	ssyncset.done @!p0 $0x0  }
0xc0: {  	[sflag:s9] =	ssyncadd.s32 @!p0 $0xFFFFFB00  }
0xc1: {  	_ =	sfence.sel $0x180000  }
0xc2: {  	[bflag:$0x0] =	sbarrier.arrive $0xFFFF  }
0xc3: {  	_ =	strace $0x90000047  }
0xc4: {  	[bflag:$0x2] =	sbarrier.arrive $0xFFFF  }
0xc5: {  	s0 =	rddreg [dreg:$0x6]  }
0xc6: {  	s0 =	sadd.s32 @!p0 $0x100000, s0  }
0xc7: {  	[sflag:s0] =	ssyncadd.tile.s32 @!p0 $0x1;
	_ =	shalt  }
.Lfunc_end2:
_tile_overlayer_lowered:
.L_overlay_start_2:
0xc8: {  	(tag) =	ssettag $0x2  }
0xc9: {  	s0 =	rddreg [dreg:$0x0];
	s2 =	stileid.u32  }
0xca: {  	s1 =	rddreg [dreg:$0x1];
	p0 =	sne.s32 s2, $0x0  }
0xcb: {  	s3 =	rddreg [dreg:$0x2];
	[bflag:$0x3] =	sbarrier.arrive $0xFFFF;
	s2 =	simm.s32 @!p0 $0x1C09  }
0xcc: {  	[timem:s3], [sflag:s2] =	dma.local @!p0 [hbm:s0], s1  }
0xcd: {  	s0 =	simm.s32 @!p0 $0x9  }
0xce: {  	_ =	swait.ge @!p0 [sflag:s0], s1  }
0xcf: {  	s1 =	ssub.s32 @!p0 $0x0, s1;
	[sflag:s0] =	ssyncset.done @!p0 $0x0  }
0xd0: {  	[sflag:s0] =	ssyncadd.s32 @!p0 s1  }
0xd1: {  	[bflag:$0x3] =	sbarrier.arrive $0xFFFF  }
0xd2: {  	_ =	shalt  }

</sc_bundles>
